<compile_context>
chip_gen: v7x
topology: tpu7x:2x2x1
jax: 0.10.2.dev20260603
libtpu: 0.0.44.dev20260713+nightly
codegen_flags: <defaults>
</compile_context>

<pallas_src>
import math

import jax
import jax.numpy as jnp
from jax import lax
from jax.experimental import pallas as pl
from jax.experimental.pallas import tpu as pltpu
from jax.experimental.pallas import tpu_sc as plsc

_B = 8
_N = 16
_T = 64
_C = 512
_EMB = 256
_L = _N * _T

_SC_CORES = 2
_SC_SUBCORES = 16
_NW = _SC_CORES * _SC_SUBCORES
_CHUNK = _B * _L // _NW


def _main_body(lens_ref, feat_ref, w_ref, bias_ref,
               proj_ref, pos_ref, mask_ref, att_ref, acc_ref, table_ref):
    b_idx = pl.program_id(0)

    acc_ref[...] = lax.dot_general(
        feat_ref[...], w_ref[...],
        dimension_numbers=(((1,), (1,)), ((), ())),
        preferred_element_type=jnp.float32) + bias_ref[...]

    t_f = lax.broadcasted_iota(jnp.int32, (_T, _EMB), 0).astype(jnp.float32)
    d_i = lax.broadcasted_iota(jnp.int32, (_T, _EMB), 1)
    inv_freq = jnp.exp((d_i // 4).astype(jnp.float32) *
                       (-math.log(10000.0) / (_EMB // 4)))
    ang = t_f * inv_freq
    table_ref[...] = jnp.where((d_i % 2) == 0, jnp.sin(ang), jnp.cos(ang))

    starts = []
    s = 0
    for n in range(_N):
        starts.append(s)
        s = s + lens_ref[b_idx, n]
    total = s

    li_col = lax.broadcasted_iota(jnp.int32, (_L, 1), 0)
    li_row = lax.broadcasted_iota(jnp.int32, (1, _L), 1)
    cnt_c = jnp.zeros((_L, 1), jnp.int32)
    cnt_r = jnp.zeros((1, _L), jnp.int32)
    spos_c = jnp.zeros((_L, 1), jnp.int32)
    for n in range(_N):
        sel_c = li_col >= starts[n]
        cnt_c += sel_c.astype(jnp.int32)
        cnt_r += (li_row >= starts[n]).astype(jnp.int32)
        if n:
            spos_c = jnp.where(sel_c, starts[n], spos_c)
    valid_c = li_col < total
    valid_r = li_row < total
    cap_c = cnt_c - 1
    cap_r = cnt_r - 1

    src_c = jnp.where(valid_c, cap_c * _T + (li_col - spos_c), -1)
    perm = (li_row == src_c).astype(jnp.float32)
    proj_ref[...] = lax.dot_general(
        perm, acc_ref[...],
        dimension_numbers=(((1,), (0,)), ((), ())),
        preferred_element_type=jnp.float32)

    pos_id_c = jnp.where(valid_c, li_col - spos_c, 0)
    t_row = lax.broadcasted_iota(jnp.int32, (1, _T), 1)
    perm_t = (t_row == pos_id_c).astype(jnp.float32)
    pos_ref[...] = lax.dot_general(
        perm_t, table_ref[...],
        dimension_numbers=(((1,), (0,)), ((), ())),
        preferred_element_type=jnp.float32)

    mask_ref[...] = jnp.logical_not(valid_r)
    cpr = jnp.where(valid_r, cap_r, _N + li_row)
    cpc = jnp.where(valid_c, cap_c, _N + li_col)
    att_ref[...] = cpc != cpr


def _sc_body(lens_hbm, cap_hbm, lens_v, cap_v):
    cid = lax.axis_index("c")
    sid = lax.axis_index("s")
    wid = sid * _SC_CORES + cid
    b = wid // 4
    l0 = (wid % 4) * _CHUNK

    pltpu.sync_copy(lens_hbm.at[b], lens_v)
    lens_vec = lens_v[...]

    starts = []
    s = 0
    for n in range(_N):
        starts.append(s)
        s = s + lens_vec[n]
    total = s

    iota16 = lax.iota(jnp.int32, 16)
    total_b = jnp.full((16,), total, jnp.int32)
    starts_b = [None] + [jnp.full((16,), starts[n], jnp.int32)
                         for n in range(1, _N)]
    for k in range(_CHUNK // 16):
        lvec = iota16 + jnp.full((16,), l0 + k * 16, jnp.int32)
        cnt = jnp.zeros((16,), jnp.int32)
        for n in range(1, _N):
            sel = lvec >= starts_b[n]
            cnt = jnp.where(sel, cnt + 1, cnt)
        validv = lvec < total_b
        capv = jnp.where(validv, cnt, -1)
        cap_v[pl.ds(k * 16, 16)] = capv

    pltpu.sync_copy(cap_v, cap_hbm.at[b, pl.ds(l0, _CHUNK)])


def _run_main(feat_flat, lens, w, bias2d):
    return pl.pallas_call(
        _main_body,
        grid=(_B,),
        in_specs=[
            pl.BlockSpec(memory_space=pltpu.SMEM),
            pl.BlockSpec((None, _L, _C), lambda b: (b, 0, 0)),
            pl.BlockSpec((_EMB, _C), lambda b: (0, 0)),
            pl.BlockSpec((1, _EMB), lambda b: (0, 0)),
        ],
        out_specs=[
            pl.BlockSpec((None, _L, _EMB), lambda b: (b, 0, 0)),
            pl.BlockSpec((None, _L, _EMB), lambda b: (b, 0, 0)),
            pl.BlockSpec((None, 1, _L), lambda b: (b, 0, 0)),
            pl.BlockSpec((None, _L, _L), lambda b: (b, 0, 0)),
        ],
        out_shape=[
            jax.ShapeDtypeStruct((_B, _L, _EMB), jnp.float32),
            jax.ShapeDtypeStruct((_B, _L, _EMB), jnp.float32),
            jax.ShapeDtypeStruct((_B, 1, _L), jnp.bool_),
            jax.ShapeDtypeStruct((_B, _L, _L), jnp.bool_),
        ],
        scratch_shapes=[pltpu.VMEM((_L, _EMB), jnp.float32),
                        pltpu.VMEM((_T, _EMB), jnp.float32)],
    )(lens, feat_flat, w, bias2d)


def _run_sc(lens):
    mesh = plsc.VectorSubcoreMesh(core_axis_name="c", subcore_axis_name="s")
    f = pl.kernel(
        _sc_body,
        out_type=[
            jax.ShapeDtypeStruct((_B, _L), jnp.int32),
        ],
        mesh=mesh,
        scratch_types=[
            pltpu.VMEM((_N,), jnp.int32),
            pltpu.VMEM((_CHUNK,), jnp.int32),
        ],
    )
    (cap,) = f(lens)
    return cap


def kernel(batch_feat, batch_mask_lens, W, b):
    feat_flat = batch_feat.reshape(_B, _L, _C)
    bias2d = b.reshape(1, _EMB)
    cap = _run_sc(batch_mask_lens)
    proj, pos, mask3, att = _run_main(feat_flat, batch_mask_lens, W, bias2d)
    return (proj, pos, mask3.reshape(_B, _L), att, cap)

# --- scband reference (transcript-rebuilt; emitter-appended) ---
"""Pipeline reference for scband-text-backbone-77163382440584 (READ-ONLY COPY).

The authoritative reference and input builder live on the scoring server;
editing this copy changes nothing except your own understanding.
"""

import jax, jax.numpy as jnp
import numpy as np

B = 8      # batch of samples
N = 16     # captions per sample
T = 64     # tokens per caption (model max len)
C = 512    # backbone model_dim (CLIP text width)
EMB = 256  # emb_dim


def sine_embedding(pos_ids, dim=EMB, temperature=10000.0):
    # pos_ids: [B, L, 1] int -> [B, L, dim]
    pos = pos_ids.astype(jnp.float32)  # [B, L, 1]
    half = dim // 2
    dim_t = jnp.arange(half, dtype=jnp.float32)
    dim_t = temperature ** (2.0 * jnp.floor(dim_t / 2.0) / half)
    ang = pos / dim_t  # [B, L, half]
    emb = jnp.concatenate([jnp.sin(ang[..., 0::2]), jnp.cos(ang[..., 1::2])], axis=-1)
    # interleave-style stack as common SineEmbedding: stack sin/cos then flatten
    sin = jnp.sin(ang)
    cos = jnp.cos(ang)
    out = jnp.stack([sin, cos], axis=-1).reshape(pos_ids.shape[0], pos_ids.shape[1], dim)
    return out


def setup_inputs(seed=0) -> dict:
    key = jax.random.key(seed)
    k1, k2, k3, k4 = jax.random.split(key, 4)
    batch_feat = jax.random.normal(k1, (B, N, T, C), dtype=jnp.float32)
    # ragged lengths per caption in [1, T]
    lens = jax.random.randint(k2, (B, N), 1, T + 1).astype(jnp.int32)
    # learned params: input_proj Linear(C -> EMB)
    W = jax.random.normal(k3, (EMB, C), dtype=jnp.float32) * (1.0 / np.sqrt(C))
    b = jnp.zeros((EMB,), dtype=jnp.float32)
    return {"batch_feat": batch_feat, "batch_mask_lens": lens, "W": W, "b": b}


def reference(batch_feat, batch_mask_lens, W, b):
    # mask[i, n, t] = t < lens[i, n]
    tok_ids = jnp.arange(T)[None, None, :]
    mask = tok_ids < batch_mask_lens[:, :, None]  # [B, N, T] bool
    L = T * N  # static upper bound for packed length (max over batch is <= N*T)
    # Use the actual dynamic max is not jit-friendly; pack to full N*T and rely on mask.
    flat_mask = mask.reshape(B, N * T)
    num_tokens = flat_mask.sum(axis=1)  # [B]

    # stable packing: order = argsort(~mask) keeps valid tokens first, preserving order
    order = jnp.argsort(jnp.logical_not(flat_mask), axis=1, stable=True)  # [B, N*T]

    flat_feat = batch_feat.reshape(B, N * T, C)
    cap_ids_full = jnp.broadcast_to(jnp.arange(N)[:, None], (N, T)).reshape(N * T)
    pos_ids_full = jnp.broadcast_to(jnp.arange(T)[None, :], (N, T)).reshape(N * T)

    packed_feat = jnp.take_along_axis(flat_feat, order[:, :, None], axis=1)  # [B, L, C]
    packed_cap = cap_ids_full[order]  # [B, L]
    packed_pos = pos_ids_full[order]  # [B, L]

    valid = jnp.arange(L)[None, :] < num_tokens[:, None]  # [B, L] True where real token

    out_feat = jnp.where(valid[:, :, None], packed_feat, 0.0)
    out_cap_ids = jnp.where(valid, packed_cap, -1)
    out_pos_ids = jnp.where(valid, packed_pos, 0).astype(jnp.int64)
    out_mask = jnp.logical_not(valid)  # True = padding (as in torch code)

    # att_mask: start from ~eye(L), then within valid region: ~(cap_i == cap_j)
    eye = jnp.eye(L, dtype=bool)
    base = jnp.logical_not(eye)[None, :, :]
    base = jnp.broadcast_to(base, (B, L, L))
    same_cap = out_cap_ids[:, :, None] == out_cap_ids[:, None, :]  # [B, L, L]
    in_region = valid[:, :, None] & valid[:, None, :]
    out_att_mask = jnp.where(in_region, jnp.logical_not(same_cap), base)

    # input_proj
    proj = out_feat @ W.T + b  # [B, L, EMB]
    pos = sine_embedding(out_pos_ids[:, :, None])  # [B, L, EMB]

    return proj, pos, out_mask, out_att_mask, out_cap_ids

if __name__ == "__main__":
    import jax
    _d = setup_inputs()
    print(jax.jit(kernel)(*tuple(_d.values())))

</pallas_src>

<mosaic_0001>
#map = affine_map<(d0, d1) -> (0, 0)>
module attributes {stable_mosaic.version = 14 : i64} {
  func.func @_sc_body(%arg0: i32, %arg1: i32, %arg2: memref<8x16xi32, #tpu.memory_space<hbm>>, %arg3: memref<8x1024xi32, #tpu.memory_space<hbm>>, %arg4: memref<16xi32, #tpu.memory_space<vmem>>, %arg5: memref<256xi32, #tpu.memory_space<vmem>>) attributes {dimension_semantics = [#tpu.dimension_semantics<core_parallel>, #tpu.dimension_semantics<subcore_parallel>], iteration_bounds = array<i64: 2, 16>, scalar_prefetch = 0 : i64, scratch_operands = 2 : i64, tpu.core_type = #tpu.core_type<sc_vector_subcore>, window_params = [{transform_indices = #map}, {transform_indices = #map}]} {
    %mul3A = arith.constant 2 : i32
    %mul3A_0 = arith.muli %arg1, %mul3A : i32
    %add3A = arith.addi %mul3A_0, %arg0 : i32
    %jit3A = arith.constant 4 : i32
    %div3A = arith.divsi %add3A, %jit3A : i32
    %sign3A = arith.constant 0 : i32
    %sign3A_1 = arith.cmpi sgt, %add3A, %sign3A : i32
    %sign3A_2 = arith.extui %sign3A_1 : i1 to i32
    %sign3A_3 = arith.constant 0 : i32
    %sign3A_4 = arith.cmpi slt, %add3A, %sign3A_3 : i32
    %sign3A_5 = arith.extui %sign3A_4 : i1 to i32
    %sign3A_6 = arith.subi %sign3A_2, %sign3A_5 : i32
    %sign3A_7 = arith.constant 0 : i32
    %sign3A_8 = arith.cmpi sgt, %jit3A, %sign3A_7 : i32
    %sign3A_9 = arith.extui %sign3A_8 : i1 to i32
    %sign3A_10 = arith.constant 0 : i32
    %sign3A_11 = arith.cmpi slt, %jit3A, %sign3A_10 : i32
    %sign3A_12 = arith.extui %sign3A_11 : i1 to i32
    %sign3A_13 = arith.subi %sign3A_9, %sign3A_12 : i32
    %ne3A = arith.cmpi ne, %sign3A_6, %sign3A_13 : i32
    %rem3A = arith.remsi %add3A, %jit3A : i32
    %ne3A_14 = arith.constant 0 : i32
    %ne3A_15 = arith.cmpi ne, %rem3A, %ne3A_14 : i32
    %and3A = arith.andi %ne3A, %ne3A_15 : i1
    %sub3A = arith.constant 1 : i32
    %sub3A_16 = arith.subi %div3A, %sub3A : i32
    %select_n3A = arith.select %and3A, %sub3A_16, %div3A : i32
    %jit3A_17 = arith.constant 4 : i32
    %eq3A = arith.constant 0 : i32
    %eq3A_18 = arith.cmpi eq, %jit3A_17, %eq3A : i32
    %jit3A_19 = arith.constant 1 : i32
    %select_n3A_20 = arith.select %eq3A_18, %jit3A_19, %jit3A_17 : i32
    %rem3A_21 = arith.remsi %add3A, %select_n3A_20 : i32
    %ne3A_22 = arith.constant 0 : i32
    %ne3A_23 = arith.cmpi ne, %rem3A_21, %ne3A_22 : i32
    %lt3A = arith.constant 0 : i32
    %lt3A_24 = arith.cmpi slt, %rem3A_21, %lt3A : i32
    %lt3A_25 = arith.constant 0 : i32
    %lt3A_26 = arith.cmpi slt, %select_n3A_20, %lt3A_25 : i32
    %ne3A_27 = arith.xori %lt3A_24, %lt3A_26 : i1
    %and3A_28 = arith.andi %ne3A_27, %ne3A_23 : i1
    %add3A_29 = arith.addi %rem3A_21, %select_n3A_20 : i32
    %select_n3A_30 = arith.select %and3A_28, %add3A_29, %rem3A_21 : i32
    %mul3A_31 = arith.constant 256 : i32
    %mul3A_32 = arith.muli %select_n3A_30, %mul3A_31 : i32
    "tpu.region"() ({
      %run_scoped3A = tpu.sem_alloc : memref<!tpu.dma_semaphore, #tpu.memory_space<semaphore_mem>>
      %dma_start3A = arith.constant 0 : i32
      %dma_start3A_1519 = tpu.memref_slice %arg2[%select_n3A, %dma_start3A] : memref<8x16xi32, #tpu.memory_space<hbm>> -> memref<1x16xi32, #tpu.memory_space<hbm>>
      %dma_start3A_1520 = tpu.memref_squeeze %dma_start3A_1519 : memref<1x16xi32, #tpu.memory_space<hbm>> -> memref<16xi32, #tpu.memory_space<hbm>>
      %dma_start3A_1521 = arith.constant 0 : i32
      %dma_start3A_1522 = tpu.memref_slice %arg2[%select_n3A, %dma_start3A_1521] : memref<8x16xi32, #tpu.memory_space<hbm>> -> memref<1x16xi32, #tpu.memory_space<hbm>>
      %dma_start3A_1523 = tpu.memref_squeeze %dma_start3A_1522 : memref<1x16xi32, #tpu.memory_space<hbm>> -> memref<16xi32, #tpu.memory_space<hbm>>
      tpu.enqueue_dma source(%dma_start3A_1523 : memref<16xi32, #tpu.memory_space<hbm>>) target(%arg4 : memref<16xi32, #tpu.memory_space<vmem>>) target_semaphore(%run_scoped3A : memref<!tpu.dma_semaphore, #tpu.memory_space<semaphore_mem>>)
      %dma_wait3A = arith.constant 0 : i32
      %dma_wait3A_1524 = tpu.memref_slice %arg2[%select_n3A, %dma_wait3A] : memref<8x16xi32, #tpu.memory_space<hbm>> -> memref<1x16xi32, #tpu.memory_space<hbm>>
      %dma_wait3A_1525 = tpu.memref_squeeze %dma_wait3A_1524 : memref<1x16xi32, #tpu.memory_space<hbm>> -> memref<16xi32, #tpu.memory_space<hbm>>
      %dma_wait3A_1526 = arith.constant 0 : i32
      %dma_wait3A_1527 = tpu.memref_slice %arg2[%select_n3A, %dma_wait3A_1526] : memref<8x16xi32, #tpu.memory_space<hbm>> -> memref<1x16xi32, #tpu.memory_space<hbm>>
      %dma_wait3A_1528 = tpu.memref_squeeze %dma_wait3A_1527 : memref<1x16xi32, #tpu.memory_space<hbm>> -> memref<16xi32, #tpu.memory_space<hbm>>
      tpu.wait_dma2 semaphore(%run_scoped3A : memref<!tpu.dma_semaphore, #tpu.memory_space<semaphore_mem>>) src(%dma_wait3A_1528 : memref<16xi32, #tpu.memory_space<hbm>>) dst(%arg4 : memref<16xi32, #tpu.memory_space<vmem>>)
      tpu.yield
    }) : () -> ()
    %get3A = arith.constant 0 : index
    %get3A_33 = tpu.vector_load %arg4[%get3A] {strides = array<i32>} : memref<16xi32, #tpu.memory_space<vmem>>, vector<16xi32>,
    %get3A_34 = vector.shape_cast %get3A_33 : vector<16xi32> to vector<16xi32>
    %slice3A = vector.extract_strided_slice %get3A_34 {offsets = [0], sizes = [1], strides = [1]} : vector<16xi32> to vector<1xi32>
    %squeeze3A = vector.extract %slice3A[0] : i32 from vector<1xi32>
    %add3A_35 = arith.constant 0 : i32
    %add3A_36 = arith.addi %add3A_35, %squeeze3A : i32
    %slice3A_37 = vector.extract_strided_slice %get3A_34 {offsets = [1], sizes = [1], strides = [1]} : vector<16xi32> to vector<1xi32>
    %squeeze3A_38 = vector.extract %slice3A_37[0] : i32 from vector<1xi32>
    %add3A_39 = arith.addi %add3A_36, %squeeze3A_38 : i32
    %slice3A_40 = vector.extract_strided_slice %get3A_34 {offsets = [2], sizes = [1], strides = [1]} : vector<16xi32> to vector<1xi32>
    %squeeze3A_41 = vector.extract %slice3A_40[0] : i32 from vector<1xi32>
    %add3A_42 = arith.addi %add3A_39, %squeeze3A_41 : i32
    %slice3A_43 = vector.extract_strided_slice %get3A_34 {offsets = [3], sizes = [1], strides = [1]} : vector<16xi32> to vector<1xi32>
    %squeeze3A_44 = vector.extract %slice3A_43[0] : i32 from vector<1xi32>
    %add3A_45 = arith.addi %add3A_42, %squeeze3A_44 : i32
    %slice3A_46 = vector.extract_strided_slice %get3A_34 {offsets = [4], sizes = [1], strides = [1]} : vector<16xi32> to vector<1xi32>
    %squeeze3A_47 = vector.extract %slice3A_46[0] : i32 from vector<1xi32>
    %add3A_48 = arith.addi %add3A_45, %squeeze3A_47 : i32
    %slice3A_49 = vector.extract_strided_slice %get3A_34 {offsets = [5], sizes = [1], strides = [1]} : vector<16xi32> to vector<1xi32>
    %squeeze3A_50 = vector.extract %slice3A_49[0] : i32 from vector<1xi32>
    %add3A_51 = arith.addi %add3A_48, %squeeze3A_50 : i32
    %slice3A_52 = vector.extract_strided_slice %get3A_34 {offsets = [6], sizes = [1], strides = [1]} : vector<16xi32> to vector<1xi32>
    %squeeze3A_53 = vector.extract %slice3A_52[0] : i32 from vector<1xi32>
    %add3A_54 = arith.addi %add3A_51, %squeeze3A_53 : i32
    %slice3A_55 = vector.extract_strided_slice %get3A_34 {offsets = [7], sizes = [1], strides = [1]} : vector<16xi32> to vector<1xi32>
    %squeeze3A_56 = vector.extract %slice3A_55[0] : i32 from vector<1xi32>
    %add3A_57 = arith.addi %add3A_54, %squeeze3A_56 : i32
    %slice3A_58 = vector.extract_strided_slice %get3A_34 {offsets = [8], sizes = [1], strides = [1]} : vector<16xi32> to vector<1xi32>
    %squeeze3A_59 = vector.extract %slice3A_58[0] : i32 from vector<1xi32>
    %add3A_60 = arith.addi %add3A_57, %squeeze3A_59 : i32
    %slice3A_61 = vector.extract_strided_slice %get3A_34 {offsets = [9], sizes = [1], strides = [1]} : vector<16xi32> to vector<1xi32>
    %squeeze3A_62 = vector.extract %slice3A_61[0] : i32 from vector<1xi32>
    %add3A_63 = arith.addi %add3A_60, %squeeze3A_62 : i32
    %slice3A_64 = vector.extract_strided_slice %get3A_34 {offsets = [10], sizes = [1], strides = [1]} : vector<16xi32> to vector<1xi32>
    %squeeze3A_65 = vector.extract %slice3A_64[0] : i32 from vector<1xi32>
    %add3A_66 = arith.addi %add3A_63, %squeeze3A_65 : i32
    %slice3A_67 = vector.extract_strided_slice %get3A_34 {offsets = [11], sizes = [1], strides = [1]} : vector<16xi32> to vector<1xi32>
    %squeeze3A_68 = vector.extract %slice3A_67[0] : i32 from vector<1xi32>
    %add3A_69 = arith.addi %add3A_66, %squeeze3A_68 : i32
    %slice3A_70 = vector.extract_strided_slice %get3A_34 {offsets = [12], sizes = [1], strides = [1]} : vector<16xi32> to vector<1xi32>
    %squeeze3A_71 = vector.extract %slice3A_70[0] : i32 from vector<1xi32>
    %add3A_72 = arith.addi %add3A_69, %squeeze3A_71 : i32
    %slice3A_73 = vector.extract_strided_slice %get3A_34 {offsets = [13], sizes = [1], strides = [1]} : vector<16xi32> to vector<1xi32>
    %squeeze3A_74 = vector.extract %slice3A_73[0] : i32 from vector<1xi32>
    %add3A_75 = arith.addi %add3A_72, %squeeze3A_74 : i32
    %slice3A_76 = vector.extract_strided_slice %get3A_34 {offsets = [14], sizes = [1], strides = [1]} : vector<16xi32> to vector<1xi32>
    %squeeze3A_77 = vector.extract %slice3A_76[0] : i32 from vector<1xi32>
    %add3A_78 = arith.addi %add3A_75, %squeeze3A_77 : i32
    %slice3A_79 = vector.extract_strided_slice %get3A_34 {offsets = [15], sizes = [1], strides = [1]} : vector<16xi32> to vector<1xi32>
    %squeeze3A_80 = vector.extract %slice3A_79[0] : i32 from vector<1xi32>
    %add3A_81 = arith.addi %add3A_78, %squeeze3A_80 : i32
    %iota3A = tpu.iota {dimensions = array<i32: 0>} : vector<16xi32>
    %broadcast_in_dim3A = vector.broadcast %add3A_81 : i32 to vector<16xi32>
    %broadcast_in_dim3A_82 = vector.broadcast %add3A_36 : i32 to vector<16xi32>
    %broadcast_in_dim3A_83 = vector.broadcast %add3A_39 : i32 to vector<16xi32>
    %broadcast_in_dim3A_84 = vector.broadcast %add3A_42 : i32 to vector<16xi32>
    %broadcast_in_dim3A_85 = vector.broadcast %add3A_45 : i32 to vector<16xi32>
    %broadcast_in_dim3A_86 = vector.broadcast %add3A_48 : i32 to vector<16xi32>
    %broadcast_in_dim3A_87 = vector.broadcast %add3A_51 : i32 to vector<16xi32>
    %broadcast_in_dim3A_88 = vector.broadcast %add3A_54 : i32 to vector<16xi32>
    %broadcast_in_dim3A_89 = vector.broadcast %add3A_57 : i32 to vector<16xi32>
    %broadcast_in_dim3A_90 = vector.broadcast %add3A_60 : i32 to vector<16xi32>
    %broadcast_in_dim3A_91 = vector.broadcast %add3A_63 : i32 to vector<16xi32>
    %broadcast_in_dim3A_92 = vector.broadcast %add3A_66 : i32 to vector<16xi32>
    %broadcast_in_dim3A_93 = vector.broadcast %add3A_69 : i32 to vector<16xi32>
    %broadcast_in_dim3A_94 = vector.broadcast %add3A_72 : i32 to vector<16xi32>
    %broadcast_in_dim3A_95 = vector.broadcast %add3A_75 : i32 to vector<16xi32>
    %broadcast_in_dim3A_96 = vector.broadcast %add3A_78 : i32 to vector<16xi32>
    %add3A_97 = arith.constant 0 : i32
    %add3A_98 = arith.addi %mul3A_32, %add3A_97 : i32
    %broadcast_in_dim3A_99 = vector.broadcast %add3A_98 : i32 to vector<16xi32>
    %add3A_100 = arith.addi %iota3A, %broadcast_in_dim3A_99 : vector<16xi32>
    %broadcast_in_dim3A_101 = arith.constant 0 : i32
    %broadcast_in_dim3A_102 = vector.broadcast %broadcast_in_dim3A_101 : i32 to vector<16xi32>
    %ge3A = arith.cmpi sge, %add3A_100, %broadcast_in_dim3A_82 : vector<16xi32>
    %add3A_103 = arith.constant 1 : i32
    %add3A_104 = vector.broadcast %add3A_103 : i32 to vector<16xi32>
    %add3A_105 = arith.addi %broadcast_in_dim3A_102, %add3A_104 : vector<16xi32>
    %select_n3A_106 = arith.select %ge3A, %add3A_105, %broadcast_in_dim3A_102 : vector<16xi1>, vector<16xi32>
    %ge3A_107 = arith.cmpi sge, %add3A_100, %broadcast_in_dim3A_83 : vector<16xi32>
    %add3A_108 = arith.constant 1 : i32
    %add3A_109 = vector.broadcast %add3A_108 : i32 to vector<16xi32>
    %add3A_110 = arith.addi %select_n3A_106, %add3A_109 : vector<16xi32>
    %select_n3A_111 = arith.select %ge3A_107, %add3A_110, %select_n3A_106 : vector<16xi1>, vector<16xi32>
    %ge3A_112 = arith.cmpi sge, %add3A_100, %broadcast_in_dim3A_84 : vector<16xi32>
    %add3A_113 = arith.constant 1 : i32
    %add3A_114 = vector.broadcast %add3A_113 : i32 to vector<16xi32>
    %add3A_115 = arith.addi %select_n3A_111, %add3A_114 : vector<16xi32>
    %select_n3A_116 = arith.select %ge3A_112, %add3A_115, %select_n3A_111 : vector<16xi1>, vector<16xi32>
    %ge3A_117 = arith.cmpi sge, %add3A_100, %broadcast_in_dim3A_85 : vector<16xi32>
    %add3A_118 = arith.constant 1 : i32
    %add3A_119 = vector.broadcast %add3A_118 : i32 to vector<16xi32>
    %add3A_120 = arith.addi %select_n3A_116, %add3A_119 : vector<16xi32>
    %select_n3A_121 = arith.select %ge3A_117, %add3A_120, %select_n3A_116 : vector<16xi1>, vector<16xi32>
    %ge3A_122 = arith.cmpi sge, %add3A_100, %broadcast_in_dim3A_86 : vector<16xi32>
    %add3A_123 = arith.constant 1 : i32
    %add3A_124 = vector.broadcast %add3A_123 : i32 to vector<16xi32>
    %add3A_125 = arith.addi %select_n3A_121, %add3A_124 : vector<16xi32>
    %select_n3A_126 = arith.select %ge3A_122, %add3A_125, %select_n3A_121 : vector<16xi1>, vector<16xi32>
    %ge3A_127 = arith.cmpi sge, %add3A_100, %broadcast_in_dim3A_87 : vector<16xi32>
    %add3A_128 = arith.constant 1 : i32
    %add3A_129 = vector.broadcast %add3A_128 : i32 to vector<16xi32>
    %add3A_130 = arith.addi %select_n3A_126, %add3A_129 : vector<16xi32>
    %select_n3A_131 = arith.select %ge3A_127, %add3A_130, %select_n3A_126 : vector<16xi1>, vector<16xi32>
    %ge3A_132 = arith.cmpi sge, %add3A_100, %broadcast_in_dim3A_88 : vector<16xi32>
    %add3A_133 = arith.constant 1 : i32
    %add3A_134 = vector.broadcast %add3A_133 : i32 to vector<16xi32>
    %add3A_135 = arith.addi %select_n3A_131, %add3A_134 : vector<16xi32>
    %select_n3A_136 = arith.select %ge3A_132, %add3A_135, %select_n3A_131 : vector<16xi1>, vector<16xi32>
    %ge3A_137 = arith.cmpi sge, %add3A_100, %broadcast_in_dim3A_89 : vector<16xi32>
    %add3A_138 = arith.constant 1 : i32
    %add3A_139 = vector.broadcast %add3A_138 : i32 to vector<16xi32>
    %add3A_140 = arith.addi %select_n3A_136, %add3A_139 : vector<16xi32>
    %select_n3A_141 = arith.select %ge3A_137, %add3A_140, %select_n3A_136 : vector<16xi1>, vector<16xi32>
    %ge3A_142 = arith.cmpi sge, %add3A_100, %broadcast_in_dim3A_90 : vector<16xi32>
    %add3A_143 = arith.constant 1 : i32
    %add3A_144 = vector.broadcast %add3A_143 : i32 to vector<16xi32>
    %add3A_145 = arith.addi %select_n3A_141, %add3A_144 : vector<16xi32>
    %select_n3A_146 = arith.select %ge3A_142, %add3A_145, %select_n3A_141 : vector<16xi1>, vector<16xi32>
    %ge3A_147 = arith.cmpi sge, %add3A_100, %broadcast_in_dim3A_91 : vector<16xi32>
    %add3A_148 = arith.constant 1 : i32
    %add3A_149 = vector.broadcast %add3A_148 : i32 to vector<16xi32>
    %add3A_150 = arith.addi %select_n3A_146, %add3A_149 : vector<16xi32>
    %select_n3A_151 = arith.select %ge3A_147, %add3A_150, %select_n3A_146 : vector<16xi1>, vector<16xi32>
    %ge3A_152 = arith.cmpi sge, %add3A_100, %broadcast_in_dim3A_92 : vector<16xi32>
    %add3A_153 = arith.constant 1 : i32
    %add3A_154 = vector.broadcast %add3A_153 : i32 to vector<16xi32>
    %add3A_155 = arith.addi %select_n3A_151, %add3A_154 : vector<16xi32>
    %select_n3A_156 = arith.select %ge3A_152, %add3A_155, %select_n3A_151 : vector<16xi1>, vector<16xi32>
    %ge3A_157 = arith.cmpi sge, %add3A_100, %broadcast_in_dim3A_93 : vector<16xi32>
    %add3A_158 = arith.constant 1 : i32
    %add3A_159 = vector.broadcast %add3A_158 : i32 to vector<16xi32>
    %add3A_160 = arith.addi %select_n3A_156, %add3A_159 : vector<16xi32>
    %select_n3A_161 = arith.select %ge3A_157, %add3A_160, %select_n3A_156 : vector<16xi1>, vector<16xi32>
    %ge3A_162 = arith.cmpi sge, %add3A_100, %broadcast_in_dim3A_94 : vector<16xi32>
    %add3A_163 = arith.constant 1 : i32
    %add3A_164 = vector.broadcast %add3A_163 : i32 to vector<16xi32>
    %add3A_165 = arith.addi %select_n3A_161, %add3A_164 : vector<16xi32>
    %select_n3A_166 = arith.select %ge3A_162, %add3A_165, %select_n3A_161 : vector<16xi1>, vector<16xi32>
    %ge3A_167 = arith.cmpi sge, %add3A_100, %broadcast_in_dim3A_95 : vector<16xi32>
    %add3A_168 = arith.constant 1 : i32
    %add3A_169 = vector.broadcast %add3A_168 : i32 to vector<16xi32>
    %add3A_170 = arith.addi %select_n3A_166, %add3A_169 : vector<16xi32>
    %select_n3A_171 = arith.select %ge3A_167, %add3A_170, %select_n3A_166 : vector<16xi1>, vector<16xi32>
    %ge3A_172 = arith.cmpi sge, %add3A_100, %broadcast_in_dim3A_96 : vector<16xi32>
    %add3A_173 = arith.constant 1 : i32
    %add3A_174 = vector.broadcast %add3A_173 : i32 to vector<16xi32>
    %add3A_175 = arith.addi %select_n3A_171, %add3A_174 : vector<16xi32>
    %select_n3A_176 = arith.select %ge3A_172, %add3A_175, %select_n3A_171 : vector<16xi1>, vector<16xi32>
    %lt3A_177 = arith.cmpi slt, %add3A_100, %broadcast_in_dim3A : vector<16xi32>
    %jit3A_178 = arith.constant -1 : i32
    %broadcast_in_dim3A_179 = vector.broadcast %jit3A_178 : i32 to vector<16xi32>
    %select_n3A_180 = arith.select %lt3A_177, %select_n3A_176, %broadcast_in_dim3A_179 : vector<16xi1>, vector<16xi32>
    %swap3A = arith.constant 0 : index
    %swap3A_181 = tpu.vector_load %arg5[%swap3A] {strides = array<i32>} : memref<256xi32, #tpu.memory_space<vmem>>, vector<16xi32>,
    %swap3A_182 = vector.shape_cast %swap3A_181 : vector<16xi32> to vector<16xi32>
    %swap3A_183 = vector.shape_cast %select_n3A_180 : vector<16xi32> to vector<16xi32>
    tpu.vector_store %arg5[%swap3A], %swap3A_183 {strides = array<i32>} : memref<256xi32, #tpu.memory_space<vmem>>, vector<16xi32>,
    %add3A_184 = arith.constant 16 : i32
    %add3A_185 = arith.addi %mul3A_32, %add3A_184 : i32
    %broadcast_in_dim3A_186 = vector.broadcast %add3A_185 : i32 to vector<16xi32>
    %add3A_187 = arith.addi %iota3A, %broadcast_in_dim3A_186 : vector<16xi32>
    %broadcast_in_dim3A_188 = arith.constant 0 : i32
    %broadcast_in_dim3A_189 = vector.broadcast %broadcast_in_dim3A_188 : i32 to vector<16xi32>
    %ge3A_190 = arith.cmpi sge, %add3A_187, %broadcast_in_dim3A_82 : vector<16xi32>
    %add3A_191 = arith.constant 1 : i32
    %add3A_192 = vector.broadcast %add3A_191 : i32 to vector<16xi32>
    %add3A_193 = arith.addi %broadcast_in_dim3A_189, %add3A_192 : vector<16xi32>
    %select_n3A_194 = arith.select %ge3A_190, %add3A_193, %broadcast_in_dim3A_189 : vector<16xi1>, vector<16xi32>
    %ge3A_195 = arith.cmpi sge, %add3A_187, %broadcast_in_dim3A_83 : vector<16xi32>
    %add3A_196 = arith.constant 1 : i32
    %add3A_197 = vector.broadcast %add3A_196 : i32 to vector<16xi32>
    %add3A_198 = arith.addi %select_n3A_194, %add3A_197 : vector<16xi32>
    %select_n3A_199 = arith.select %ge3A_195, %add3A_198, %select_n3A_194 : vector<16xi1>, vector<16xi32>
    %ge3A_200 = arith.cmpi sge, %add3A_187, %broadcast_in_dim3A_84 : vector<16xi32>
    %add3A_201 = arith.constant 1 : i32
    %add3A_202 = vector.broadcast %add3A_201 : i32 to vector<16xi32>
    %add3A_203 = arith.addi %select_n3A_199, %add3A_202 : vector<16xi32>
    %select_n3A_204 = arith.select %ge3A_200, %add3A_203, %select_n3A_199 : vector<16xi1>, vector<16xi32>
    %ge3A_205 = arith.cmpi sge, %add3A_187, %broadcast_in_dim3A_85 : vector<16xi32>
    %add3A_206 = arith.constant 1 : i32
    %add3A_207 = vector.broadcast %add3A_206 : i32 to vector<16xi32>
    %add3A_208 = arith.addi %select_n3A_204, %add3A_207 : vector<16xi32>
    %select_n3A_209 = arith.select %ge3A_205, %add3A_208, %select_n3A_204 : vector<16xi1>, vector<16xi32>
    %ge3A_210 = arith.cmpi sge, %add3A_187, %broadcast_in_dim3A_86 : vector<16xi32>
    %add3A_211 = arith.constant 1 : i32
    %add3A_212 = vector.broadcast %add3A_211 : i32 to vector<16xi32>
    %add3A_213 = arith.addi %select_n3A_209, %add3A_212 : vector<16xi32>
    %select_n3A_214 = arith.select %ge3A_210, %add3A_213, %select_n3A_209 : vector<16xi1>, vector<16xi32>
    %ge3A_215 = arith.cmpi sge, %add3A_187, %broadcast_in_dim3A_87 : vector<16xi32>
    %add3A_216 = arith.constant 1 : i32
    %add3A_217 = vector.broadcast %add3A_216 : i32 to vector<16xi32>
    %add3A_218 = arith.addi %select_n3A_214, %add3A_217 : vector<16xi32>
    %select_n3A_219 = arith.select %ge3A_215, %add3A_218, %select_n3A_214 : vector<16xi1>, vector<16xi32>
    %ge3A_220 = arith.cmpi sge, %add3A_187, %broadcast_in_dim3A_88 : vector<16xi32>
    %add3A_221 = arith.constant 1 : i32
    %add3A_222 = vector.broadcast %add3A_221 : i32 to vector<16xi32>
    %add3A_223 = arith.addi %select_n3A_219, %add3A_222 : vector<16xi32>
    %select_n3A_224 = arith.select %ge3A_220, %add3A_223, %select_n3A_219 : vector<16xi1>, vector<16xi32>
    %ge3A_225 = arith.cmpi sge, %add3A_187, %broadcast_in_dim3A_89 : vector<16xi32>
    %add3A_226 = arith.constant 1 : i32
    %add3A_227 = vector.broadcast %add3A_226 : i32 to vector<16xi32>
    %add3A_228 = arith.addi %select_n3A_224, %add3A_227 : vector<16xi32>
    %select_n3A_229 = arith.select %ge3A_225, %add3A_228, %select_n3A_224 : vector<16xi1>, vector<16xi32>
    %ge3A_230 = arith.cmpi sge, %add3A_187, %broadcast_in_dim3A_90 : vector<16xi32>
    %add3A_231 = arith.constant 1 : i32
    %add3A_232 = vector.broadcast %add3A_231 : i32 to vector<16xi32>
    %add3A_233 = arith.addi %select_n3A_229, %add3A_232 : vector<16xi32>
    %select_n3A_234 = arith.select %ge3A_230, %add3A_233, %select_n3A_229 : vector<16xi1>, vector<16xi32>
    %ge3A_235 = arith.cmpi sge, %add3A_187, %broadcast_in_dim3A_91 : vector<16xi32>
    %add3A_236 = arith.constant 1 : i32
    %add3A_237 = vector.broadcast %add3A_236 : i32 to vector<16xi32>
    %add3A_238 = arith.addi %select_n3A_234, %add3A_237 : vector<16xi32>
    %select_n3A_239 = arith.select %ge3A_235, %add3A_238, %select_n3A_234 : vector<16xi1>, vector<16xi32>
    %ge3A_240 = arith.cmpi sge, %add3A_187, %broadcast_in_dim3A_92 : vector<16xi32>
    %add3A_241 = arith.constant 1 : i32
    %add3A_242 = vector.broadcast %add3A_241 : i32 to vector<16xi32>
    %add3A_243 = arith.addi %select_n3A_239, %add3A_242 : vector<16xi32>
    %select_n3A_244 = arith.select %ge3A_240, %add3A_243, %select_n3A_239 : vector<16xi1>, vector<16xi32>
    %ge3A_245 = arith.cmpi sge, %add3A_187, %broadcast_in_dim3A_93 : vector<16xi32>
    %add3A_246 = arith.constant 1 : i32
    %add3A_247 = vector.broadcast %add3A_246 : i32 to vector<16xi32>
    %add3A_248 = arith.addi %select_n3A_244, %add3A_247 : vector<16xi32>
    %select_n3A_249 = arith.select %ge3A_245, %add3A_248, %select_n3A_244 : vector<16xi1>, vector<16xi32>
    %ge3A_250 = arith.cmpi sge, %add3A_187, %broadcast_in_dim3A_94 : vector<16xi32>
    %add3A_251 = arith.constant 1 : i32
    %add3A_252 = vector.broadcast %add3A_251 : i32 to vector<16xi32>
    %add3A_253 = arith.addi %select_n3A_249, %add3A_252 : vector<16xi32>
    %select_n3A_254 = arith.select %ge3A_250, %add3A_253, %select_n3A_249 : vector<16xi1>, vector<16xi32>
    %ge3A_255 = arith.cmpi sge, %add3A_187, %broadcast_in_dim3A_95 : vector<16xi32>
    %add3A_256 = arith.constant 1 : i32
    %add3A_257 = vector.broadcast %add3A_256 : i32 to vector<16xi32>
    %add3A_258 = arith.addi %select_n3A_254, %add3A_257 : vector<16xi32>
    %select_n3A_259 = arith.select %ge3A_255, %add3A_258, %select_n3A_254 : vector<16xi1>, vector<16xi32>
    %ge3A_260 = arith.cmpi sge, %add3A_187, %broadcast_in_dim3A_96 : vector<16xi32>
    %add3A_261 = arith.constant 1 : i32
    %add3A_262 = vector.broadcast %add3A_261 : i32 to vector<16xi32>
    %add3A_263 = arith.addi %select_n3A_259, %add3A_262 : vector<16xi32>
    %select_n3A_264 = arith.select %ge3A_260, %add3A_263, %select_n3A_259 : vector<16xi1>, vector<16xi32>
    %lt3A_265 = arith.cmpi slt, %add3A_187, %broadcast_in_dim3A : vector<16xi32>
    %jit3A_266 = arith.constant -1 : i32
    %broadcast_in_dim3A_267 = vector.broadcast %jit3A_266 : i32 to vector<16xi32>
    %select_n3A_268 = arith.select %lt3A_265, %select_n3A_264, %broadcast_in_dim3A_267 : vector<16xi1>, vector<16xi32>
    %swap3A_269 = arith.constant 16 : index
    %swap3A_270 = tpu.vector_load %arg5[%swap3A_269] {strides = array<i32>} : memref<256xi32, #tpu.memory_space<vmem>>, vector<16xi32>,
    %swap3A_271 = vector.shape_cast %swap3A_270 : vector<16xi32> to vector<16xi32>
    %swap3A_272 = vector.shape_cast %select_n3A_268 : vector<16xi32> to vector<16xi32>
    tpu.vector_store %arg5[%swap3A_269], %swap3A_272 {strides = array<i32>} : memref<256xi32, #tpu.memory_space<vmem>>, vector<16xi32>,
    %add3A_273 = arith.constant 32 : i32
    %add3A_274 = arith.addi %mul3A_32, %add3A_273 : i32
    %broadcast_in_dim3A_275 = vector.broadcast %add3A_274 : i32 to vector<16xi32>
    %add3A_276 = arith.addi %iota3A, %broadcast_in_dim3A_275 : vector<16xi32>
    %broadcast_in_dim3A_277 = arith.constant 0 : i32
    %broadcast_in_dim3A_278 = vector.broadcast %broadcast_in_dim3A_277 : i32 to vector<16xi32>
    %ge3A_279 = arith.cmpi sge, %add3A_276, %broadcast_in_dim3A_82 : vector<16xi32>
    %add3A_280 = arith.constant 1 : i32
    %add3A_281 = vector.broadcast %add3A_280 : i32 to vector<16xi32>
    %add3A_282 = arith.addi %broadcast_in_dim3A_278, %add3A_281 : vector<16xi32>
    %select_n3A_283 = arith.select %ge3A_279, %add3A_282, %broadcast_in_dim3A_278 : vector<16xi1>, vector<16xi32>
    %ge3A_284 = arith.cmpi sge, %add3A_276, %broadcast_in_dim3A_83 : vector<16xi32>
    %add3A_285 = arith.constant 1 : i32
    %add3A_286 = vector.broadcast %add3A_285 : i32 to vector<16xi32>
    %add3A_287 = arith.addi %select_n3A_283, %add3A_286 : vector<16xi32>
    %select_n3A_288 = arith.select %ge3A_284, %add3A_287, %select_n3A_283 : vector<16xi1>, vector<16xi32>
    %ge3A_289 = arith.cmpi sge, %add3A_276, %broadcast_in_dim3A_84 : vector<16xi32>
    %add3A_290 = arith.constant 1 : i32
    %add3A_291 = vector.broadcast %add3A_290 : i32 to vector<16xi32>
    %add3A_292 = arith.addi %select_n3A_288, %add3A_291 : vector<16xi32>
    %select_n3A_293 = arith.select %ge3A_289, %add3A_292, %select_n3A_288 : vector<16xi1>, vector<16xi32>
    %ge3A_294 = arith.cmpi sge, %add3A_276, %broadcast_in_dim3A_85 : vector<16xi32>
    %add3A_295 = arith.constant 1 : i32
    %add3A_296 = vector.broadcast %add3A_295 : i32 to vector<16xi32>
    %add3A_297 = arith.addi %select_n3A_293, %add3A_296 : vector<16xi32>
    %select_n3A_298 = arith.select %ge3A_294, %add3A_297, %select_n3A_293 : vector<16xi1>, vector<16xi32>
    %ge3A_299 = arith.cmpi sge, %add3A_276, %broadcast_in_dim3A_86 : vector<16xi32>
    %add3A_300 = arith.constant 1 : i32
    %add3A_301 = vector.broadcast %add3A_300 : i32 to vector<16xi32>
    %add3A_302 = arith.addi %select_n3A_298, %add3A_301 : vector<16xi32>
    %select_n3A_303 = arith.select %ge3A_299, %add3A_302, %select_n3A_298 : vector<16xi1>, vector<16xi32>
    %ge3A_304 = arith.cmpi sge, %add3A_276, %broadcast_in_dim3A_87 : vector<16xi32>
    %add3A_305 = arith.constant 1 : i32
    %add3A_306 = vector.broadcast %add3A_305 : i32 to vector<16xi32>
    %add3A_307 = arith.addi %select_n3A_303, %add3A_306 : vector<16xi32>
    %select_n3A_308 = arith.select %ge3A_304, %add3A_307, %select_n3A_303 : vector<16xi1>, vector<16xi32>
    %ge3A_309 = arith.cmpi sge, %add3A_276, %broadcast_in_dim3A_88 : vector<16xi32>
    %add3A_310 = arith.constant 1 : i32
    %add3A_311 = vector.broadcast %add3A_310 : i32 to vector<16xi32>
    %add3A_312 = arith.addi %select_n3A_308, %add3A_311 : vector<16xi32>
    %select_n3A_313 = arith.select %ge3A_309, %add3A_312, %select_n3A_308 : vector<16xi1>, vector<16xi32>
    %ge3A_314 = arith.cmpi sge, %add3A_276, %broadcast_in_dim3A_89 : vector<16xi32>
    %add3A_315 = arith.constant 1 : i32
    %add3A_316 = vector.broadcast %add3A_315 : i32 to vector<16xi32>
    %add3A_317 = arith.addi %select_n3A_313, %add3A_316 : vector<16xi32>
    %select_n3A_318 = arith.select %ge3A_314, %add3A_317, %select_n3A_313 : vector<16xi1>, vector<16xi32>
    %ge3A_319 = arith.cmpi sge, %add3A_276, %broadcast_in_dim3A_90 : vector<16xi32>
    %add3A_320 = arith.constant 1 : i32
    %add3A_321 = vector.broadcast %add3A_320 : i32 to vector<16xi32>
    %add3A_322 = arith.addi %select_n3A_318, %add3A_321 : vector<16xi32>
    %select_n3A_323 = arith.select %ge3A_319, %add3A_322, %select_n3A_318 : vector<16xi1>, vector<16xi32>
    %ge3A_324 = arith.cmpi sge, %add3A_276, %broadcast_in_dim3A_91 : vector<16xi32>
    %add3A_325 = arith.constant 1 : i32
    %add3A_326 = vector.broadcast %add3A_325 : i32 to vector<16xi32>
    %add3A_327 = arith.addi %select_n3A_323, %add3A_326 : vector<16xi32>
    %select_n3A_328 = arith.select %ge3A_324, %add3A_327, %select_n3A_323 : vector<16xi1>, vector<16xi32>
    %ge3A_329 = arith.cmpi sge, %add3A_276, %broadcast_in_dim3A_92 : vector<16xi32>
    %add3A_330 = arith.constant 1 : i32
    %add3A_331 = vector.broadcast %add3A_330 : i32 to vector<16xi32>
    %add3A_332 = arith.addi %select_n3A_328, %add3A_331 : vector<16xi32>
    %select_n3A_333 = arith.select %ge3A_329, %add3A_332, %select_n3A_328 : vector<16xi1>, vector<16xi32>
    %ge3A_334 = arith.cmpi sge, %add3A_276, %broadcast_in_dim3A_93 : vector<16xi32>
    %add3A_335 = arith.constant 1 : i32
    %add3A_336 = vector.broadcast %add3A_335 : i32 to vector<16xi32>
    %add3A_337 = arith.addi %select_n3A_333, %add3A_336 : vector<16xi32>
    %select_n3A_338 = arith.select %ge3A_334, %add3A_337, %select_n3A_333 : vector<16xi1>, vector<16xi32>
    %ge3A_339 = arith.cmpi sge, %add3A_276, %broadcast_in_dim3A_94 : vector<16xi32>
    %add3A_340 = arith.constant 1 : i32
    %add3A_341 = vector.broadcast %add3A_340 : i32 to vector<16xi32>
    %add3A_342 = arith.addi %select_n3A_338, %add3A_341 : vector<16xi32>
    %select_n3A_343 = arith.select %ge3A_339, %add3A_342, %select_n3A_338 : vector<16xi1>, vector<16xi32>
    %ge3A_344 = arith.cmpi sge, %add3A_276, %broadcast_in_dim3A_95 : vector<16xi32>
    %add3A_345 = arith.constant 1 : i32
    %add3A_346 = vector.broadcast %add3A_345 : i32 to vector<16xi32>
    %add3A_347 = arith.addi %select_n3A_343, %add3A_346 : vector<16xi32>
    %select_n3A_348 = arith.select %ge3A_344, %add3A_347, %select_n3A_343 : vector<16xi1>, vector<16xi32>
    %ge3A_349 = arith.cmpi sge, %add3A_276, %broadcast_in_dim3A_96 : vector<16xi32>
    %add3A_350 = arith.constant 1 : i32
    %add3A_351 = vector.broadcast %add3A_350 : i32 to vector<16xi32>
    %add3A_352 = arith.addi %select_n3A_348, %add3A_351 : vector<16xi32>
    %select_n3A_353 = arith.select %ge3A_349, %add3A_352, %select_n3A_348 : vector<16xi1>, vector<16xi32>
    %lt3A_354 = arith.cmpi slt, %add3A_276, %broadcast_in_dim3A : vector<16xi32>
    %jit3A_355 = arith.constant -1 : i32
    %broadcast_in_dim3A_356 = vector.broadcast %jit3A_355 : i32 to vector<16xi32>
    %select_n3A_357 = arith.select %lt3A_354, %select_n3A_353, %broadcast_in_dim3A_356 : vector<16xi1>, vector<16xi32>
    %swap3A_358 = arith.constant 32 : index
    %swap3A_359 = tpu.vector_load %arg5[%swap3A_358] {strides = array<i32>} : memref<256xi32, #tpu.memory_space<vmem>>, vector<16xi32>,
    %swap3A_360 = vector.shape_cast %swap3A_359 : vector<16xi32> to vector<16xi32>
    %swap3A_361 = vector.shape_cast %select_n3A_357 : vector<16xi32> to vector<16xi32>
    tpu.vector_store %arg5[%swap3A_358], %swap3A_361 {strides = array<i32>} : memref<256xi32, #tpu.memory_space<vmem>>, vector<16xi32>,
    %add3A_362 = arith.constant 48 : i32
    %add3A_363 = arith.addi %mul3A_32, %add3A_362 : i32
    %broadcast_in_dim3A_364 = vector.broadcast %add3A_363 : i32 to vector<16xi32>
    %add3A_365 = arith.addi %iota3A, %broadcast_in_dim3A_364 : vector<16xi32>
    %broadcast_in_dim3A_366 = arith.constant 0 : i32
    %broadcast_in_dim3A_367 = vector.broadcast %broadcast_in_dim3A_366 : i32 to vector<16xi32>
    %ge3A_368 = arith.cmpi sge, %add3A_365, %broadcast_in_dim3A_82 : vector<16xi32>
    %add3A_369 = arith.constant 1 : i32
    %add3A_370 = vector.broadcast %add3A_369 : i32 to vector<16xi32>
    %add3A_371 = arith.addi %broadcast_in_dim3A_367, %add3A_370 : vector<16xi32>
    %select_n3A_372 = arith.select %ge3A_368, %add3A_371, %broadcast_in_dim3A_367 : vector<16xi1>, vector<16xi32>
    %ge3A_373 = arith.cmpi sge, %add3A_365, %broadcast_in_dim3A_83 : vector<16xi32>
    %add3A_374 = arith.constant 1 : i32
    %add3A_375 = vector.broadcast %add3A_374 : i32 to vector<16xi32>
    %add3A_376 = arith.addi %select_n3A_372, %add3A_375 : vector<16xi32>
    %select_n3A_377 = arith.select %ge3A_373, %add3A_376, %select_n3A_372 : vector<16xi1>, vector<16xi32>
    %ge3A_378 = arith.cmpi sge, %add3A_365, %broadcast_in_dim3A_84 : vector<16xi32>
    %add3A_379 = arith.constant 1 : i32
    %add3A_380 = vector.broadcast %add3A_379 : i32 to vector<16xi32>
    %add3A_381 = arith.addi %select_n3A_377, %add3A_380 : vector<16xi32>
    %select_n3A_382 = arith.select %ge3A_378, %add3A_381, %select_n3A_377 : vector<16xi1>, vector<16xi32>
    %ge3A_383 = arith.cmpi sge, %add3A_365, %broadcast_in_dim3A_85 : vector<16xi32>
    %add3A_384 = arith.constant 1 : i32
    %add3A_385 = vector.broadcast %add3A_384 : i32 to vector<16xi32>
    %add3A_386 = arith.addi %select_n3A_382, %add3A_385 : vector<16xi32>
    %select_n3A_387 = arith.select %ge3A_383, %add3A_386, %select_n3A_382 : vector<16xi1>, vector<16xi32>
    %ge3A_388 = arith.cmpi sge, %add3A_365, %broadcast_in_dim3A_86 : vector<16xi32>
    %add3A_389 = arith.constant 1 : i32
    %add3A_390 = vector.broadcast %add3A_389 : i32 to vector<16xi32>
    %add3A_391 = arith.addi %select_n3A_387, %add3A_390 : vector<16xi32>
    %select_n3A_392 = arith.select %ge3A_388, %add3A_391, %select_n3A_387 : vector<16xi1>, vector<16xi32>
    %ge3A_393 = arith.cmpi sge, %add3A_365, %broadcast_in_dim3A_87 : vector<16xi32>
    %add3A_394 = arith.constant 1 : i32
    %add3A_395 = vector.broadcast %add3A_394 : i32 to vector<16xi32>
    %add3A_396 = arith.addi %select_n3A_392, %add3A_395 : vector<16xi32>
    %select_n3A_397 = arith.select %ge3A_393, %add3A_396, %select_n3A_392 : vector<16xi1>, vector<16xi32>
    %ge3A_398 = arith.cmpi sge, %add3A_365, %broadcast_in_dim3A_88 : vector<16xi32>
    %add3A_399 = arith.constant 1 : i32
    %add3A_400 = vector.broadcast %add3A_399 : i32 to vector<16xi32>
    %add3A_401 = arith.addi %select_n3A_397, %add3A_400 : vector<16xi32>
    %select_n3A_402 = arith.select %ge3A_398, %add3A_401, %select_n3A_397 : vector<16xi1>, vector<16xi32>
    %ge3A_403 = arith.cmpi sge, %add3A_365, %broadcast_in_dim3A_89 : vector<16xi32>
    %add3A_404 = arith.constant 1 : i32
    %add3A_405 = vector.broadcast %add3A_404 : i32 to vector<16xi32>
    %add3A_406 = arith.addi %select_n3A_402, %add3A_405 : vector<16xi32>
    %select_n3A_407 = arith.select %ge3A_403, %add3A_406, %select_n3A_402 : vector<16xi1>, vector<16xi32>
    %ge3A_408 = arith.cmpi sge, %add3A_365, %broadcast_in_dim3A_90 : vector<16xi32>
    %add3A_409 = arith.constant 1 : i32
    %add3A_410 = vector.broadcast %add3A_409 : i32 to vector<16xi32>
    %add3A_411 = arith.addi %select_n3A_407, %add3A_410 : vector<16xi32>
    %select_n3A_412 = arith.select %ge3A_408, %add3A_411, %select_n3A_407 : vector<16xi1>, vector<16xi32>
    %ge3A_413 = arith.cmpi sge, %add3A_365, %broadcast_in_dim3A_91 : vector<16xi32>
    %add3A_414 = arith.constant 1 : i32
    %add3A_415 = vector.broadcast %add3A_414 : i32 to vector<16xi32>
    %add3A_416 = arith.addi %select_n3A_412, %add3A_415 : vector<16xi32>
    %select_n3A_417 = arith.select %ge3A_413, %add3A_416, %select_n3A_412 : vector<16xi1>, vector<16xi32>
    %ge3A_418 = arith.cmpi sge, %add3A_365, %broadcast_in_dim3A_92 : vector<16xi32>
    %add3A_419 = arith.constant 1 : i32
    %add3A_420 = vector.broadcast %add3A_419 : i32 to vector<16xi32>
    %add3A_421 = arith.addi %select_n3A_417, %add3A_420 : vector<16xi32>
    %select_n3A_422 = arith.select %ge3A_418, %add3A_421, %select_n3A_417 : vector<16xi1>, vector<16xi32>
    %ge3A_423 = arith.cmpi sge, %add3A_365, %broadcast_in_dim3A_93 : vector<16xi32>
    %add3A_424 = arith.constant 1 : i32
    %add3A_425 = vector.broadcast %add3A_424 : i32 to vector<16xi32>
    %add3A_426 = arith.addi %select_n3A_422, %add3A_425 : vector<16xi32>
    %select_n3A_427 = arith.select %ge3A_423, %add3A_426, %select_n3A_422 : vector<16xi1>, vector<16xi32>
    %ge3A_428 = arith.cmpi sge, %add3A_365, %broadcast_in_dim3A_94 : vector<16xi32>
    %add3A_429 = arith.constant 1 : i32
    %add3A_430 = vector.broadcast %add3A_429 : i32 to vector<16xi32>
    %add3A_431 = arith.addi %select_n3A_427, %add3A_430 : vector<16xi32>
    %select_n3A_432 = arith.select %ge3A_428, %add3A_431, %select_n3A_427 : vector<16xi1>, vector<16xi32>
    %ge3A_433 = arith.cmpi sge, %add3A_365, %broadcast_in_dim3A_95 : vector<16xi32>
    %add3A_434 = arith.constant 1 : i32
    %add3A_435 = vector.broadcast %add3A_434 : i32 to vector<16xi32>
    %add3A_436 = arith.addi %select_n3A_432, %add3A_435 : vector<16xi32>
    %select_n3A_437 = arith.select %ge3A_433, %add3A_436, %select_n3A_432 : vector<16xi1>, vector<16xi32>
    %ge3A_438 = arith.cmpi sge, %add3A_365, %broadcast_in_dim3A_96 : vector<16xi32>
    %add3A_439 = arith.constant 1 : i32
    %add3A_440 = vector.broadcast %add3A_439 : i32 to vector<16xi32>
    %add3A_441 = arith.addi %select_n3A_437, %add3A_440 : vector<16xi32>
    %select_n3A_442 = arith.select %ge3A_438, %add3A_441, %select_n3A_437 : vector<16xi1>, vector<16xi32>
    %lt3A_443 = arith.cmpi slt, %add3A_365, %broadcast_in_dim3A : vector<16xi32>
    %jit3A_444 = arith.constant -1 : i32
    %broadcast_in_dim3A_445 = vector.broadcast %jit3A_444 : i32 to vector<16xi32>
    %select_n3A_446 = arith.select %lt3A_443, %select_n3A_442, %broadcast_in_dim3A_445 : vector<16xi1>, vector<16xi32>
    %swap3A_447 = arith.constant 48 : index
    %swap3A_448 = tpu.vector_load %arg5[%swap3A_447] {strides = array<i32>} : memref<256xi32, #tpu.memory_space<vmem>>, vector<16xi32>,
    %swap3A_449 = vector.shape_cast %swap3A_448 : vector<16xi32> to vector<16xi32>
    %swap3A_450 = vector.shape_cast %select_n3A_446 : vector<16xi32> to vector<16xi32>
    tpu.vector_store %arg5[%swap3A_447], %swap3A_450 {strides = array<i32>} : memref<256xi32, #tpu.memory_space<vmem>>, vector<16xi32>,
    %add3A_451 = arith.constant 64 : i32
    %add3A_452 = arith.addi %mul3A_32, %add3A_451 : i32
    %broadcast_in_dim3A_453 = vector.broadcast %add3A_452 : i32 to vector<16xi32>
    %add3A_454 = arith.addi %iota3A, %broadcast_in_dim3A_453 : vector<16xi32>
    %broadcast_in_dim3A_455 = arith.constant 0 : i32
    %broadcast_in_dim3A_456 = vector.broadcast %broadcast_in_dim3A_455 : i32 to vector<16xi32>
    %ge3A_457 = arith.cmpi sge, %add3A_454, %broadcast_in_dim3A_82 : vector<16xi32>
    %add3A_458 = arith.constant 1 : i32
    %add3A_459 = vector.broadcast %add3A_458 : i32 to vector<16xi32>
    %add3A_460 = arith.addi %broadcast_in_dim3A_456, %add3A_459 : vector<16xi32>
    %select_n3A_461 = arith.select %ge3A_457, %add3A_460, %broadcast_in_dim3A_456 : vector<16xi1>, vector<16xi32>
    %ge3A_462 = arith.cmpi sge, %add3A_454, %broadcast_in_dim3A_83 : vector<16xi32>
    %add3A_463 = arith.constant 1 : i32
    %add3A_464 = vector.broadcast %add3A_463 : i32 to vector<16xi32>
    %add3A_465 = arith.addi %select_n3A_461, %add3A_464 : vector<16xi32>
    %select_n3A_466 = arith.select %ge3A_462, %add3A_465, %select_n3A_461 : vector<16xi1>, vector<16xi32>
    %ge3A_467 = arith.cmpi sge, %add3A_454, %broadcast_in_dim3A_84 : vector<16xi32>
    %add3A_468 = arith.constant 1 : i32
    %add3A_469 = vector.broadcast %add3A_468 : i32 to vector<16xi32>
    %add3A_470 = arith.addi %select_n3A_466, %add3A_469 : vector<16xi32>
    %select_n3A_471 = arith.select %ge3A_467, %add3A_470, %select_n3A_466 : vector<16xi1>, vector<16xi32>
    %ge3A_472 = arith.cmpi sge, %add3A_454, %broadcast_in_dim3A_85 : vector<16xi32>
    %add3A_473 = arith.constant 1 : i32
    %add3A_474 = vector.broadcast %add3A_473 : i32 to vector<16xi32>
    %add3A_475 = arith.addi %select_n3A_471, %add3A_474 : vector<16xi32>
    %select_n3A_476 = arith.select %ge3A_472, %add3A_475, %select_n3A_471 : vector<16xi1>, vector<16xi32>
    %ge3A_477 = arith.cmpi sge, %add3A_454, %broadcast_in_dim3A_86 : vector<16xi32>
    %add3A_478 = arith.constant 1 : i32
    %add3A_479 = vector.broadcast %add3A_478 : i32 to vector<16xi32>
    %add3A_480 = arith.addi %select_n3A_476, %add3A_479 : vector<16xi32>
    %select_n3A_481 = arith.select %ge3A_477, %add3A_480, %select_n3A_476 : vector<16xi1>, vector<16xi32>
    %ge3A_482 = arith.cmpi sge, %add3A_454, %broadcast_in_dim3A_87 : vector<16xi32>
    %add3A_483 = arith.constant 1 : i32
    %add3A_484 = vector.broadcast %add3A_483 : i32 to vector<16xi32>
    %add3A_485 = arith.addi %select_n3A_481, %add3A_484 : vector<16xi32>
    %select_n3A_486 = arith.select %ge3A_482, %add3A_485, %select_n3A_481 : vector<16xi1>, vector<16xi32>
    %ge3A_487 = arith.cmpi sge, %add3A_454, %broadcast_in_dim3A_88 : vector<16xi32>
    %add3A_488 = arith.constant 1 : i32
    %add3A_489 = vector.broadcast %add3A_488 : i32 to vector<16xi32>
    %add3A_490 = arith.addi %select_n3A_486, %add3A_489 : vector<16xi32>
    %select_n3A_491 = arith.select %ge3A_487, %add3A_490, %select_n3A_486 : vector<16xi1>, vector<16xi32>
    %ge3A_492 = arith.cmpi sge, %add3A_454, %broadcast_in_dim3A_89 : vector<16xi32>
    %add3A_493 = arith.constant 1 : i32
    %add3A_494 = vector.broadcast %add3A_493 : i32 to vector<16xi32>
    %add3A_495 = arith.addi %select_n3A_491, %add3A_494 : vector<16xi32>
    %select_n3A_496 = arith.select %ge3A_492, %add3A_495, %select_n3A_491 : vector<16xi1>, vector<16xi32>
    %ge3A_497 = arith.cmpi sge, %add3A_454, %broadcast_in_dim3A_90 : vector<16xi32>
    %add3A_498 = arith.constant 1 : i32
    %add3A_499 = vector.broadcast %add3A_498 : i32 to vector<16xi32>
    %add3A_500 = arith.addi %select_n3A_496, %add3A_499 : vector<16xi32>
    %select_n3A_501 = arith.select %ge3A_497, %add3A_500, %select_n3A_496 : vector<16xi1>, vector<16xi32>
    %ge3A_502 = arith.cmpi sge, %add3A_454, %broadcast_in_dim3A_91 : vector<16xi32>
    %add3A_503 = arith.constant 1 : i32
    %add3A_504 = vector.broadcast %add3A_503 : i32 to vector<16xi32>
    %add3A_505 = arith.addi %select_n3A_501, %add3A_504 : vector<16xi32>
    %select_n3A_506 = arith.select %ge3A_502, %add3A_505, %select_n3A_501 : vector<16xi1>, vector<16xi32>
    %ge3A_507 = arith.cmpi sge, %add3A_454, %broadcast_in_dim3A_92 : vector<16xi32>
    %add3A_508 = arith.constant 1 : i32
    %add3A_509 = vector.broadcast %add3A_508 : i32 to vector<16xi32>
    %add3A_510 = arith.addi %select_n3A_506, %add3A_509 : vector<16xi32>
    %select_n3A_511 = arith.select %ge3A_507, %add3A_510, %select_n3A_506 : vector<16xi1>, vector<16xi32>
    %ge3A_512 = arith.cmpi sge, %add3A_454, %broadcast_in_dim3A_93 : vector<16xi32>
    %add3A_513 = arith.constant 1 : i32
    %add3A_514 = vector.broadcast %add3A_513 : i32 to vector<16xi32>
    %add3A_515 = arith.addi %select_n3A_511, %add3A_514 : vector<16xi32>
    %select_n3A_516 = arith.select %ge3A_512, %add3A_515, %select_n3A_511 : vector<16xi1>, vector<16xi32>
    %ge3A_517 = arith.cmpi sge, %add3A_454, %broadcast_in_dim3A_94 : vector<16xi32>
    %add3A_518 = arith.constant 1 : i32
    %add3A_519 = vector.broadcast %add3A_518 : i32 to vector<16xi32>
    %add3A_520 = arith.addi %select_n3A_516, %add3A_519 : vector<16xi32>
    %select_n3A_521 = arith.select %ge3A_517, %add3A_520, %select_n3A_516 : vector<16xi1>, vector<16xi32>
    %ge3A_522 = arith.cmpi sge, %add3A_454, %broadcast_in_dim3A_95 : vector<16xi32>
    %add3A_523 = arith.constant 1 : i32
    %add3A_524 = vector.broadcast %add3A_523 : i32 to vector<16xi32>
    %add3A_525 = arith.addi %select_n3A_521, %add3A_524 : vector<16xi32>
    %select_n3A_526 = arith.select %ge3A_522, %add3A_525, %select_n3A_521 : vector<16xi1>, vector<16xi32>
    %ge3A_527 = arith.cmpi sge, %add3A_454, %broadcast_in_dim3A_96 : vector<16xi32>
    %add3A_528 = arith.constant 1 : i32
    %add3A_529 = vector.broadcast %add3A_528 : i32 to vector<16xi32>
    %add3A_530 = arith.addi %select_n3A_526, %add3A_529 : vector<16xi32>
    %select_n3A_531 = arith.select %ge3A_527, %add3A_530, %select_n3A_526 : vector<16xi1>, vector<16xi32>
    %lt3A_532 = arith.cmpi slt, %add3A_454, %broadcast_in_dim3A : vector<16xi32>
    %jit3A_533 = arith.constant -1 : i32
    %broadcast_in_dim3A_534 = vector.broadcast %jit3A_533 : i32 to vector<16xi32>
    %select_n3A_535 = arith.select %lt3A_532, %select_n3A_531, %broadcast_in_dim3A_534 : vector<16xi1>, vector<16xi32>
    %swap3A_536 = arith.constant 64 : index
    %swap3A_537 = tpu.vector_load %arg5[%swap3A_536] {strides = array<i32>} : memref<256xi32, #tpu.memory_space<vmem>>, vector<16xi32>,
    %swap3A_538 = vector.shape_cast %swap3A_537 : vector<16xi32> to vector<16xi32>
    %swap3A_539 = vector.shape_cast %select_n3A_535 : vector<16xi32> to vector<16xi32>
    tpu.vector_store %arg5[%swap3A_536], %swap3A_539 {strides = array<i32>} : memref<256xi32, #tpu.memory_space<vmem>>, vector<16xi32>,
    %add3A_540 = arith.constant 80 : i32
    %add3A_541 = arith.addi %mul3A_32, %add3A_540 : i32
    %broadcast_in_dim3A_542 = vector.broadcast %add3A_541 : i32 to vector<16xi32>
    %add3A_543 = arith.addi %iota3A, %broadcast_in_dim3A_542 : vector<16xi32>
    %broadcast_in_dim3A_544 = arith.constant 0 : i32
    %broadcast_in_dim3A_545 = vector.broadcast %broadcast_in_dim3A_544 : i32 to vector<16xi32>
    %ge3A_546 = arith.cmpi sge, %add3A_543, %broadcast_in_dim3A_82 : vector<16xi32>
    %add3A_547 = arith.constant 1 : i32
    %add3A_548 = vector.broadcast %add3A_547 : i32 to vector<16xi32>
    %add3A_549 = arith.addi %broadcast_in_dim3A_545, %add3A_548 : vector<16xi32>
    %select_n3A_550 = arith.select %ge3A_546, %add3A_549, %broadcast_in_dim3A_545 : vector<16xi1>, vector<16xi32>
    %ge3A_551 = arith.cmpi sge, %add3A_543, %broadcast_in_dim3A_83 : vector<16xi32>
    %add3A_552 = arith.constant 1 : i32
    %add3A_553 = vector.broadcast %add3A_552 : i32 to vector<16xi32>
    %add3A_554 = arith.addi %select_n3A_550, %add3A_553 : vector<16xi32>
    %select_n3A_555 = arith.select %ge3A_551, %add3A_554, %select_n3A_550 : vector<16xi1>, vector<16xi32>
    %ge3A_556 = arith.cmpi sge, %add3A_543, %broadcast_in_dim3A_84 : vector<16xi32>
    %add3A_557 = arith.constant 1 : i32
    %add3A_558 = vector.broadcast %add3A_557 : i32 to vector<16xi32>
    %add3A_559 = arith.addi %select_n3A_555, %add3A_558 : vector<16xi32>
    %select_n3A_560 = arith.select %ge3A_556, %add3A_559, %select_n3A_555 : vector<16xi1>, vector<16xi32>
    %ge3A_561 = arith.cmpi sge, %add3A_543, %broadcast_in_dim3A_85 : vector<16xi32>
    %add3A_562 = arith.constant 1 : i32
    %add3A_563 = vector.broadcast %add3A_562 : i32 to vector<16xi32>
    %add3A_564 = arith.addi %select_n3A_560, %add3A_563 : vector<16xi32>
    %select_n3A_565 = arith.select %ge3A_561, %add3A_564, %select_n3A_560 : vector<16xi1>, vector<16xi32>
    %ge3A_566 = arith.cmpi sge, %add3A_543, %broadcast_in_dim3A_86 : vector<16xi32>
    %add3A_567 = arith.constant 1 : i32
    %add3A_568 = vector.broadcast %add3A_567 : i32 to vector<16xi32>
    %add3A_569 = arith.addi %select_n3A_565, %add3A_568 : vector<16xi32>
    %select_n3A_570 = arith.select %ge3A_566, %add3A_569, %select_n3A_565 : vector<16xi1>, vector<16xi32>
    %ge3A_571 = arith.cmpi sge, %add3A_543, %broadcast_in_dim3A_87 : vector<16xi32>
    %add3A_572 = arith.constant 1 : i32
    %add3A_573 = vector.broadcast %add3A_572 : i32 to vector<16xi32>
    %add3A_574 = arith.addi %select_n3A_570, %add3A_573 : vector<16xi32>
    %select_n3A_575 = arith.select %ge3A_571, %add3A_574, %select_n3A_570 : vector<16xi1>, vector<16xi32>
    %ge3A_576 = arith.cmpi sge, %add3A_543, %broadcast_in_dim3A_88 : vector<16xi32>
    %add3A_577 = arith.constant 1 : i32
    %add3A_578 = vector.broadcast %add3A_577 : i32 to vector<16xi32>
    %add3A_579 = arith.addi %select_n3A_575, %add3A_578 : vector<16xi32>
    %select_n3A_580 = arith.select %ge3A_576, %add3A_579, %select_n3A_575 : vector<16xi1>, vector<16xi32>
    %ge3A_581 = arith.cmpi sge, %add3A_543, %broadcast_in_dim3A_89 : vector<16xi32>
    %add3A_582 = arith.constant 1 : i32
    %add3A_583 = vector.broadcast %add3A_582 : i32 to vector<16xi32>
    %add3A_584 = arith.addi %select_n3A_580, %add3A_583 : vector<16xi32>
    %select_n3A_585 = arith.select %ge3A_581, %add3A_584, %select_n3A_580 : vector<16xi1>, vector<16xi32>
    %ge3A_586 = arith.cmpi sge, %add3A_543, %broadcast_in_dim3A_90 : vector<16xi32>
    %add3A_587 = arith.constant 1 : i32
    %add3A_588 = vector.broadcast %add3A_587 : i32 to vector<16xi32>
    %add3A_589 = arith.addi %select_n3A_585, %add3A_588 : vector<16xi32>
    %select_n3A_590 = arith.select %ge3A_586, %add3A_589, %select_n3A_585 : vector<16xi1>, vector<16xi32>
    %ge3A_591 = arith.cmpi sge, %add3A_543, %broadcast_in_dim3A_91 : vector<16xi32>
    %add3A_592 = arith.constant 1 : i32
    %add3A_593 = vector.broadcast %add3A_592 : i32 to vector<16xi32>
    %add3A_594 = arith.addi %select_n3A_590, %add3A_593 : vector<16xi32>
    %select_n3A_595 = arith.select %ge3A_591, %add3A_594, %select_n3A_590 : vector<16xi1>, vector<16xi32>
    %ge3A_596 = arith.cmpi sge, %add3A_543, %broadcast_in_dim3A_92 : vector<16xi32>
    %add3A_597 = arith.constant 1 : i32
    %add3A_598 = vector.broadcast %add3A_597 : i32 to vector<16xi32>
    %add3A_599 = arith.addi %select_n3A_595, %add3A_598 : vector<16xi32>
    %select_n3A_600 = arith.select %ge3A_596, %add3A_599, %select_n3A_595 : vector<16xi1>, vector<16xi32>
    %ge3A_601 = arith.cmpi sge, %add3A_543, %broadcast_in_dim3A_93 : vector<16xi32>
    %add3A_602 = arith.constant 1 : i32
    %add3A_603 = vector.broadcast %add3A_602 : i32 to vector<16xi32>
    %add3A_604 = arith.addi %select_n3A_600, %add3A_603 : vector<16xi32>
    %select_n3A_605 = arith.select %ge3A_601, %add3A_604, %select_n3A_600 : vector<16xi1>, vector<16xi32>
    %ge3A_606 = arith.cmpi sge, %add3A_543, %broadcast_in_dim3A_94 : vector<16xi32>
    %add3A_607 = arith.constant 1 : i32
    %add3A_608 = vector.broadcast %add3A_607 : i32 to vector<16xi32>
    %add3A_609 = arith.addi %select_n3A_605, %add3A_608 : vector<16xi32>
    %select_n3A_610 = arith.select %ge3A_606, %add3A_609, %select_n3A_605 : vector<16xi1>, vector<16xi32>
    %ge3A_611 = arith.cmpi sge, %add3A_543, %broadcast_in_dim3A_95 : vector<16xi32>
    %add3A_612 = arith.constant 1 : i32
    %add3A_613 = vector.broadcast %add3A_612 : i32 to vector<16xi32>
    %add3A_614 = arith.addi %select_n3A_610, %add3A_613 : vector<16xi32>
    %select_n3A_615 = arith.select %ge3A_611, %add3A_614, %select_n3A_610 : vector<16xi1>, vector<16xi32>
    %ge3A_616 = arith.cmpi sge, %add3A_543, %broadcast_in_dim3A_96 : vector<16xi32>
    %add3A_617 = arith.constant 1 : i32
    %add3A_618 = vector.broadcast %add3A_617 : i32 to vector<16xi32>
    %add3A_619 = arith.addi %select_n3A_615, %add3A_618 : vector<16xi32>
    %select_n3A_620 = arith.select %ge3A_616, %add3A_619, %select_n3A_615 : vector<16xi1>, vector<16xi32>
    %lt3A_621 = arith.cmpi slt, %add3A_543, %broadcast_in_dim3A : vector<16xi32>
    %jit3A_622 = arith.constant -1 : i32
    %broadcast_in_dim3A_623 = vector.broadcast %jit3A_622 : i32 to vector<16xi32>
    %select_n3A_624 = arith.select %lt3A_621, %select_n3A_620, %broadcast_in_dim3A_623 : vector<16xi1>, vector<16xi32>
    %swap3A_625 = arith.constant 80 : index
    %swap3A_626 = tpu.vector_load %arg5[%swap3A_625] {strides = array<i32>} : memref<256xi32, #tpu.memory_space<vmem>>, vector<16xi32>,
    %swap3A_627 = vector.shape_cast %swap3A_626 : vector<16xi32> to vector<16xi32>
    %swap3A_628 = vector.shape_cast %select_n3A_624 : vector<16xi32> to vector<16xi32>
    tpu.vector_store %arg5[%swap3A_625], %swap3A_628 {strides = array<i32>} : memref<256xi32, #tpu.memory_space<vmem>>, vector<16xi32>,
    %add3A_629 = arith.constant 96 : i32
    %add3A_630 = arith.addi %mul3A_32, %add3A_629 : i32
    %broadcast_in_dim3A_631 = vector.broadcast %add3A_630 : i32 to vector<16xi32>
    %add3A_632 = arith.addi %iota3A, %broadcast_in_dim3A_631 : vector<16xi32>
    %broadcast_in_dim3A_633 = arith.constant 0 : i32
    %broadcast_in_dim3A_634 = vector.broadcast %broadcast_in_dim3A_633 : i32 to vector<16xi32>
    %ge3A_635 = arith.cmpi sge, %add3A_632, %broadcast_in_dim3A_82 : vector<16xi32>
    %add3A_636 = arith.constant 1 : i32
    %add3A_637 = vector.broadcast %add3A_636 : i32 to vector<16xi32>
    %add3A_638 = arith.addi %broadcast_in_dim3A_634, %add3A_637 : vector<16xi32>
    %select_n3A_639 = arith.select %ge3A_635, %add3A_638, %broadcast_in_dim3A_634 : vector<16xi1>, vector<16xi32>
    %ge3A_640 = arith.cmpi sge, %add3A_632, %broadcast_in_dim3A_83 : vector<16xi32>
    %add3A_641 = arith.constant 1 : i32
    %add3A_642 = vector.broadcast %add3A_641 : i32 to vector<16xi32>
    %add3A_643 = arith.addi %select_n3A_639, %add3A_642 : vector<16xi32>
    %select_n3A_644 = arith.select %ge3A_640, %add3A_643, %select_n3A_639 : vector<16xi1>, vector<16xi32>
    %ge3A_645 = arith.cmpi sge, %add3A_632, %broadcast_in_dim3A_84 : vector<16xi32>
    %add3A_646 = arith.constant 1 : i32
    %add3A_647 = vector.broadcast %add3A_646 : i32 to vector<16xi32>
    %add3A_648 = arith.addi %select_n3A_644, %add3A_647 : vector<16xi32>
    %select_n3A_649 = arith.select %ge3A_645, %add3A_648, %select_n3A_644 : vector<16xi1>, vector<16xi32>
    %ge3A_650 = arith.cmpi sge, %add3A_632, %broadcast_in_dim3A_85 : vector<16xi32>
    %add3A_651 = arith.constant 1 : i32
    %add3A_652 = vector.broadcast %add3A_651 : i32 to vector<16xi32>
    %add3A_653 = arith.addi %select_n3A_649, %add3A_652 : vector<16xi32>
    %select_n3A_654 = arith.select %ge3A_650, %add3A_653, %select_n3A_649 : vector<16xi1>, vector<16xi32>
    %ge3A_655 = arith.cmpi sge, %add3A_632, %broadcast_in_dim3A_86 : vector<16xi32>
    %add3A_656 = arith.constant 1 : i32
    %add3A_657 = vector.broadcast %add3A_656 : i32 to vector<16xi32>
    %add3A_658 = arith.addi %select_n3A_654, %add3A_657 : vector<16xi32>
    %select_n3A_659 = arith.select %ge3A_655, %add3A_658, %select_n3A_654 : vector<16xi1>, vector<16xi32>
    %ge3A_660 = arith.cmpi sge, %add3A_632, %broadcast_in_dim3A_87 : vector<16xi32>
    %add3A_661 = arith.constant 1 : i32
    %add3A_662 = vector.broadcast %add3A_661 : i32 to vector<16xi32>
    %add3A_663 = arith.addi %select_n3A_659, %add3A_662 : vector<16xi32>
    %select_n3A_664 = arith.select %ge3A_660, %add3A_663, %select_n3A_659 : vector<16xi1>, vector<16xi32>
    %ge3A_665 = arith.cmpi sge, %add3A_632, %broadcast_in_dim3A_88 : vector<16xi32>
    %add3A_666 = arith.constant 1 : i32
    %add3A_667 = vector.broadcast %add3A_666 : i32 to vector<16xi32>
    %add3A_668 = arith.addi %select_n3A_664, %add3A_667 : vector<16xi32>
    %select_n3A_669 = arith.select %ge3A_665, %add3A_668, %select_n3A_664 : vector<16xi1>, vector<16xi32>
    %ge3A_670 = arith.cmpi sge, %add3A_632, %broadcast_in_dim3A_89 : vector<16xi32>
    %add3A_671 = arith.constant 1 : i32
    %add3A_672 = vector.broadcast %add3A_671 : i32 to vector<16xi32>
    %add3A_673 = arith.addi %select_n3A_669, %add3A_672 : vector<16xi32>
    %select_n3A_674 = arith.select %ge3A_670, %add3A_673, %select_n3A_669 : vector<16xi1>, vector<16xi32>
    %ge3A_675 = arith.cmpi sge, %add3A_632, %broadcast_in_dim3A_90 : vector<16xi32>
    %add3A_676 = arith.constant 1 : i32
    %add3A_677 = vector.broadcast %add3A_676 : i32 to vector<16xi32>
    %add3A_678 = arith.addi %select_n3A_674, %add3A_677 : vector<16xi32>
    %select_n3A_679 = arith.select %ge3A_675, %add3A_678, %select_n3A_674 : vector<16xi1>, vector<16xi32>
    %ge3A_680 = arith.cmpi sge, %add3A_632, %broadcast_in_dim3A_91 : vector<16xi32>
    %add3A_681 = arith.constant 1 : i32
    %add3A_682 = vector.broadcast %add3A_681 : i32 to vector<16xi32>
    %add3A_683 = arith.addi %select_n3A_679, %add3A_682 : vector<16xi32>
    %select_n3A_684 = arith.select %ge3A_680, %add3A_683, %select_n3A_679 : vector<16xi1>, vector<16xi32>
    %ge3A_685 = arith.cmpi sge, %add3A_632, %broadcast_in_dim3A_92 : vector<16xi32>
    %add3A_686 = arith.constant 1 : i32
    %add3A_687 = vector.broadcast %add3A_686 : i32 to vector<16xi32>
    %add3A_688 = arith.addi %select_n3A_684, %add3A_687 : vector<16xi32>
    %select_n3A_689 = arith.select %ge3A_685, %add3A_688, %select_n3A_684 : vector<16xi1>, vector<16xi32>
    %ge3A_690 = arith.cmpi sge, %add3A_632, %broadcast_in_dim3A_93 : vector<16xi32>
    %add3A_691 = arith.constant 1 : i32
    %add3A_692 = vector.broadcast %add3A_691 : i32 to vector<16xi32>
    %add3A_693 = arith.addi %select_n3A_689, %add3A_692 : vector<16xi32>
    %select_n3A_694 = arith.select %ge3A_690, %add3A_693, %select_n3A_689 : vector<16xi1>, vector<16xi32>
    %ge3A_695 = arith.cmpi sge, %add3A_632, %broadcast_in_dim3A_94 : vector<16xi32>
    %add3A_696 = arith.constant 1 : i32
    %add3A_697 = vector.broadcast %add3A_696 : i32 to vector<16xi32>
    %add3A_698 = arith.addi %select_n3A_694, %add3A_697 : vector<16xi32>
    %select_n3A_699 = arith.select %ge3A_695, %add3A_698, %select_n3A_694 : vector<16xi1>, vector<16xi32>
    %ge3A_700 = arith.cmpi sge, %add3A_632, %broadcast_in_dim3A_95 : vector<16xi32>
    %add3A_701 = arith.constant 1 : i32
    %add3A_702 = vector.broadcast %add3A_701 : i32 to vector<16xi32>
    %add3A_703 = arith.addi %select_n3A_699, %add3A_702 : vector<16xi32>
    %select_n3A_704 = arith.select %ge3A_700, %add3A_703, %select_n3A_699 : vector<16xi1>, vector<16xi32>
    %ge3A_705 = arith.cmpi sge, %add3A_632, %broadcast_in_dim3A_96 : vector<16xi32>
    %add3A_706 = arith.constant 1 : i32
    %add3A_707 = vector.broadcast %add3A_706 : i32 to vector<16xi32>
    %add3A_708 = arith.addi %select_n3A_704, %add3A_707 : vector<16xi32>
    %select_n3A_709 = arith.select %ge3A_705, %add3A_708, %select_n3A_704 : vector<16xi1>, vector<16xi32>
    %lt3A_710 = arith.cmpi slt, %add3A_632, %broadcast_in_dim3A : vector<16xi32>
    %jit3A_711 = arith.constant -1 : i32
    %broadcast_in_dim3A_712 = vector.broadcast %jit3A_711 : i32 to vector<16xi32>
    %select_n3A_713 = arith.select %lt3A_710, %select_n3A_709, %broadcast_in_dim3A_712 : vector<16xi1>, vector<16xi32>
    %swap3A_714 = arith.constant 96 : index
    %swap3A_715 = tpu.vector_load %arg5[%swap3A_714] {strides = array<i32>} : memref<256xi32, #tpu.memory_space<vmem>>, vector<16xi32>,
    %swap3A_716 = vector.shape_cast %swap3A_715 : vector<16xi32> to vector<16xi32>
    %swap3A_717 = vector.shape_cast %select_n3A_713 : vector<16xi32> to vector<16xi32>
    tpu.vector_store %arg5[%swap3A_714], %swap3A_717 {strides = array<i32>} : memref<256xi32, #tpu.memory_space<vmem>>, vector<16xi32>,
    %add3A_718 = arith.constant 112 : i32
    %add3A_719 = arith.addi %mul3A_32, %add3A_718 : i32
    %broadcast_in_dim3A_720 = vector.broadcast %add3A_719 : i32 to vector<16xi32>
    %add3A_721 = arith.addi %iota3A, %broadcast_in_dim3A_720 : vector<16xi32>
    %broadcast_in_dim3A_722 = arith.constant 0 : i32
    %broadcast_in_dim3A_723 = vector.broadcast %broadcast_in_dim3A_722 : i32 to vector<16xi32>
    %ge3A_724 = arith.cmpi sge, %add3A_721, %broadcast_in_dim3A_82 : vector<16xi32>
    %add3A_725 = arith.constant 1 : i32
    %add3A_726 = vector.broadcast %add3A_725 : i32 to vector<16xi32>
    %add3A_727 = arith.addi %broadcast_in_dim3A_723, %add3A_726 : vector<16xi32>
    %select_n3A_728 = arith.select %ge3A_724, %add3A_727, %broadcast_in_dim3A_723 : vector<16xi1>, vector<16xi32>
    %ge3A_729 = arith.cmpi sge, %add3A_721, %broadcast_in_dim3A_83 : vector<16xi32>
    %add3A_730 = arith.constant 1 : i32
    %add3A_731 = vector.broadcast %add3A_730 : i32 to vector<16xi32>
    %add3A_732 = arith.addi %select_n3A_728, %add3A_731 : vector<16xi32>
    %select_n3A_733 = arith.select %ge3A_729, %add3A_732, %select_n3A_728 : vector<16xi1>, vector<16xi32>
    %ge3A_734 = arith.cmpi sge, %add3A_721, %broadcast_in_dim3A_84 : vector<16xi32>
    %add3A_735 = arith.constant 1 : i32
    %add3A_736 = vector.broadcast %add3A_735 : i32 to vector<16xi32>
    %add3A_737 = arith.addi %select_n3A_733, %add3A_736 : vector<16xi32>
    %select_n3A_738 = arith.select %ge3A_734, %add3A_737, %select_n3A_733 : vector<16xi1>, vector<16xi32>
    %ge3A_739 = arith.cmpi sge, %add3A_721, %broadcast_in_dim3A_85 : vector<16xi32>
    %add3A_740 = arith.constant 1 : i32
    %add3A_741 = vector.broadcast %add3A_740 : i32 to vector<16xi32>
    %add3A_742 = arith.addi %select_n3A_738, %add3A_741 : vector<16xi32>
    %select_n3A_743 = arith.select %ge3A_739, %add3A_742, %select_n3A_738 : vector<16xi1>, vector<16xi32>
    %ge3A_744 = arith.cmpi sge, %add3A_721, %broadcast_in_dim3A_86 : vector<16xi32>
    %add3A_745 = arith.constant 1 : i32
    %add3A_746 = vector.broadcast %add3A_745 : i32 to vector<16xi32>
    %add3A_747 = arith.addi %select_n3A_743, %add3A_746 : vector<16xi32>
    %select_n3A_748 = arith.select %ge3A_744, %add3A_747, %select_n3A_743 : vector<16xi1>, vector<16xi32>
    %ge3A_749 = arith.cmpi sge, %add3A_721, %broadcast_in_dim3A_87 : vector<16xi32>
    %add3A_750 = arith.constant 1 : i32
    %add3A_751 = vector.broadcast %add3A_750 : i32 to vector<16xi32>
    %add3A_752 = arith.addi %select_n3A_748, %add3A_751 : vector<16xi32>
    %select_n3A_753 = arith.select %ge3A_749, %add3A_752, %select_n3A_748 : vector<16xi1>, vector<16xi32>
    %ge3A_754 = arith.cmpi sge, %add3A_721, %broadcast_in_dim3A_88 : vector<16xi32>
    %add3A_755 = arith.constant 1 : i32
    %add3A_756 = vector.broadcast %add3A_755 : i32 to vector<16xi32>
    %add3A_757 = arith.addi %select_n3A_753, %add3A_756 : vector<16xi32>
    %select_n3A_758 = arith.select %ge3A_754, %add3A_757, %select_n3A_753 : vector<16xi1>, vector<16xi32>
    %ge3A_759 = arith.cmpi sge, %add3A_721, %broadcast_in_dim3A_89 : vector<16xi32>
    %add3A_760 = arith.constant 1 : i32
    %add3A_761 = vector.broadcast %add3A_760 : i32 to vector<16xi32>
    %add3A_762 = arith.addi %select_n3A_758, %add3A_761 : vector<16xi32>
    %select_n3A_763 = arith.select %ge3A_759, %add3A_762, %select_n3A_758 : vector<16xi1>, vector<16xi32>
    %ge3A_764 = arith.cmpi sge, %add3A_721, %broadcast_in_dim3A_90 : vector<16xi32>
    %add3A_765 = arith.constant 1 : i32
    %add3A_766 = vector.broadcast %add3A_765 : i32 to vector<16xi32>
    %add3A_767 = arith.addi %select_n3A_763, %add3A_766 : vector<16xi32>
    %select_n3A_768 = arith.select %ge3A_764, %add3A_767, %select_n3A_763 : vector<16xi1>, vector<16xi32>
    %ge3A_769 = arith.cmpi sge, %add3A_721, %broadcast_in_dim3A_91 : vector<16xi32>
    %add3A_770 = arith.constant 1 : i32
    %add3A_771 = vector.broadcast %add3A_770 : i32 to vector<16xi32>
    %add3A_772 = arith.addi %select_n3A_768, %add3A_771 : vector<16xi32>
    %select_n3A_773 = arith.select %ge3A_769, %add3A_772, %select_n3A_768 : vector<16xi1>, vector<16xi32>
    %ge3A_774 = arith.cmpi sge, %add3A_721, %broadcast_in_dim3A_92 : vector<16xi32>
    %add3A_775 = arith.constant 1 : i32
    %add3A_776 = vector.broadcast %add3A_775 : i32 to vector<16xi32>
    %add3A_777 = arith.addi %select_n3A_773, %add3A_776 : vector<16xi32>
    %select_n3A_778 = arith.select %ge3A_774, %add3A_777, %select_n3A_773 : vector<16xi1>, vector<16xi32>
    %ge3A_779 = arith.cmpi sge, %add3A_721, %broadcast_in_dim3A_93 : vector<16xi32>
    %add3A_780 = arith.constant 1 : i32
    %add3A_781 = vector.broadcast %add3A_780 : i32 to vector<16xi32>
    %add3A_782 = arith.addi %select_n3A_778, %add3A_781 : vector<16xi32>
    %select_n3A_783 = arith.select %ge3A_779, %add3A_782, %select_n3A_778 : vector<16xi1>, vector<16xi32>
    %ge3A_784 = arith.cmpi sge, %add3A_721, %broadcast_in_dim3A_94 : vector<16xi32>
    %add3A_785 = arith.constant 1 : i32
    %add3A_786 = vector.broadcast %add3A_785 : i32 to vector<16xi32>
    %add3A_787 = arith.addi %select_n3A_783, %add3A_786 : vector<16xi32>
    %select_n3A_788 = arith.select %ge3A_784, %add3A_787, %select_n3A_783 : vector<16xi1>, vector<16xi32>
    %ge3A_789 = arith.cmpi sge, %add3A_721, %broadcast_in_dim3A_95 : vector<16xi32>
    %add3A_790 = arith.constant 1 : i32
    %add3A_791 = vector.broadcast %add3A_790 : i32 to vector<16xi32>
    %add3A_792 = arith.addi %select_n3A_788, %add3A_791 : vector<16xi32>
    %select_n3A_793 = arith.select %ge3A_789, %add3A_792, %select_n3A_788 : vector<16xi1>, vector<16xi32>
    %ge3A_794 = arith.cmpi sge, %add3A_721, %broadcast_in_dim3A_96 : vector<16xi32>
    %add3A_795 = arith.constant 1 : i32
    %add3A_796 = vector.broadcast %add3A_795 : i32 to vector<16xi32>
    %add3A_797 = arith.addi %select_n3A_793, %add3A_796 : vector<16xi32>
    %select_n3A_798 = arith.select %ge3A_794, %add3A_797, %select_n3A_793 : vector<16xi1>, vector<16xi32>
    %lt3A_799 = arith.cmpi slt, %add3A_721, %broadcast_in_dim3A : vector<16xi32>
    %jit3A_800 = arith.constant -1 : i32
    %broadcast_in_dim3A_801 = vector.broadcast %jit3A_800 : i32 to vector<16xi32>
    %select_n3A_802 = arith.select %lt3A_799, %select_n3A_798, %broadcast_in_dim3A_801 : vector<16xi1>, vector<16xi32>
    %swap3A_803 = arith.constant 112 : index
    %swap3A_804 = tpu.vector_load %arg5[%swap3A_803] {strides = array<i32>} : memref<256xi32, #tpu.memory_space<vmem>>, vector<16xi32>,
    %swap3A_805 = vector.shape_cast %swap3A_804 : vector<16xi32> to vector<16xi32>
    %swap3A_806 = vector.shape_cast %select_n3A_802 : vector<16xi32> to vector<16xi32>
    tpu.vector_store %arg5[%swap3A_803], %swap3A_806 {strides = array<i32>} : memref<256xi32, #tpu.memory_space<vmem>>, vector<16xi32>,
    %add3A_807 = arith.constant 128 : i32
    %add3A_808 = arith.addi %mul3A_32, %add3A_807 : i32
    %broadcast_in_dim3A_809 = vector.broadcast %add3A_808 : i32 to vector<16xi32>
    %add3A_810 = arith.addi %iota3A, %broadcast_in_dim3A_809 : vector<16xi32>
    %broadcast_in_dim3A_811 = arith.constant 0 : i32
    %broadcast_in_dim3A_812 = vector.broadcast %broadcast_in_dim3A_811 : i32 to vector<16xi32>
    %ge3A_813 = arith.cmpi sge, %add3A_810, %broadcast_in_dim3A_82 : vector<16xi32>
    %add3A_814 = arith.constant 1 : i32
    %add3A_815 = vector.broadcast %add3A_814 : i32 to vector<16xi32>
    %add3A_816 = arith.addi %broadcast_in_dim3A_812, %add3A_815 : vector<16xi32>
    %select_n3A_817 = arith.select %ge3A_813, %add3A_816, %broadcast_in_dim3A_812 : vector<16xi1>, vector<16xi32>
    %ge3A_818 = arith.cmpi sge, %add3A_810, %broadcast_in_dim3A_83 : vector<16xi32>
    %add3A_819 = arith.constant 1 : i32
    %add3A_820 = vector.broadcast %add3A_819 : i32 to vector<16xi32>
    %add3A_821 = arith.addi %select_n3A_817, %add3A_820 : vector<16xi32>
    %select_n3A_822 = arith.select %ge3A_818, %add3A_821, %select_n3A_817 : vector<16xi1>, vector<16xi32>
    %ge3A_823 = arith.cmpi sge, %add3A_810, %broadcast_in_dim3A_84 : vector<16xi32>
    %add3A_824 = arith.constant 1 : i32
    %add3A_825 = vector.broadcast %add3A_824 : i32 to vector<16xi32>
    %add3A_826 = arith.addi %select_n3A_822, %add3A_825 : vector<16xi32>
    %select_n3A_827 = arith.select %ge3A_823, %add3A_826, %select_n3A_822 : vector<16xi1>, vector<16xi32>
    %ge3A_828 = arith.cmpi sge, %add3A_810, %broadcast_in_dim3A_85 : vector<16xi32>
    %add3A_829 = arith.constant 1 : i32
    %add3A_830 = vector.broadcast %add3A_829 : i32 to vector<16xi32>
    %add3A_831 = arith.addi %select_n3A_827, %add3A_830 : vector<16xi32>
    %select_n3A_832 = arith.select %ge3A_828, %add3A_831, %select_n3A_827 : vector<16xi1>, vector<16xi32>
    %ge3A_833 = arith.cmpi sge, %add3A_810, %broadcast_in_dim3A_86 : vector<16xi32>
    %add3A_834 = arith.constant 1 : i32
    %add3A_835 = vector.broadcast %add3A_834 : i32 to vector<16xi32>
    %add3A_836 = arith.addi %select_n3A_832, %add3A_835 : vector<16xi32>
    %select_n3A_837 = arith.select %ge3A_833, %add3A_836, %select_n3A_832 : vector<16xi1>, vector<16xi32>
    %ge3A_838 = arith.cmpi sge, %add3A_810, %broadcast_in_dim3A_87 : vector<16xi32>
    %add3A_839 = arith.constant 1 : i32
    %add3A_840 = vector.broadcast %add3A_839 : i32 to vector<16xi32>
    %add3A_841 = arith.addi %select_n3A_837, %add3A_840 : vector<16xi32>
    %select_n3A_842 = arith.select %ge3A_838, %add3A_841, %select_n3A_837 : vector<16xi1>, vector<16xi32>
    %ge3A_843 = arith.cmpi sge, %add3A_810, %broadcast_in_dim3A_88 : vector<16xi32>
    %add3A_844 = arith.constant 1 : i32
    %add3A_845 = vector.broadcast %add3A_844 : i32 to vector<16xi32>
    %add3A_846 = arith.addi %select_n3A_842, %add3A_845 : vector<16xi32>
    %select_n3A_847 = arith.select %ge3A_843, %add3A_846, %select_n3A_842 : vector<16xi1>, vector<16xi32>
    %ge3A_848 = arith.cmpi sge, %add3A_810, %broadcast_in_dim3A_89 : vector<16xi32>
    %add3A_849 = arith.constant 1 : i32
    %add3A_850 = vector.broadcast %add3A_849 : i32 to vector<16xi32>
    %add3A_851 = arith.addi %select_n3A_847, %add3A_850 : vector<16xi32>
    %select_n3A_852 = arith.select %ge3A_848, %add3A_851, %select_n3A_847 : vector<16xi1>, vector<16xi32>
    %ge3A_853 = arith.cmpi sge, %add3A_810, %broadcast_in_dim3A_90 : vector<16xi32>
    %add3A_854 = arith.constant 1 : i32
    %add3A_855 = vector.broadcast %add3A_854 : i32 to vector<16xi32>
    %add3A_856 = arith.addi %select_n3A_852, %add3A_855 : vector<16xi32>
    %select_n3A_857 = arith.select %ge3A_853, %add3A_856, %select_n3A_852 : vector<16xi1>, vector<16xi32>
    %ge3A_858 = arith.cmpi sge, %add3A_810, %broadcast_in_dim3A_91 : vector<16xi32>
    %add3A_859 = arith.constant 1 : i32
    %add3A_860 = vector.broadcast %add3A_859 : i32 to vector<16xi32>
    %add3A_861 = arith.addi %select_n3A_857, %add3A_860 : vector<16xi32>
    %select_n3A_862 = arith.select %ge3A_858, %add3A_861, %select_n3A_857 : vector<16xi1>, vector<16xi32>
    %ge3A_863 = arith.cmpi sge, %add3A_810, %broadcast_in_dim3A_92 : vector<16xi32>
    %add3A_864 = arith.constant 1 : i32
    %add3A_865 = vector.broadcast %add3A_864 : i32 to vector<16xi32>
    %add3A_866 = arith.addi %select_n3A_862, %add3A_865 : vector<16xi32>
    %select_n3A_867 = arith.select %ge3A_863, %add3A_866, %select_n3A_862 : vector<16xi1>, vector<16xi32>
    %ge3A_868 = arith.cmpi sge, %add3A_810, %broadcast_in_dim3A_93 : vector<16xi32>
    %add3A_869 = arith.constant 1 : i32
    %add3A_870 = vector.broadcast %add3A_869 : i32 to vector<16xi32>
    %add3A_871 = arith.addi %select_n3A_867, %add3A_870 : vector<16xi32>
    %select_n3A_872 = arith.select %ge3A_868, %add3A_871, %select_n3A_867 : vector<16xi1>, vector<16xi32>
    %ge3A_873 = arith.cmpi sge, %add3A_810, %broadcast_in_dim3A_94 : vector<16xi32>
    %add3A_874 = arith.constant 1 : i32
    %add3A_875 = vector.broadcast %add3A_874 : i32 to vector<16xi32>
    %add3A_876 = arith.addi %select_n3A_872, %add3A_875 : vector<16xi32>
    %select_n3A_877 = arith.select %ge3A_873, %add3A_876, %select_n3A_872 : vector<16xi1>, vector<16xi32>
    %ge3A_878 = arith.cmpi sge, %add3A_810, %broadcast_in_dim3A_95 : vector<16xi32>
    %add3A_879 = arith.constant 1 : i32
    %add3A_880 = vector.broadcast %add3A_879 : i32 to vector<16xi32>
    %add3A_881 = arith.addi %select_n3A_877, %add3A_880 : vector<16xi32>
    %select_n3A_882 = arith.select %ge3A_878, %add3A_881, %select_n3A_877 : vector<16xi1>, vector<16xi32>
    %ge3A_883 = arith.cmpi sge, %add3A_810, %broadcast_in_dim3A_96 : vector<16xi32>
    %add3A_884 = arith.constant 1 : i32
    %add3A_885 = vector.broadcast %add3A_884 : i32 to vector<16xi32>
    %add3A_886 = arith.addi %select_n3A_882, %add3A_885 : vector<16xi32>
    %select_n3A_887 = arith.select %ge3A_883, %add3A_886, %select_n3A_882 : vector<16xi1>, vector<16xi32>
    %lt3A_888 = arith.cmpi slt, %add3A_810, %broadcast_in_dim3A : vector<16xi32>
    %jit3A_889 = arith.constant -1 : i32
    %broadcast_in_dim3A_890 = vector.broadcast %jit3A_889 : i32 to vector<16xi32>
    %select_n3A_891 = arith.select %lt3A_888, %select_n3A_887, %broadcast_in_dim3A_890 : vector<16xi1>, vector<16xi32>
    %swap3A_892 = arith.constant 128 : index
    %swap3A_893 = tpu.vector_load %arg5[%swap3A_892] {strides = array<i32>} : memref<256xi32, #tpu.memory_space<vmem>>, vector<16xi32>,
    %swap3A_894 = vector.shape_cast %swap3A_893 : vector<16xi32> to vector<16xi32>
    %swap3A_895 = vector.shape_cast %select_n3A_891 : vector<16xi32> to vector<16xi32>
    tpu.vector_store %arg5[%swap3A_892], %swap3A_895 {strides = array<i32>} : memref<256xi32, #tpu.memory_space<vmem>>, vector<16xi32>,
    %add3A_896 = arith.constant 144 : i32
    %add3A_897 = arith.addi %mul3A_32, %add3A_896 : i32
    %broadcast_in_dim3A_898 = vector.broadcast %add3A_897 : i32 to vector<16xi32>
    %add3A_899 = arith.addi %iota3A, %broadcast_in_dim3A_898 : vector<16xi32>
    %broadcast_in_dim3A_900 = arith.constant 0 : i32
    %broadcast_in_dim3A_901 = vector.broadcast %broadcast_in_dim3A_900 : i32 to vector<16xi32>
    %ge3A_902 = arith.cmpi sge, %add3A_899, %broadcast_in_dim3A_82 : vector<16xi32>
    %add3A_903 = arith.constant 1 : i32
    %add3A_904 = vector.broadcast %add3A_903 : i32 to vector<16xi32>
    %add3A_905 = arith.addi %broadcast_in_dim3A_901, %add3A_904 : vector<16xi32>
    %select_n3A_906 = arith.select %ge3A_902, %add3A_905, %broadcast_in_dim3A_901 : vector<16xi1>, vector<16xi32>
    %ge3A_907 = arith.cmpi sge, %add3A_899, %broadcast_in_dim3A_83 : vector<16xi32>
    %add3A_908 = arith.constant 1 : i32
    %add3A_909 = vector.broadcast %add3A_908 : i32 to vector<16xi32>
    %add3A_910 = arith.addi %select_n3A_906, %add3A_909 : vector<16xi32>
    %select_n3A_911 = arith.select %ge3A_907, %add3A_910, %select_n3A_906 : vector<16xi1>, vector<16xi32>
    %ge3A_912 = arith.cmpi sge, %add3A_899, %broadcast_in_dim3A_84 : vector<16xi32>
    %add3A_913 = arith.constant 1 : i32
    %add3A_914 = vector.broadcast %add3A_913 : i32 to vector<16xi32>
    %add3A_915 = arith.addi %select_n3A_911, %add3A_914 : vector<16xi32>
    %select_n3A_916 = arith.select %ge3A_912, %add3A_915, %select_n3A_911 : vector<16xi1>, vector<16xi32>
    %ge3A_917 = arith.cmpi sge, %add3A_899, %broadcast_in_dim3A_85 : vector<16xi32>
    %add3A_918 = arith.constant 1 : i32
    %add3A_919 = vector.broadcast %add3A_918 : i32 to vector<16xi32>
    %add3A_920 = arith.addi %select_n3A_916, %add3A_919 : vector<16xi32>
    %select_n3A_921 = arith.select %ge3A_917, %add3A_920, %select_n3A_916 : vector<16xi1>, vector<16xi32>
    %ge3A_922 = arith.cmpi sge, %add3A_899, %broadcast_in_dim3A_86 : vector<16xi32>
    %add3A_923 = arith.constant 1 : i32
    %add3A_924 = vector.broadcast %add3A_923 : i32 to vector<16xi32>
    %add3A_925 = arith.addi %select_n3A_921, %add3A_924 : vector<16xi32>
    %select_n3A_926 = arith.select %ge3A_922, %add3A_925, %select_n3A_921 : vector<16xi1>, vector<16xi32>
    %ge3A_927 = arith.cmpi sge, %add3A_899, %broadcast_in_dim3A_87 : vector<16xi32>
    %add3A_928 = arith.constant 1 : i32
    %add3A_929 = vector.broadcast %add3A_928 : i32 to vector<16xi32>
    %add3A_930 = arith.addi %select_n3A_926, %add3A_929 : vector<16xi32>
    %select_n3A_931 = arith.select %ge3A_927, %add3A_930, %select_n3A_926 : vector<16xi1>, vector<16xi32>
    %ge3A_932 = arith.cmpi sge, %add3A_899, %broadcast_in_dim3A_88 : vector<16xi32>
    %add3A_933 = arith.constant 1 : i32
    %add3A_934 = vector.broadcast %add3A_933 : i32 to vector<16xi32>
    %add3A_935 = arith.addi %select_n3A_931, %add3A_934 : vector<16xi32>
    %select_n3A_936 = arith.select %ge3A_932, %add3A_935, %select_n3A_931 : vector<16xi1>, vector<16xi32>
    %ge3A_937 = arith.cmpi sge, %add3A_899, %broadcast_in_dim3A_89 : vector<16xi32>
    %add3A_938 = arith.constant 1 : i32
    %add3A_939 = vector.broadcast %add3A_938 : i32 to vector<16xi32>
    %add3A_940 = arith.addi %select_n3A_936, %add3A_939 : vector<16xi32>
    %select_n3A_941 = arith.select %ge3A_937, %add3A_940, %select_n3A_936 : vector<16xi1>, vector<16xi32>
    %ge3A_942 = arith.cmpi sge, %add3A_899, %broadcast_in_dim3A_90 : vector<16xi32>
    %add3A_943 = arith.constant 1 : i32
    %add3A_944 = vector.broadcast %add3A_943 : i32 to vector<16xi32>
    %add3A_945 = arith.addi %select_n3A_941, %add3A_944 : vector<16xi32>
    %select_n3A_946 = arith.select %ge3A_942, %add3A_945, %select_n3A_941 : vector<16xi1>, vector<16xi32>
    %ge3A_947 = arith.cmpi sge, %add3A_899, %broadcast_in_dim3A_91 : vector<16xi32>
    %add3A_948 = arith.constant 1 : i32
    %add3A_949 = vector.broadcast %add3A_948 : i32 to vector<16xi32>
    %add3A_950 = arith.addi %select_n3A_946, %add3A_949 : vector<16xi32>
    %select_n3A_951 = arith.select %ge3A_947, %add3A_950, %select_n3A_946 : vector<16xi1>, vector<16xi32>
    %ge3A_952 = arith.cmpi sge, %add3A_899, %broadcast_in_dim3A_92 : vector<16xi32>
    %add3A_953 = arith.constant 1 : i32
    %add3A_954 = vector.broadcast %add3A_953 : i32 to vector<16xi32>
    %add3A_955 = arith.addi %select_n3A_951, %add3A_954 : vector<16xi32>
    %select_n3A_956 = arith.select %ge3A_952, %add3A_955, %select_n3A_951 : vector<16xi1>, vector<16xi32>
    %ge3A_957 = arith.cmpi sge, %add3A_899, %broadcast_in_dim3A_93 : vector<16xi32>
    %add3A_958 = arith.constant 1 : i32
    %add3A_959 = vector.broadcast %add3A_958 : i32 to vector<16xi32>
    %add3A_960 = arith.addi %select_n3A_956, %add3A_959 : vector<16xi32>
    %select_n3A_961 = arith.select %ge3A_957, %add3A_960, %select_n3A_956 : vector<16xi1>, vector<16xi32>
    %ge3A_962 = arith.cmpi sge, %add3A_899, %broadcast_in_dim3A_94 : vector<16xi32>
    %add3A_963 = arith.constant 1 : i32
    %add3A_964 = vector.broadcast %add3A_963 : i32 to vector<16xi32>
    %add3A_965 = arith.addi %select_n3A_961, %add3A_964 : vector<16xi32>
    %select_n3A_966 = arith.select %ge3A_962, %add3A_965, %select_n3A_961 : vector<16xi1>, vector<16xi32>
    %ge3A_967 = arith.cmpi sge, %add3A_899, %broadcast_in_dim3A_95 : vector<16xi32>
    %add3A_968 = arith.constant 1 : i32
    %add3A_969 = vector.broadcast %add3A_968 : i32 to vector<16xi32>
    %add3A_970 = arith.addi %select_n3A_966, %add3A_969 : vector<16xi32>
    %select_n3A_971 = arith.select %ge3A_967, %add3A_970, %select_n3A_966 : vector<16xi1>, vector<16xi32>
    %ge3A_972 = arith.cmpi sge, %add3A_899, %broadcast_in_dim3A_96 : vector<16xi32>
    %add3A_973 = arith.constant 1 : i32
    %add3A_974 = vector.broadcast %add3A_973 : i32 to vector<16xi32>
    %add3A_975 = arith.addi %select_n3A_971, %add3A_974 : vector<16xi32>
    %select_n3A_976 = arith.select %ge3A_972, %add3A_975, %select_n3A_971 : vector<16xi1>, vector<16xi32>
    %lt3A_977 = arith.cmpi slt, %add3A_899, %broadcast_in_dim3A : vector<16xi32>
    %jit3A_978 = arith.constant -1 : i32
    %broadcast_in_dim3A_979 = vector.broadcast %jit3A_978 : i32 to vector<16xi32>
    %select_n3A_980 = arith.select %lt3A_977, %select_n3A_976, %broadcast_in_dim3A_979 : vector<16xi1>, vector<16xi32>
    %swap3A_981 = arith.constant 144 : index
    %swap3A_982 = tpu.vector_load %arg5[%swap3A_981] {strides = array<i32>} : memref<256xi32, #tpu.memory_space<vmem>>, vector<16xi32>,
    %swap3A_983 = vector.shape_cast %swap3A_982 : vector<16xi32> to vector<16xi32>
    %swap3A_984 = vector.shape_cast %select_n3A_980 : vector<16xi32> to vector<16xi32>
    tpu.vector_store %arg5[%swap3A_981], %swap3A_984 {strides = array<i32>} : memref<256xi32, #tpu.memory_space<vmem>>, vector<16xi32>,
    %add3A_985 = arith.constant 160 : i32
    %add3A_986 = arith.addi %mul3A_32, %add3A_985 : i32
    %broadcast_in_dim3A_987 = vector.broadcast %add3A_986 : i32 to vector<16xi32>
    %add3A_988 = arith.addi %iota3A, %broadcast_in_dim3A_987 : vector<16xi32>
    %broadcast_in_dim3A_989 = arith.constant 0 : i32
    %broadcast_in_dim3A_990 = vector.broadcast %broadcast_in_dim3A_989 : i32 to vector<16xi32>
    %ge3A_991 = arith.cmpi sge, %add3A_988, %broadcast_in_dim3A_82 : vector<16xi32>
    %add3A_992 = arith.constant 1 : i32
    %add3A_993 = vector.broadcast %add3A_992 : i32 to vector<16xi32>
    %add3A_994 = arith.addi %broadcast_in_dim3A_990, %add3A_993 : vector<16xi32>
    %select_n3A_995 = arith.select %ge3A_991, %add3A_994, %broadcast_in_dim3A_990 : vector<16xi1>, vector<16xi32>
    %ge3A_996 = arith.cmpi sge, %add3A_988, %broadcast_in_dim3A_83 : vector<16xi32>
    %add3A_997 = arith.constant 1 : i32
    %add3A_998 = vector.broadcast %add3A_997 : i32 to vector<16xi32>
    %add3A_999 = arith.addi %select_n3A_995, %add3A_998 : vector<16xi32>
    %select_n3A_1000 = arith.select %ge3A_996, %add3A_999, %select_n3A_995 : vector<16xi1>, vector<16xi32>
    %ge3A_1001 = arith.cmpi sge, %add3A_988, %broadcast_in_dim3A_84 : vector<16xi32>
    %add3A_1002 = arith.constant 1 : i32
    %add3A_1003 = vector.broadcast %add3A_1002 : i32 to vector<16xi32>
    %add3A_1004 = arith.addi %select_n3A_1000, %add3A_1003 : vector<16xi32>
    %select_n3A_1005 = arith.select %ge3A_1001, %add3A_1004, %select_n3A_1000 : vector<16xi1>, vector<16xi32>
    %ge3A_1006 = arith.cmpi sge, %add3A_988, %broadcast_in_dim3A_85 : vector<16xi32>
    %add3A_1007 = arith.constant 1 : i32
    %add3A_1008 = vector.broadcast %add3A_1007 : i32 to vector<16xi32>
    %add3A_1009 = arith.addi %select_n3A_1005, %add3A_1008 : vector<16xi32>
    %select_n3A_1010 = arith.select %ge3A_1006, %add3A_1009, %select_n3A_1005 : vector<16xi1>, vector<16xi32>
    %ge3A_1011 = arith.cmpi sge, %add3A_988, %broadcast_in_dim3A_86 : vector<16xi32>
    %add3A_1012 = arith.constant 1 : i32
    %add3A_1013 = vector.broadcast %add3A_1012 : i32 to vector<16xi32>
    %add3A_1014 = arith.addi %select_n3A_1010, %add3A_1013 : vector<16xi32>
    %select_n3A_1015 = arith.select %ge3A_1011, %add3A_1014, %select_n3A_1010 : vector<16xi1>, vector<16xi32>
    %ge3A_1016 = arith.cmpi sge, %add3A_988, %broadcast_in_dim3A_87 : vector<16xi32>
    %add3A_1017 = arith.constant 1 : i32
    %add3A_1018 = vector.broadcast %add3A_1017 : i32 to vector<16xi32>
    %add3A_1019 = arith.addi %select_n3A_1015, %add3A_1018 : vector<16xi32>
    %select_n3A_1020 = arith.select %ge3A_1016, %add3A_1019, %select_n3A_1015 : vector<16xi1>, vector<16xi32>
    %ge3A_1021 = arith.cmpi sge, %add3A_988, %broadcast_in_dim3A_88 : vector<16xi32>
    %add3A_1022 = arith.constant 1 : i32
    %add3A_1023 = vector.broadcast %add3A_1022 : i32 to vector<16xi32>
    %add3A_1024 = arith.addi %select_n3A_1020, %add3A_1023 : vector<16xi32>
    %select_n3A_1025 = arith.select %ge3A_1021, %add3A_1024, %select_n3A_1020 : vector<16xi1>, vector<16xi32>
    %ge3A_1026 = arith.cmpi sge, %add3A_988, %broadcast_in_dim3A_89 : vector<16xi32>
    %add3A_1027 = arith.constant 1 : i32
    %add3A_1028 = vector.broadcast %add3A_1027 : i32 to vector<16xi32>
    %add3A_1029 = arith.addi %select_n3A_1025, %add3A_1028 : vector<16xi32>
    %select_n3A_1030 = arith.select %ge3A_1026, %add3A_1029, %select_n3A_1025 : vector<16xi1>, vector<16xi32>
    %ge3A_1031 = arith.cmpi sge, %add3A_988, %broadcast_in_dim3A_90 : vector<16xi32>
    %add3A_1032 = arith.constant 1 : i32
    %add3A_1033 = vector.broadcast %add3A_1032 : i32 to vector<16xi32>
    %add3A_1034 = arith.addi %select_n3A_1030, %add3A_1033 : vector<16xi32>
    %select_n3A_1035 = arith.select %ge3A_1031, %add3A_1034, %select_n3A_1030 : vector<16xi1>, vector<16xi32>
    %ge3A_1036 = arith.cmpi sge, %add3A_988, %broadcast_in_dim3A_91 : vector<16xi32>
    %add3A_1037 = arith.constant 1 : i32
    %add3A_1038 = vector.broadcast %add3A_1037 : i32 to vector<16xi32>
    %add3A_1039 = arith.addi %select_n3A_1035, %add3A_1038 : vector<16xi32>
    %select_n3A_1040 = arith.select %ge3A_1036, %add3A_1039, %select_n3A_1035 : vector<16xi1>, vector<16xi32>
    %ge3A_1041 = arith.cmpi sge, %add3A_988, %broadcast_in_dim3A_92 : vector<16xi32>
    %add3A_1042 = arith.constant 1 : i32
    %add3A_1043 = vector.broadcast %add3A_1042 : i32 to vector<16xi32>
    %add3A_1044 = arith.addi %select_n3A_1040, %add3A_1043 : vector<16xi32>
    %select_n3A_1045 = arith.select %ge3A_1041, %add3A_1044, %select_n3A_1040 : vector<16xi1>, vector<16xi32>
    %ge3A_1046 = arith.cmpi sge, %add3A_988, %broadcast_in_dim3A_93 : vector<16xi32>
    %add3A_1047 = arith.constant 1 : i32
    %add3A_1048 = vector.broadcast %add3A_1047 : i32 to vector<16xi32>
    %add3A_1049 = arith.addi %select_n3A_1045, %add3A_1048 : vector<16xi32>
    %select_n3A_1050 = arith.select %ge3A_1046, %add3A_1049, %select_n3A_1045 : vector<16xi1>, vector<16xi32>
    %ge3A_1051 = arith.cmpi sge, %add3A_988, %broadcast_in_dim3A_94 : vector<16xi32>
    %add3A_1052 = arith.constant 1 : i32
    %add3A_1053 = vector.broadcast %add3A_1052 : i32 to vector<16xi32>
    %add3A_1054 = arith.addi %select_n3A_1050, %add3A_1053 : vector<16xi32>
    %select_n3A_1055 = arith.select %ge3A_1051, %add3A_1054, %select_n3A_1050 : vector<16xi1>, vector<16xi32>
    %ge3A_1056 = arith.cmpi sge, %add3A_988, %broadcast_in_dim3A_95 : vector<16xi32>
    %add3A_1057 = arith.constant 1 : i32
    %add3A_1058 = vector.broadcast %add3A_1057 : i32 to vector<16xi32>
    %add3A_1059 = arith.addi %select_n3A_1055, %add3A_1058 : vector<16xi32>
    %select_n3A_1060 = arith.select %ge3A_1056, %add3A_1059, %select_n3A_1055 : vector<16xi1>, vector<16xi32>
    %ge3A_1061 = arith.cmpi sge, %add3A_988, %broadcast_in_dim3A_96 : vector<16xi32>
    %add3A_1062 = arith.constant 1 : i32
    %add3A_1063 = vector.broadcast %add3A_1062 : i32 to vector<16xi32>
    %add3A_1064 = arith.addi %select_n3A_1060, %add3A_1063 : vector<16xi32>
    %select_n3A_1065 = arith.select %ge3A_1061, %add3A_1064, %select_n3A_1060 : vector<16xi1>, vector<16xi32>
    %lt3A_1066 = arith.cmpi slt, %add3A_988, %broadcast_in_dim3A : vector<16xi32>
    %jit3A_1067 = arith.constant -1 : i32
    %broadcast_in_dim3A_1068 = vector.broadcast %jit3A_1067 : i32 to vector<16xi32>
    %select_n3A_1069 = arith.select %lt3A_1066, %select_n3A_1065, %broadcast_in_dim3A_1068 : vector<16xi1>, vector<16xi32>
    %swap3A_1070 = arith.constant 160 : index
    %swap3A_1071 = tpu.vector_load %arg5[%swap3A_1070] {strides = array<i32>} : memref<256xi32, #tpu.memory_space<vmem>>, vector<16xi32>,
    %swap3A_1072 = vector.shape_cast %swap3A_1071 : vector<16xi32> to vector<16xi32>
    %swap3A_1073 = vector.shape_cast %select_n3A_1069 : vector<16xi32> to vector<16xi32>
    tpu.vector_store %arg5[%swap3A_1070], %swap3A_1073 {strides = array<i32>} : memref<256xi32, #tpu.memory_space<vmem>>, vector<16xi32>,
    %add3A_1074 = arith.constant 176 : i32
    %add3A_1075 = arith.addi %mul3A_32, %add3A_1074 : i32
    %broadcast_in_dim3A_1076 = vector.broadcast %add3A_1075 : i32 to vector<16xi32>
    %add3A_1077 = arith.addi %iota3A, %broadcast_in_dim3A_1076 : vector<16xi32>
    %broadcast_in_dim3A_1078 = arith.constant 0 : i32
    %broadcast_in_dim3A_1079 = vector.broadcast %broadcast_in_dim3A_1078 : i32 to vector<16xi32>
    %ge3A_1080 = arith.cmpi sge, %add3A_1077, %broadcast_in_dim3A_82 : vector<16xi32>
    %add3A_1081 = arith.constant 1 : i32
    %add3A_1082 = vector.broadcast %add3A_1081 : i32 to vector<16xi32>
    %add3A_1083 = arith.addi %broadcast_in_dim3A_1079, %add3A_1082 : vector<16xi32>
    %select_n3A_1084 = arith.select %ge3A_1080, %add3A_1083, %broadcast_in_dim3A_1079 : vector<16xi1>, vector<16xi32>
    %ge3A_1085 = arith.cmpi sge, %add3A_1077, %broadcast_in_dim3A_83 : vector<16xi32>
    %add3A_1086 = arith.constant 1 : i32
    %add3A_1087 = vector.broadcast %add3A_1086 : i32 to vector<16xi32>
    %add3A_1088 = arith.addi %select_n3A_1084, %add3A_1087 : vector<16xi32>
    %select_n3A_1089 = arith.select %ge3A_1085, %add3A_1088, %select_n3A_1084 : vector<16xi1>, vector<16xi32>
    %ge3A_1090 = arith.cmpi sge, %add3A_1077, %broadcast_in_dim3A_84 : vector<16xi32>
    %add3A_1091 = arith.constant 1 : i32
    %add3A_1092 = vector.broadcast %add3A_1091 : i32 to vector<16xi32>
    %add3A_1093 = arith.addi %select_n3A_1089, %add3A_1092 : vector<16xi32>
    %select_n3A_1094 = arith.select %ge3A_1090, %add3A_1093, %select_n3A_1089 : vector<16xi1>, vector<16xi32>
    %ge3A_1095 = arith.cmpi sge, %add3A_1077, %broadcast_in_dim3A_85 : vector<16xi32>
    %add3A_1096 = arith.constant 1 : i32
    %add3A_1097 = vector.broadcast %add3A_1096 : i32 to vector<16xi32>
    %add3A_1098 = arith.addi %select_n3A_1094, %add3A_1097 : vector<16xi32>
    %select_n3A_1099 = arith.select %ge3A_1095, %add3A_1098, %select_n3A_1094 : vector<16xi1>, vector<16xi32>
    %ge3A_1100 = arith.cmpi sge, %add3A_1077, %broadcast_in_dim3A_86 : vector<16xi32>
    %add3A_1101 = arith.constant 1 : i32
    %add3A_1102 = vector.broadcast %add3A_1101 : i32 to vector<16xi32>
    %add3A_1103 = arith.addi %select_n3A_1099, %add3A_1102 : vector<16xi32>
    %select_n3A_1104 = arith.select %ge3A_1100, %add3A_1103, %select_n3A_1099 : vector<16xi1>, vector<16xi32>
    %ge3A_1105 = arith.cmpi sge, %add3A_1077, %broadcast_in_dim3A_87 : vector<16xi32>
    %add3A_1106 = arith.constant 1 : i32
    %add3A_1107 = vector.broadcast %add3A_1106 : i32 to vector<16xi32>
    %add3A_1108 = arith.addi %select_n3A_1104, %add3A_1107 : vector<16xi32>
    %select_n3A_1109 = arith.select %ge3A_1105, %add3A_1108, %select_n3A_1104 : vector<16xi1>, vector<16xi32>
    %ge3A_1110 = arith.cmpi sge, %add3A_1077, %broadcast_in_dim3A_88 : vector<16xi32>
    %add3A_1111 = arith.constant 1 : i32
    %add3A_1112 = vector.broadcast %add3A_1111 : i32 to vector<16xi32>
    %add3A_1113 = arith.addi %select_n3A_1109, %add3A_1112 : vector<16xi32>
    %select_n3A_1114 = arith.select %ge3A_1110, %add3A_1113, %select_n3A_1109 : vector<16xi1>, vector<16xi32>
    %ge3A_1115 = arith.cmpi sge, %add3A_1077, %broadcast_in_dim3A_89 : vector<16xi32>
    %add3A_1116 = arith.constant 1 : i32
    %add3A_1117 = vector.broadcast %add3A_1116 : i32 to vector<16xi32>
    %add3A_1118 = arith.addi %select_n3A_1114, %add3A_1117 : vector<16xi32>
    %select_n3A_1119 = arith.select %ge3A_1115, %add3A_1118, %select_n3A_1114 : vector<16xi1>, vector<16xi32>
    %ge3A_1120 = arith.cmpi sge, %add3A_1077, %broadcast_in_dim3A_90 : vector<16xi32>
    %add3A_1121 = arith.constant 1 : i32
    %add3A_1122 = vector.broadcast %add3A_1121 : i32 to vector<16xi32>
    %add3A_1123 = arith.addi %select_n3A_1119, %add3A_1122 : vector<16xi32>
    %select_n3A_1124 = arith.select %ge3A_1120, %add3A_1123, %select_n3A_1119 : vector<16xi1>, vector<16xi32>
    %ge3A_1125 = arith.cmpi sge, %add3A_1077, %broadcast_in_dim3A_91 : vector<16xi32>
    %add3A_1126 = arith.constant 1 : i32
    %add3A_1127 = vector.broadcast %add3A_1126 : i32 to vector<16xi32>
    %add3A_1128 = arith.addi %select_n3A_1124, %add3A_1127 : vector<16xi32>
    %select_n3A_1129 = arith.select %ge3A_1125, %add3A_1128, %select_n3A_1124 : vector<16xi1>, vector<16xi32>
    %ge3A_1130 = arith.cmpi sge, %add3A_1077, %broadcast_in_dim3A_92 : vector<16xi32>
    %add3A_1131 = arith.constant 1 : i32
    %add3A_1132 = vector.broadcast %add3A_1131 : i32 to vector<16xi32>
    %add3A_1133 = arith.addi %select_n3A_1129, %add3A_1132 : vector<16xi32>
    %select_n3A_1134 = arith.select %ge3A_1130, %add3A_1133, %select_n3A_1129 : vector<16xi1>, vector<16xi32>
    %ge3A_1135 = arith.cmpi sge, %add3A_1077, %broadcast_in_dim3A_93 : vector<16xi32>
    %add3A_1136 = arith.constant 1 : i32
    %add3A_1137 = vector.broadcast %add3A_1136 : i32 to vector<16xi32>
    %add3A_1138 = arith.addi %select_n3A_1134, %add3A_1137 : vector<16xi32>
    %select_n3A_1139 = arith.select %ge3A_1135, %add3A_1138, %select_n3A_1134 : vector<16xi1>, vector<16xi32>
    %ge3A_1140 = arith.cmpi sge, %add3A_1077, %broadcast_in_dim3A_94 : vector<16xi32>
    %add3A_1141 = arith.constant 1 : i32
    %add3A_1142 = vector.broadcast %add3A_1141 : i32 to vector<16xi32>
    %add3A_1143 = arith.addi %select_n3A_1139, %add3A_1142 : vector<16xi32>
    %select_n3A_1144 = arith.select %ge3A_1140, %add3A_1143, %select_n3A_1139 : vector<16xi1>, vector<16xi32>
    %ge3A_1145 = arith.cmpi sge, %add3A_1077, %broadcast_in_dim3A_95 : vector<16xi32>
    %add3A_1146 = arith.constant 1 : i32
    %add3A_1147 = vector.broadcast %add3A_1146 : i32 to vector<16xi32>
    %add3A_1148 = arith.addi %select_n3A_1144, %add3A_1147 : vector<16xi32>
    %select_n3A_1149 = arith.select %ge3A_1145, %add3A_1148, %select_n3A_1144 : vector<16xi1>, vector<16xi32>
    %ge3A_1150 = arith.cmpi sge, %add3A_1077, %broadcast_in_dim3A_96 : vector<16xi32>
    %add3A_1151 = arith.constant 1 : i32
    %add3A_1152 = vector.broadcast %add3A_1151 : i32 to vector<16xi32>
    %add3A_1153 = arith.addi %select_n3A_1149, %add3A_1152 : vector<16xi32>
    %select_n3A_1154 = arith.select %ge3A_1150, %add3A_1153, %select_n3A_1149 : vector<16xi1>, vector<16xi32>
    %lt3A_1155 = arith.cmpi slt, %add3A_1077, %broadcast_in_dim3A : vector<16xi32>
    %jit3A_1156 = arith.constant -1 : i32
    %broadcast_in_dim3A_1157 = vector.broadcast %jit3A_1156 : i32 to vector<16xi32>
    %select_n3A_1158 = arith.select %lt3A_1155, %select_n3A_1154, %broadcast_in_dim3A_1157 : vector<16xi1>, vector<16xi32>
    %swap3A_1159 = arith.constant 176 : index
    %swap3A_1160 = tpu.vector_load %arg5[%swap3A_1159] {strides = array<i32>} : memref<256xi32, #tpu.memory_space<vmem>>, vector<16xi32>,
    %swap3A_1161 = vector.shape_cast %swap3A_1160 : vector<16xi32> to vector<16xi32>
    %swap3A_1162 = vector.shape_cast %select_n3A_1158 : vector<16xi32> to vector<16xi32>
    tpu.vector_store %arg5[%swap3A_1159], %swap3A_1162 {strides = array<i32>} : memref<256xi32, #tpu.memory_space<vmem>>, vector<16xi32>,
    %add3A_1163 = arith.constant 192 : i32
    %add3A_1164 = arith.addi %mul3A_32, %add3A_1163 : i32
    %broadcast_in_dim3A_1165 = vector.broadcast %add3A_1164 : i32 to vector<16xi32>
    %add3A_1166 = arith.addi %iota3A, %broadcast_in_dim3A_1165 : vector<16xi32>
    %broadcast_in_dim3A_1167 = arith.constant 0 : i32
    %broadcast_in_dim3A_1168 = vector.broadcast %broadcast_in_dim3A_1167 : i32 to vector<16xi32>
    %ge3A_1169 = arith.cmpi sge, %add3A_1166, %broadcast_in_dim3A_82 : vector<16xi32>
    %add3A_1170 = arith.constant 1 : i32
    %add3A_1171 = vector.broadcast %add3A_1170 : i32 to vector<16xi32>
    %add3A_1172 = arith.addi %broadcast_in_dim3A_1168, %add3A_1171 : vector<16xi32>
    %select_n3A_1173 = arith.select %ge3A_1169, %add3A_1172, %broadcast_in_dim3A_1168 : vector<16xi1>, vector<16xi32>
    %ge3A_1174 = arith.cmpi sge, %add3A_1166, %broadcast_in_dim3A_83 : vector<16xi32>
    %add3A_1175 = arith.constant 1 : i32
    %add3A_1176 = vector.broadcast %add3A_1175 : i32 to vector<16xi32>
    %add3A_1177 = arith.addi %select_n3A_1173, %add3A_1176 : vector<16xi32>
    %select_n3A_1178 = arith.select %ge3A_1174, %add3A_1177, %select_n3A_1173 : vector<16xi1>, vector<16xi32>
    %ge3A_1179 = arith.cmpi sge, %add3A_1166, %broadcast_in_dim3A_84 : vector<16xi32>
    %add3A_1180 = arith.constant 1 : i32
    %add3A_1181 = vector.broadcast %add3A_1180 : i32 to vector<16xi32>
    %add3A_1182 = arith.addi %select_n3A_1178, %add3A_1181 : vector<16xi32>
    %select_n3A_1183 = arith.select %ge3A_1179, %add3A_1182, %select_n3A_1178 : vector<16xi1>, vector<16xi32>
    %ge3A_1184 = arith.cmpi sge, %add3A_1166, %broadcast_in_dim3A_85 : vector<16xi32>
    %add3A_1185 = arith.constant 1 : i32
    %add3A_1186 = vector.broadcast %add3A_1185 : i32 to vector<16xi32>
    %add3A_1187 = arith.addi %select_n3A_1183, %add3A_1186 : vector<16xi32>
    %select_n3A_1188 = arith.select %ge3A_1184, %add3A_1187, %select_n3A_1183 : vector<16xi1>, vector<16xi32>
    %ge3A_1189 = arith.cmpi sge, %add3A_1166, %broadcast_in_dim3A_86 : vector<16xi32>
    %add3A_1190 = arith.constant 1 : i32
    %add3A_1191 = vector.broadcast %add3A_1190 : i32 to vector<16xi32>
    %add3A_1192 = arith.addi %select_n3A_1188, %add3A_1191 : vector<16xi32>
    %select_n3A_1193 = arith.select %ge3A_1189, %add3A_1192, %select_n3A_1188 : vector<16xi1>, vector<16xi32>
    %ge3A_1194 = arith.cmpi sge, %add3A_1166, %broadcast_in_dim3A_87 : vector<16xi32>
    %add3A_1195 = arith.constant 1 : i32
    %add3A_1196 = vector.broadcast %add3A_1195 : i32 to vector<16xi32>
    %add3A_1197 = arith.addi %select_n3A_1193, %add3A_1196 : vector<16xi32>
    %select_n3A_1198 = arith.select %ge3A_1194, %add3A_1197, %select_n3A_1193 : vector<16xi1>, vector<16xi32>
    %ge3A_1199 = arith.cmpi sge, %add3A_1166, %broadcast_in_dim3A_88 : vector<16xi32>
    %add3A_1200 = arith.constant 1 : i32
    %add3A_1201 = vector.broadcast %add3A_1200 : i32 to vector<16xi32>
    %add3A_1202 = arith.addi %select_n3A_1198, %add3A_1201 : vector<16xi32>
    %select_n3A_1203 = arith.select %ge3A_1199, %add3A_1202, %select_n3A_1198 : vector<16xi1>, vector<16xi32>
    %ge3A_1204 = arith.cmpi sge, %add3A_1166, %broadcast_in_dim3A_89 : vector<16xi32>
    %add3A_1205 = arith.constant 1 : i32
    %add3A_1206 = vector.broadcast %add3A_1205 : i32 to vector<16xi32>
    %add3A_1207 = arith.addi %select_n3A_1203, %add3A_1206 : vector<16xi32>
    %select_n3A_1208 = arith.select %ge3A_1204, %add3A_1207, %select_n3A_1203 : vector<16xi1>, vector<16xi32>
    %ge3A_1209 = arith.cmpi sge, %add3A_1166, %broadcast_in_dim3A_90 : vector<16xi32>
    %add3A_1210 = arith.constant 1 : i32
    %add3A_1211 = vector.broadcast %add3A_1210 : i32 to vector<16xi32>
    %add3A_1212 = arith.addi %select_n3A_1208, %add3A_1211 : vector<16xi32>
    %select_n3A_1213 = arith.select %ge3A_1209, %add3A_1212, %select_n3A_1208 : vector<16xi1>, vector<16xi32>
    %ge3A_1214 = arith.cmpi sge, %add3A_1166, %broadcast_in_dim3A_91 : vector<16xi32>
    %add3A_1215 = arith.constant 1 : i32
    %add3A_1216 = vector.broadcast %add3A_1215 : i32 to vector<16xi32>
    %add3A_1217 = arith.addi %select_n3A_1213, %add3A_1216 : vector<16xi32>
    %select_n3A_1218 = arith.select %ge3A_1214, %add3A_1217, %select_n3A_1213 : vector<16xi1>, vector<16xi32>
    %ge3A_1219 = arith.cmpi sge, %add3A_1166, %broadcast_in_dim3A_92 : vector<16xi32>
    %add3A_1220 = arith.constant 1 : i32
    %add3A_1221 = vector.broadcast %add3A_1220 : i32 to vector<16xi32>
    %add3A_1222 = arith.addi %select_n3A_1218, %add3A_1221 : vector<16xi32>
    %select_n3A_1223 = arith.select %ge3A_1219, %add3A_1222, %select_n3A_1218 : vector<16xi1>, vector<16xi32>
    %ge3A_1224 = arith.cmpi sge, %add3A_1166, %broadcast_in_dim3A_93 : vector<16xi32>
    %add3A_1225 = arith.constant 1 : i32
    %add3A_1226 = vector.broadcast %add3A_1225 : i32 to vector<16xi32>
    %add3A_1227 = arith.addi %select_n3A_1223, %add3A_1226 : vector<16xi32>
    %select_n3A_1228 = arith.select %ge3A_1224, %add3A_1227, %select_n3A_1223 : vector<16xi1>, vector<16xi32>
    %ge3A_1229 = arith.cmpi sge, %add3A_1166, %broadcast_in_dim3A_94 : vector<16xi32>
    %add3A_1230 = arith.constant 1 : i32
    %add3A_1231 = vector.broadcast %add3A_1230 : i32 to vector<16xi32>
    %add3A_1232 = arith.addi %select_n3A_1228, %add3A_1231 : vector<16xi32>
    %select_n3A_1233 = arith.select %ge3A_1229, %add3A_1232, %select_n3A_1228 : vector<16xi1>, vector<16xi32>
    %ge3A_1234 = arith.cmpi sge, %add3A_1166, %broadcast_in_dim3A_95 : vector<16xi32>
    %add3A_1235 = arith.constant 1 : i32
    %add3A_1236 = vector.broadcast %add3A_1235 : i32 to vector<16xi32>
    %add3A_1237 = arith.addi %select_n3A_1233, %add3A_1236 : vector<16xi32>
    %select_n3A_1238 = arith.select %ge3A_1234, %add3A_1237, %select_n3A_1233 : vector<16xi1>, vector<16xi32>
    %ge3A_1239 = arith.cmpi sge, %add3A_1166, %broadcast_in_dim3A_96 : vector<16xi32>
    %add3A_1240 = arith.constant 1 : i32
    %add3A_1241 = vector.broadcast %add3A_1240 : i32 to vector<16xi32>
    %add3A_1242 = arith.addi %select_n3A_1238, %add3A_1241 : vector<16xi32>
    %select_n3A_1243 = arith.select %ge3A_1239, %add3A_1242, %select_n3A_1238 : vector<16xi1>, vector<16xi32>
    %lt3A_1244 = arith.cmpi slt, %add3A_1166, %broadcast_in_dim3A : vector<16xi32>
    %jit3A_1245 = arith.constant -1 : i32
    %broadcast_in_dim3A_1246 = vector.broadcast %jit3A_1245 : i32 to vector<16xi32>
    %select_n3A_1247 = arith.select %lt3A_1244, %select_n3A_1243, %broadcast_in_dim3A_1246 : vector<16xi1>, vector<16xi32>
    %swap3A_1248 = arith.constant 192 : index
    %swap3A_1249 = tpu.vector_load %arg5[%swap3A_1248] {strides = array<i32>} : memref<256xi32, #tpu.memory_space<vmem>>, vector<16xi32>,
    %swap3A_1250 = vector.shape_cast %swap3A_1249 : vector<16xi32> to vector<16xi32>
    %swap3A_1251 = vector.shape_cast %select_n3A_1247 : vector<16xi32> to vector<16xi32>
    tpu.vector_store %arg5[%swap3A_1248], %swap3A_1251 {strides = array<i32>} : memref<256xi32, #tpu.memory_space<vmem>>, vector<16xi32>,
    %add3A_1252 = arith.constant 208 : i32
    %add3A_1253 = arith.addi %mul3A_32, %add3A_1252 : i32
    %broadcast_in_dim3A_1254 = vector.broadcast %add3A_1253 : i32 to vector<16xi32>
    %add3A_1255 = arith.addi %iota3A, %broadcast_in_dim3A_1254 : vector<16xi32>
    %broadcast_in_dim3A_1256 = arith.constant 0 : i32
    %broadcast_in_dim3A_1257 = vector.broadcast %broadcast_in_dim3A_1256 : i32 to vector<16xi32>
    %ge3A_1258 = arith.cmpi sge, %add3A_1255, %broadcast_in_dim3A_82 : vector<16xi32>
    %add3A_1259 = arith.constant 1 : i32
    %add3A_1260 = vector.broadcast %add3A_1259 : i32 to vector<16xi32>
    %add3A_1261 = arith.addi %broadcast_in_dim3A_1257, %add3A_1260 : vector<16xi32>
    %select_n3A_1262 = arith.select %ge3A_1258, %add3A_1261, %broadcast_in_dim3A_1257 : vector<16xi1>, vector<16xi32>
    %ge3A_1263 = arith.cmpi sge, %add3A_1255, %broadcast_in_dim3A_83 : vector<16xi32>
    %add3A_1264 = arith.constant 1 : i32
    %add3A_1265 = vector.broadcast %add3A_1264 : i32 to vector<16xi32>
    %add3A_1266 = arith.addi %select_n3A_1262, %add3A_1265 : vector<16xi32>
    %select_n3A_1267 = arith.select %ge3A_1263, %add3A_1266, %select_n3A_1262 : vector<16xi1>, vector<16xi32>
    %ge3A_1268 = arith.cmpi sge, %add3A_1255, %broadcast_in_dim3A_84 : vector<16xi32>
    %add3A_1269 = arith.constant 1 : i32
    %add3A_1270 = vector.broadcast %add3A_1269 : i32 to vector<16xi32>
    %add3A_1271 = arith.addi %select_n3A_1267, %add3A_1270 : vector<16xi32>
    %select_n3A_1272 = arith.select %ge3A_1268, %add3A_1271, %select_n3A_1267 : vector<16xi1>, vector<16xi32>
    %ge3A_1273 = arith.cmpi sge, %add3A_1255, %broadcast_in_dim3A_85 : vector<16xi32>
    %add3A_1274 = arith.constant 1 : i32
    %add3A_1275 = vector.broadcast %add3A_1274 : i32 to vector<16xi32>
    %add3A_1276 = arith.addi %select_n3A_1272, %add3A_1275 : vector<16xi32>
    %select_n3A_1277 = arith.select %ge3A_1273, %add3A_1276, %select_n3A_1272 : vector<16xi1>, vector<16xi32>
    %ge3A_1278 = arith.cmpi sge, %add3A_1255, %broadcast_in_dim3A_86 : vector<16xi32>
    %add3A_1279 = arith.constant 1 : i32
    %add3A_1280 = vector.broadcast %add3A_1279 : i32 to vector<16xi32>
    %add3A_1281 = arith.addi %select_n3A_1277, %add3A_1280 : vector<16xi32>
    %select_n3A_1282 = arith.select %ge3A_1278, %add3A_1281, %select_n3A_1277 : vector<16xi1>, vector<16xi32>
    %ge3A_1283 = arith.cmpi sge, %add3A_1255, %broadcast_in_dim3A_87 : vector<16xi32>
    %add3A_1284 = arith.constant 1 : i32
    %add3A_1285 = vector.broadcast %add3A_1284 : i32 to vector<16xi32>
    %add3A_1286 = arith.addi %select_n3A_1282, %add3A_1285 : vector<16xi32>
    %select_n3A_1287 = arith.select %ge3A_1283, %add3A_1286, %select_n3A_1282 : vector<16xi1>, vector<16xi32>
    %ge3A_1288 = arith.cmpi sge, %add3A_1255, %broadcast_in_dim3A_88 : vector<16xi32>
    %add3A_1289 = arith.constant 1 : i32
    %add3A_1290 = vector.broadcast %add3A_1289 : i32 to vector<16xi32>
    %add3A_1291 = arith.addi %select_n3A_1287, %add3A_1290 : vector<16xi32>
    %select_n3A_1292 = arith.select %ge3A_1288, %add3A_1291, %select_n3A_1287 : vector<16xi1>, vector<16xi32>
    %ge3A_1293 = arith.cmpi sge, %add3A_1255, %broadcast_in_dim3A_89 : vector<16xi32>
    %add3A_1294 = arith.constant 1 : i32
    %add3A_1295 = vector.broadcast %add3A_1294 : i32 to vector<16xi32>
    %add3A_1296 = arith.addi %select_n3A_1292, %add3A_1295 : vector<16xi32>
    %select_n3A_1297 = arith.select %ge3A_1293, %add3A_1296, %select_n3A_1292 : vector<16xi1>, vector<16xi32>
    %ge3A_1298 = arith.cmpi sge, %add3A_1255, %broadcast_in_dim3A_90 : vector<16xi32>
    %add3A_1299 = arith.constant 1 : i32
    %add3A_1300 = vector.broadcast %add3A_1299 : i32 to vector<16xi32>
    %add3A_1301 = arith.addi %select_n3A_1297, %add3A_1300 : vector<16xi32>
    %select_n3A_1302 = arith.select %ge3A_1298, %add3A_1301, %select_n3A_1297 : vector<16xi1>, vector<16xi32>
    %ge3A_1303 = arith.cmpi sge, %add3A_1255, %broadcast_in_dim3A_91 : vector<16xi32>
    %add3A_1304 = arith.constant 1 : i32
    %add3A_1305 = vector.broadcast %add3A_1304 : i32 to vector<16xi32>
    %add3A_1306 = arith.addi %select_n3A_1302, %add3A_1305 : vector<16xi32>
    %select_n3A_1307 = arith.select %ge3A_1303, %add3A_1306, %select_n3A_1302 : vector<16xi1>, vector<16xi32>
    %ge3A_1308 = arith.cmpi sge, %add3A_1255, %broadcast_in_dim3A_92 : vector<16xi32>
    %add3A_1309 = arith.constant 1 : i32
    %add3A_1310 = vector.broadcast %add3A_1309 : i32 to vector<16xi32>
    %add3A_1311 = arith.addi %select_n3A_1307, %add3A_1310 : vector<16xi32>
    %select_n3A_1312 = arith.select %ge3A_1308, %add3A_1311, %select_n3A_1307 : vector<16xi1>, vector<16xi32>
    %ge3A_1313 = arith.cmpi sge, %add3A_1255, %broadcast_in_dim3A_93 : vector<16xi32>
    %add3A_1314 = arith.constant 1 : i32
    %add3A_1315 = vector.broadcast %add3A_1314 : i32 to vector<16xi32>
    %add3A_1316 = arith.addi %select_n3A_1312, %add3A_1315 : vector<16xi32>
    %select_n3A_1317 = arith.select %ge3A_1313, %add3A_1316, %select_n3A_1312 : vector<16xi1>, vector<16xi32>
    %ge3A_1318 = arith.cmpi sge, %add3A_1255, %broadcast_in_dim3A_94 : vector<16xi32>
    %add3A_1319 = arith.constant 1 : i32
    %add3A_1320 = vector.broadcast %add3A_1319 : i32 to vector<16xi32>
    %add3A_1321 = arith.addi %select_n3A_1317, %add3A_1320 : vector<16xi32>
    %select_n3A_1322 = arith.select %ge3A_1318, %add3A_1321, %select_n3A_1317 : vector<16xi1>, vector<16xi32>
    %ge3A_1323 = arith.cmpi sge, %add3A_1255, %broadcast_in_dim3A_95 : vector<16xi32>
    %add3A_1324 = arith.constant 1 : i32
    %add3A_1325 = vector.broadcast %add3A_1324 : i32 to vector<16xi32>
    %add3A_1326 = arith.addi %select_n3A_1322, %add3A_1325 : vector<16xi32>
    %select_n3A_1327 = arith.select %ge3A_1323, %add3A_1326, %select_n3A_1322 : vector<16xi1>, vector<16xi32>
    %ge3A_1328 = arith.cmpi sge, %add3A_1255, %broadcast_in_dim3A_96 : vector<16xi32>
    %add3A_1329 = arith.constant 1 : i32
    %add3A_1330 = vector.broadcast %add3A_1329 : i32 to vector<16xi32>
    %add3A_1331 = arith.addi %select_n3A_1327, %add3A_1330 : vector<16xi32>
    %select_n3A_1332 = arith.select %ge3A_1328, %add3A_1331, %select_n3A_1327 : vector<16xi1>, vector<16xi32>
    %lt3A_1333 = arith.cmpi slt, %add3A_1255, %broadcast_in_dim3A : vector<16xi32>
    %jit3A_1334 = arith.constant -1 : i32
    %broadcast_in_dim3A_1335 = vector.broadcast %jit3A_1334 : i32 to vector<16xi32>
    %select_n3A_1336 = arith.select %lt3A_1333, %select_n3A_1332, %broadcast_in_dim3A_1335 : vector<16xi1>, vector<16xi32>
    %swap3A_1337 = arith.constant 208 : index
    %swap3A_1338 = tpu.vector_load %arg5[%swap3A_1337] {strides = array<i32>} : memref<256xi32, #tpu.memory_space<vmem>>, vector<16xi32>,
    %swap3A_1339 = vector.shape_cast %swap3A_1338 : vector<16xi32> to vector<16xi32>
    %swap3A_1340 = vector.shape_cast %select_n3A_1336 : vector<16xi32> to vector<16xi32>
    tpu.vector_store %arg5[%swap3A_1337], %swap3A_1340 {strides = array<i32>} : memref<256xi32, #tpu.memory_space<vmem>>, vector<16xi32>,
    %add3A_1341 = arith.constant 224 : i32
    %add3A_1342 = arith.addi %mul3A_32, %add3A_1341 : i32
    %broadcast_in_dim3A_1343 = vector.broadcast %add3A_1342 : i32 to vector<16xi32>
    %add3A_1344 = arith.addi %iota3A, %broadcast_in_dim3A_1343 : vector<16xi32>
    %broadcast_in_dim3A_1345 = arith.constant 0 : i32
    %broadcast_in_dim3A_1346 = vector.broadcast %broadcast_in_dim3A_1345 : i32 to vector<16xi32>
    %ge3A_1347 = arith.cmpi sge, %add3A_1344, %broadcast_in_dim3A_82 : vector<16xi32>
    %add3A_1348 = arith.constant 1 : i32
    %add3A_1349 = vector.broadcast %add3A_1348 : i32 to vector<16xi32>
    %add3A_1350 = arith.addi %broadcast_in_dim3A_1346, %add3A_1349 : vector<16xi32>
    %select_n3A_1351 = arith.select %ge3A_1347, %add3A_1350, %broadcast_in_dim3A_1346 : vector<16xi1>, vector<16xi32>
    %ge3A_1352 = arith.cmpi sge, %add3A_1344, %broadcast_in_dim3A_83 : vector<16xi32>
    %add3A_1353 = arith.constant 1 : i32
    %add3A_1354 = vector.broadcast %add3A_1353 : i32 to vector<16xi32>
    %add3A_1355 = arith.addi %select_n3A_1351, %add3A_1354 : vector<16xi32>
    %select_n3A_1356 = arith.select %ge3A_1352, %add3A_1355, %select_n3A_1351 : vector<16xi1>, vector<16xi32>
    %ge3A_1357 = arith.cmpi sge, %add3A_1344, %broadcast_in_dim3A_84 : vector<16xi32>
    %add3A_1358 = arith.constant 1 : i32
    %add3A_1359 = vector.broadcast %add3A_1358 : i32 to vector<16xi32>
    %add3A_1360 = arith.addi %select_n3A_1356, %add3A_1359 : vector<16xi32>
    %select_n3A_1361 = arith.select %ge3A_1357, %add3A_1360, %select_n3A_1356 : vector<16xi1>, vector<16xi32>
    %ge3A_1362 = arith.cmpi sge, %add3A_1344, %broadcast_in_dim3A_85 : vector<16xi32>
    %add3A_1363 = arith.constant 1 : i32
    %add3A_1364 = vector.broadcast %add3A_1363 : i32 to vector<16xi32>
    %add3A_1365 = arith.addi %select_n3A_1361, %add3A_1364 : vector<16xi32>
    %select_n3A_1366 = arith.select %ge3A_1362, %add3A_1365, %select_n3A_1361 : vector<16xi1>, vector<16xi32>
    %ge3A_1367 = arith.cmpi sge, %add3A_1344, %broadcast_in_dim3A_86 : vector<16xi32>
    %add3A_1368 = arith.constant 1 : i32
    %add3A_1369 = vector.broadcast %add3A_1368 : i32 to vector<16xi32>
    %add3A_1370 = arith.addi %select_n3A_1366, %add3A_1369 : vector<16xi32>
    %select_n3A_1371 = arith.select %ge3A_1367, %add3A_1370, %select_n3A_1366 : vector<16xi1>, vector<16xi32>
    %ge3A_1372 = arith.cmpi sge, %add3A_1344, %broadcast_in_dim3A_87 : vector<16xi32>
    %add3A_1373 = arith.constant 1 : i32
    %add3A_1374 = vector.broadcast %add3A_1373 : i32 to vector<16xi32>
    %add3A_1375 = arith.addi %select_n3A_1371, %add3A_1374 : vector<16xi32>
    %select_n3A_1376 = arith.select %ge3A_1372, %add3A_1375, %select_n3A_1371 : vector<16xi1>, vector<16xi32>
    %ge3A_1377 = arith.cmpi sge, %add3A_1344, %broadcast_in_dim3A_88 : vector<16xi32>
    %add3A_1378 = arith.constant 1 : i32
    %add3A_1379 = vector.broadcast %add3A_1378 : i32 to vector<16xi32>
    %add3A_1380 = arith.addi %select_n3A_1376, %add3A_1379 : vector<16xi32>
    %select_n3A_1381 = arith.select %ge3A_1377, %add3A_1380, %select_n3A_1376 : vector<16xi1>, vector<16xi32>
    %ge3A_1382 = arith.cmpi sge, %add3A_1344, %broadcast_in_dim3A_89 : vector<16xi32>
    %add3A_1383 = arith.constant 1 : i32
    %add3A_1384 = vector.broadcast %add3A_1383 : i32 to vector<16xi32>
    %add3A_1385 = arith.addi %select_n3A_1381, %add3A_1384 : vector<16xi32>
    %select_n3A_1386 = arith.select %ge3A_1382, %add3A_1385, %select_n3A_1381 : vector<16xi1>, vector<16xi32>
    %ge3A_1387 = arith.cmpi sge, %add3A_1344, %broadcast_in_dim3A_90 : vector<16xi32>
    %add3A_1388 = arith.constant 1 : i32
    %add3A_1389 = vector.broadcast %add3A_1388 : i32 to vector<16xi32>
    %add3A_1390 = arith.addi %select_n3A_1386, %add3A_1389 : vector<16xi32>
    %select_n3A_1391 = arith.select %ge3A_1387, %add3A_1390, %select_n3A_1386 : vector<16xi1>, vector<16xi32>
    %ge3A_1392 = arith.cmpi sge, %add3A_1344, %broadcast_in_dim3A_91 : vector<16xi32>
    %add3A_1393 = arith.constant 1 : i32
    %add3A_1394 = vector.broadcast %add3A_1393 : i32 to vector<16xi32>
    %add3A_1395 = arith.addi %select_n3A_1391, %add3A_1394 : vector<16xi32>
    %select_n3A_1396 = arith.select %ge3A_1392, %add3A_1395, %select_n3A_1391 : vector<16xi1>, vector<16xi32>
    %ge3A_1397 = arith.cmpi sge, %add3A_1344, %broadcast_in_dim3A_92 : vector<16xi32>
    %add3A_1398 = arith.constant 1 : i32
    %add3A_1399 = vector.broadcast %add3A_1398 : i32 to vector<16xi32>
    %add3A_1400 = arith.addi %select_n3A_1396, %add3A_1399 : vector<16xi32>
    %select_n3A_1401 = arith.select %ge3A_1397, %add3A_1400, %select_n3A_1396 : vector<16xi1>, vector<16xi32>
    %ge3A_1402 = arith.cmpi sge, %add3A_1344, %broadcast_in_dim3A_93 : vector<16xi32>
    %add3A_1403 = arith.constant 1 : i32
    %add3A_1404 = vector.broadcast %add3A_1403 : i32 to vector<16xi32>
    %add3A_1405 = arith.addi %select_n3A_1401, %add3A_1404 : vector<16xi32>
    %select_n3A_1406 = arith.select %ge3A_1402, %add3A_1405, %select_n3A_1401 : vector<16xi1>, vector<16xi32>
    %ge3A_1407 = arith.cmpi sge, %add3A_1344, %broadcast_in_dim3A_94 : vector<16xi32>
    %add3A_1408 = arith.constant 1 : i32
    %add3A_1409 = vector.broadcast %add3A_1408 : i32 to vector<16xi32>
    %add3A_1410 = arith.addi %select_n3A_1406, %add3A_1409 : vector<16xi32>
    %select_n3A_1411 = arith.select %ge3A_1407, %add3A_1410, %select_n3A_1406 : vector<16xi1>, vector<16xi32>
    %ge3A_1412 = arith.cmpi sge, %add3A_1344, %broadcast_in_dim3A_95 : vector<16xi32>
    %add3A_1413 = arith.constant 1 : i32
    %add3A_1414 = vector.broadcast %add3A_1413 : i32 to vector<16xi32>
    %add3A_1415 = arith.addi %select_n3A_1411, %add3A_1414 : vector<16xi32>
    %select_n3A_1416 = arith.select %ge3A_1412, %add3A_1415, %select_n3A_1411 : vector<16xi1>, vector<16xi32>
    %ge3A_1417 = arith.cmpi sge, %add3A_1344, %broadcast_in_dim3A_96 : vector<16xi32>
    %add3A_1418 = arith.constant 1 : i32
    %add3A_1419 = vector.broadcast %add3A_1418 : i32 to vector<16xi32>
    %add3A_1420 = arith.addi %select_n3A_1416, %add3A_1419 : vector<16xi32>
    %select_n3A_1421 = arith.select %ge3A_1417, %add3A_1420, %select_n3A_1416 : vector<16xi1>, vector<16xi32>
    %lt3A_1422 = arith.cmpi slt, %add3A_1344, %broadcast_in_dim3A : vector<16xi32>
    %jit3A_1423 = arith.constant -1 : i32
    %broadcast_in_dim3A_1424 = vector.broadcast %jit3A_1423 : i32 to vector<16xi32>
    %select_n3A_1425 = arith.select %lt3A_1422, %select_n3A_1421, %broadcast_in_dim3A_1424 : vector<16xi1>, vector<16xi32>
    %swap3A_1426 = arith.constant 224 : index
    %swap3A_1427 = tpu.vector_load %arg5[%swap3A_1426] {strides = array<i32>} : memref<256xi32, #tpu.memory_space<vmem>>, vector<16xi32>,
    %swap3A_1428 = vector.shape_cast %swap3A_1427 : vector<16xi32> to vector<16xi32>
    %swap3A_1429 = vector.shape_cast %select_n3A_1425 : vector<16xi32> to vector<16xi32>
    tpu.vector_store %arg5[%swap3A_1426], %swap3A_1429 {strides = array<i32>} : memref<256xi32, #tpu.memory_space<vmem>>, vector<16xi32>,
    %add3A_1430 = arith.constant 240 : i32
    %add3A_1431 = arith.addi %mul3A_32, %add3A_1430 : i32
    %broadcast_in_dim3A_1432 = vector.broadcast %add3A_1431 : i32 to vector<16xi32>
    %add3A_1433 = arith.addi %iota3A, %broadcast_in_dim3A_1432 : vector<16xi32>
    %broadcast_in_dim3A_1434 = arith.constant 0 : i32
    %broadcast_in_dim3A_1435 = vector.broadcast %broadcast_in_dim3A_1434 : i32 to vector<16xi32>
    %ge3A_1436 = arith.cmpi sge, %add3A_1433, %broadcast_in_dim3A_82 : vector<16xi32>
    %add3A_1437 = arith.constant 1 : i32
    %add3A_1438 = vector.broadcast %add3A_1437 : i32 to vector<16xi32>
    %add3A_1439 = arith.addi %broadcast_in_dim3A_1435, %add3A_1438 : vector<16xi32>
    %select_n3A_1440 = arith.select %ge3A_1436, %add3A_1439, %broadcast_in_dim3A_1435 : vector<16xi1>, vector<16xi32>
    %ge3A_1441 = arith.cmpi sge, %add3A_1433, %broadcast_in_dim3A_83 : vector<16xi32>
    %add3A_1442 = arith.constant 1 : i32
    %add3A_1443 = vector.broadcast %add3A_1442 : i32 to vector<16xi32>
    %add3A_1444 = arith.addi %select_n3A_1440, %add3A_1443 : vector<16xi32>
    %select_n3A_1445 = arith.select %ge3A_1441, %add3A_1444, %select_n3A_1440 : vector<16xi1>, vector<16xi32>
    %ge3A_1446 = arith.cmpi sge, %add3A_1433, %broadcast_in_dim3A_84 : vector<16xi32>
    %add3A_1447 = arith.constant 1 : i32
    %add3A_1448 = vector.broadcast %add3A_1447 : i32 to vector<16xi32>
    %add3A_1449 = arith.addi %select_n3A_1445, %add3A_1448 : vector<16xi32>
    %select_n3A_1450 = arith.select %ge3A_1446, %add3A_1449, %select_n3A_1445 : vector<16xi1>, vector<16xi32>
    %ge3A_1451 = arith.cmpi sge, %add3A_1433, %broadcast_in_dim3A_85 : vector<16xi32>
    %add3A_1452 = arith.constant 1 : i32
    %add3A_1453 = vector.broadcast %add3A_1452 : i32 to vector<16xi32>
    %add3A_1454 = arith.addi %select_n3A_1450, %add3A_1453 : vector<16xi32>
    %select_n3A_1455 = arith.select %ge3A_1451, %add3A_1454, %select_n3A_1450 : vector<16xi1>, vector<16xi32>
    %ge3A_1456 = arith.cmpi sge, %add3A_1433, %broadcast_in_dim3A_86 : vector<16xi32>
    %add3A_1457 = arith.constant 1 : i32
    %add3A_1458 = vector.broadcast %add3A_1457 : i32 to vector<16xi32>
    %add3A_1459 = arith.addi %select_n3A_1455, %add3A_1458 : vector<16xi32>
    %select_n3A_1460 = arith.select %ge3A_1456, %add3A_1459, %select_n3A_1455 : vector<16xi1>, vector<16xi32>
    %ge3A_1461 = arith.cmpi sge, %add3A_1433, %broadcast_in_dim3A_87 : vector<16xi32>
    %add3A_1462 = arith.constant 1 : i32
    %add3A_1463 = vector.broadcast %add3A_1462 : i32 to vector<16xi32>
    %add3A_1464 = arith.addi %select_n3A_1460, %add3A_1463 : vector<16xi32>
    %select_n3A_1465 = arith.select %ge3A_1461, %add3A_1464, %select_n3A_1460 : vector<16xi1>, vector<16xi32>
    %ge3A_1466 = arith.cmpi sge, %add3A_1433, %broadcast_in_dim3A_88 : vector<16xi32>
    %add3A_1467 = arith.constant 1 : i32
    %add3A_1468 = vector.broadcast %add3A_1467 : i32 to vector<16xi32>
    %add3A_1469 = arith.addi %select_n3A_1465, %add3A_1468 : vector<16xi32>
    %select_n3A_1470 = arith.select %ge3A_1466, %add3A_1469, %select_n3A_1465 : vector<16xi1>, vector<16xi32>
    %ge3A_1471 = arith.cmpi sge, %add3A_1433, %broadcast_in_dim3A_89 : vector<16xi32>
    %add3A_1472 = arith.constant 1 : i32
    %add3A_1473 = vector.broadcast %add3A_1472 : i32 to vector<16xi32>
    %add3A_1474 = arith.addi %select_n3A_1470, %add3A_1473 : vector<16xi32>
    %select_n3A_1475 = arith.select %ge3A_1471, %add3A_1474, %select_n3A_1470 : vector<16xi1>, vector<16xi32>
    %ge3A_1476 = arith.cmpi sge, %add3A_1433, %broadcast_in_dim3A_90 : vector<16xi32>
    %add3A_1477 = arith.constant 1 : i32
    %add3A_1478 = vector.broadcast %add3A_1477 : i32 to vector<16xi32>
    %add3A_1479 = arith.addi %select_n3A_1475, %add3A_1478 : vector<16xi32>
    %select_n3A_1480 = arith.select %ge3A_1476, %add3A_1479, %select_n3A_1475 : vector<16xi1>, vector<16xi32>
    %ge3A_1481 = arith.cmpi sge, %add3A_1433, %broadcast_in_dim3A_91 : vector<16xi32>
    %add3A_1482 = arith.constant 1 : i32
    %add3A_1483 = vector.broadcast %add3A_1482 : i32 to vector<16xi32>
    %add3A_1484 = arith.addi %select_n3A_1480, %add3A_1483 : vector<16xi32>
    %select_n3A_1485 = arith.select %ge3A_1481, %add3A_1484, %select_n3A_1480 : vector<16xi1>, vector<16xi32>
    %ge3A_1486 = arith.cmpi sge, %add3A_1433, %broadcast_in_dim3A_92 : vector<16xi32>
    %add3A_1487 = arith.constant 1 : i32
    %add3A_1488 = vector.broadcast %add3A_1487 : i32 to vector<16xi32>
    %add3A_1489 = arith.addi %select_n3A_1485, %add3A_1488 : vector<16xi32>
    %select_n3A_1490 = arith.select %ge3A_1486, %add3A_1489, %select_n3A_1485 : vector<16xi1>, vector<16xi32>
    %ge3A_1491 = arith.cmpi sge, %add3A_1433, %broadcast_in_dim3A_93 : vector<16xi32>
    %add3A_1492 = arith.constant 1 : i32
    %add3A_1493 = vector.broadcast %add3A_1492 : i32 to vector<16xi32>
    %add3A_1494 = arith.addi %select_n3A_1490, %add3A_1493 : vector<16xi32>
    %select_n3A_1495 = arith.select %ge3A_1491, %add3A_1494, %select_n3A_1490 : vector<16xi1>, vector<16xi32>
    %ge3A_1496 = arith.cmpi sge, %add3A_1433, %broadcast_in_dim3A_94 : vector<16xi32>
    %add3A_1497 = arith.constant 1 : i32
    %add3A_1498 = vector.broadcast %add3A_1497 : i32 to vector<16xi32>
    %add3A_1499 = arith.addi %select_n3A_1495, %add3A_1498 : vector<16xi32>
    %select_n3A_1500 = arith.select %ge3A_1496, %add3A_1499, %select_n3A_1495 : vector<16xi1>, vector<16xi32>
    %ge3A_1501 = arith.cmpi sge, %add3A_1433, %broadcast_in_dim3A_95 : vector<16xi32>
    %add3A_1502 = arith.constant 1 : i32
    %add3A_1503 = vector.broadcast %add3A_1502 : i32 to vector<16xi32>
    %add3A_1504 = arith.addi %select_n3A_1500, %add3A_1503 : vector<16xi32>
    %select_n3A_1505 = arith.select %ge3A_1501, %add3A_1504, %select_n3A_1500 : vector<16xi1>, vector<16xi32>
    %ge3A_1506 = arith.cmpi sge, %add3A_1433, %broadcast_in_dim3A_96 : vector<16xi32>
    %add3A_1507 = arith.constant 1 : i32
    %add3A_1508 = vector.broadcast %add3A_1507 : i32 to vector<16xi32>
    %add3A_1509 = arith.addi %select_n3A_1505, %add3A_1508 : vector<16xi32>
    %select_n3A_1510 = arith.select %ge3A_1506, %add3A_1509, %select_n3A_1505 : vector<16xi1>, vector<16xi32>
    %lt3A_1511 = arith.cmpi slt, %add3A_1433, %broadcast_in_dim3A : vector<16xi32>
    %jit3A_1512 = arith.constant -1 : i32
    %broadcast_in_dim3A_1513 = vector.broadcast %jit3A_1512 : i32 to vector<16xi32>
    %select_n3A_1514 = arith.select %lt3A_1511, %select_n3A_1510, %broadcast_in_dim3A_1513 : vector<16xi1>, vector<16xi32>
    %swap3A_1515 = arith.constant 240 : index
    %swap3A_1516 = tpu.vector_load %arg5[%swap3A_1515] {strides = array<i32>} : memref<256xi32, #tpu.memory_space<vmem>>, vector<16xi32>,
    %swap3A_1517 = vector.shape_cast %swap3A_1516 : vector<16xi32> to vector<16xi32>
    %swap3A_1518 = vector.shape_cast %select_n3A_1514 : vector<16xi32> to vector<16xi32>
    tpu.vector_store %arg5[%swap3A_1515], %swap3A_1518 {strides = array<i32>} : memref<256xi32, #tpu.memory_space<vmem>>, vector<16xi32>,
    "tpu.region"() ({
      %run_scoped3A = tpu.sem_alloc : memref<!tpu.dma_semaphore, #tpu.memory_space<semaphore_mem>>
      %dma_start3A = tpu.memref_slice %arg3[%select_n3A, %mul3A_32] : memref<8x1024xi32, #tpu.memory_space<hbm>> -> memref<1x256xi32, #tpu.memory_space<hbm>>
      %dma_start3A_1519 = tpu.memref_squeeze %dma_start3A : memref<1x256xi32, #tpu.memory_space<hbm>> -> memref<256xi32, #tpu.memory_space<hbm>>
      %dma_start3A_1520 = tpu.memref_slice %arg3[%select_n3A, %mul3A_32] : memref<8x1024xi32, #tpu.memory_space<hbm>> -> memref<1x256xi32, #tpu.memory_space<hbm>>
      %dma_start3A_1521 = tpu.memref_squeeze %dma_start3A_1520 : memref<1x256xi32, #tpu.memory_space<hbm>> -> memref<256xi32, #tpu.memory_space<hbm>>
      tpu.enqueue_dma source(%arg5 : memref<256xi32, #tpu.memory_space<vmem>>) target(%dma_start3A_1521 : memref<256xi32, #tpu.memory_space<hbm>>) target_semaphore(%run_scoped3A : memref<!tpu.dma_semaphore, #tpu.memory_space<semaphore_mem>>)
      %dma_wait3A = tpu.memref_slice %arg3[%select_n3A, %mul3A_32] : memref<8x1024xi32, #tpu.memory_space<hbm>> -> memref<1x256xi32, #tpu.memory_space<hbm>>
      %dma_wait3A_1522 = tpu.memref_squeeze %dma_wait3A : memref<1x256xi32, #tpu.memory_space<hbm>> -> memref<256xi32, #tpu.memory_space<hbm>>
      %dma_wait3A_1523 = tpu.memref_slice %arg3[%select_n3A, %mul3A_32] : memref<8x1024xi32, #tpu.memory_space<hbm>> -> memref<1x256xi32, #tpu.memory_space<hbm>>
      %dma_wait3A_1524 = tpu.memref_squeeze %dma_wait3A_1523 : memref<1x256xi32, #tpu.memory_space<hbm>> -> memref<256xi32, #tpu.memory_space<hbm>>
      tpu.wait_dma2 semaphore(%run_scoped3A : memref<!tpu.dma_semaphore, #tpu.memory_space<semaphore_mem>>) src(%arg5 : memref<256xi32, #tpu.memory_space<vmem>>) dst(%dma_wait3A_1524 : memref<256xi32, #tpu.memory_space<hbm>>)
      tpu.yield
    }) : () -> ()
    return
  }
}

module attributes {stable_mosaic.version = 14 : i64} {
  func.func @_main_body(%arg0: i32, %arg1: memref<8x16xi32, #tpu.memory_space<smem>>, %arg2: memref<1x1024x512xf32, #tpu.memory_space<vmem>>, %arg3: memref<256x512xf32, #tpu.memory_space<vmem>>, %arg4: memref<1x256xf32, #tpu.memory_space<vmem>>, %arg5: memref<1x1024x256xf32, #tpu.memory_space<vmem>>, %arg6: memref<1x1024x256xf32, #tpu.memory_space<vmem>>, %arg7: memref<1x1x1024xi32, #tpu.memory_space<vmem>>, %arg8: memref<1x1024x1024xi32, #tpu.memory_space<vmem>>, %arg9: memref<1024x256xf32, #tpu.memory_space<vmem>>, %arg10: memref<64x256xf32, #tpu.memory_space<vmem>>) attributes {dimension_semantics = [#tpu.dimension_semantics<arbitrary>], iteration_bounds = array<i64: 8>, scalar_prefetch = 0 : i64, scratch_operands = 2 : i64, tpu.core_type = #tpu.core_type<tc>, window_params = [{transform_indices = @transform_0, window_bounds = array<i64: 8, 16>}, {transform_indices = @transform_1, window_bounds = array<i64: 1, 1024, 512>}, {pipeline_mode = #tpu.pipeline_mode<synchronous>, transform_indices = @transform_2, window_bounds = array<i64: 256, 512>}, {pipeline_mode = #tpu.pipeline_mode<synchronous>, transform_indices = @transform_3, window_bounds = array<i64: 1, 256>}, {transform_indices = @transform_4, window_bounds = array<i64: 1, 1024, 256>}, {transform_indices = @transform_5, window_bounds = array<i64: 1, 1024, 256>}, {transform_indices = @transform_6, window_bounds = array<i64: 1, 1, 1024>}, {transform_indices = @transform_7, window_bounds = array<i64: 1, 1024, 1024>}]} {
    %get3A = arith.constant 0 : index
    %get3A_0 = arith.constant 0 : index
    %get3A_1 = arith.constant 0 : index
    %get3A_2 = vector.load %arg2[%get3A, %get3A_0, %get3A_1] : memref<1x1024x512xf32, #tpu.memory_space<vmem>>, vector<1x1024x512xf32>
    %get3A_3 = vector.shape_cast %get3A_2 : vector<1x1024x512xf32> to vector<1024x512xf32>
    %get3A_4 = arith.constant 0 : index
    %get3A_5 = arith.constant 0 : index
    %get3A_6 = vector.load %arg3[%get3A_4, %get3A_5] : memref<256x512xf32, #tpu.memory_space<vmem>>, vector<256x512xf32>
    %dot_general3A = arith.constant dense<0.000000e+00> : vector<1024x256xf32>
    %dot_general3A_7 = tpu.matmul %get3A_3, %get3A_6, %dot_general3A {dimension_numbers = #tpu.dot_dimension_numbers<[1], [1], [0], [0], [0, 0, 1, 0], [], []>, transpose_lhs_hint = false} : vector<1024x512xf32>, vector<256x512xf32>, vector<1024x256xf32> -> vector<1024x256xf32>
    %get3A_8 = arith.constant 0 : index
    %get3A_9 = arith.constant 0 : index
    %get3A_10 = vector.load %arg4[%get3A_8, %get3A_9] : memref<1x256xf32, #tpu.memory_space<vmem>>, vector<1x256xf32>
    %add3A = vector.broadcast %get3A_10 : vector<1x256xf32> to vector<1024x256xf32>
    %add3A_11 = arith.addf %dot_general3A_7, %add3A : vector<1024x256xf32>
    %swap3A = arith.constant 0 : index
    %swap3A_12 = arith.constant 0 : index
    %swap3A_13 = vector.load %arg9[%swap3A, %swap3A_12] : memref<1024x256xf32, #tpu.memory_space<vmem>>, vector<1024x256xf32>
    tpu.vector_store %arg9[%swap3A, %swap3A_12], %add3A_11 {strides = array<i32>} : memref<1024x256xf32, #tpu.memory_space<vmem>>, vector<1024x256xf32>,
    %iota3A = tpu.iota {dimensions = array<i32: 0>} : vector<64x256xi32>
    %convert_element_type3A = arith.sitofp %iota3A : vector<64x256xi32> to vector<64x256xf32>
    %iota3A_14 = tpu.iota {dimensions = array<i32: 1>} : vector<64x256xi32>
    %jit3A = arith.constant 4 : i32
    %div3A = vector.broadcast %jit3A : i32 to vector<64x256xi32>
    %div3A_15 = arith.divsi %iota3A_14, %div3A : vector<64x256xi32>
    %sign3A = arith.constant 0 : i32
    %sign3A_16 = vector.broadcast %sign3A : i32 to vector<64x256xi32>
    %sign3A_17 = arith.cmpi sgt, %iota3A_14, %sign3A_16 : vector<64x256xi32>
    %sign3A_18 = arith.extui %sign3A_17 : vector<64x256xi1> to vector<64x256xi32>
    %sign3A_19 = arith.constant 0 : i32
    %sign3A_20 = vector.broadcast %sign3A_19 : i32 to vector<64x256xi32>
    %sign3A_21 = arith.cmpi slt, %iota3A_14, %sign3A_20 : vector<64x256xi32>
    %sign3A_22 = arith.extui %sign3A_21 : vector<64x256xi1> to vector<64x256xi32>
    %sign3A_23 = arith.subi %sign3A_18, %sign3A_22 : vector<64x256xi32>
    %sign3A_24 = arith.constant 0 : i32
    %sign3A_25 = arith.cmpi sgt, %jit3A, %sign3A_24 : i32
    %sign3A_26 = arith.extui %sign3A_25 : i1 to i32
    %sign3A_27 = arith.constant 0 : i32
    %sign3A_28 = arith.cmpi slt, %jit3A, %sign3A_27 : i32
    %sign3A_29 = arith.extui %sign3A_28 : i1 to i32
    %sign3A_30 = arith.subi %sign3A_26, %sign3A_29 : i32
    %ne3A = vector.broadcast %sign3A_30 : i32 to vector<64x256xi32>
    %ne3A_31 = arith.cmpi ne, %sign3A_23, %ne3A : vector<64x256xi32>
    %rem3A = vector.broadcast %jit3A : i32 to vector<64x256xi32>
    %rem3A_32 = arith.remsi %iota3A_14, %rem3A : vector<64x256xi32>
    %ne3A_33 = arith.constant 0 : i32
    %ne3A_34 = vector.broadcast %ne3A_33 : i32 to vector<64x256xi32>
    %ne3A_35 = arith.cmpi ne, %rem3A_32, %ne3A_34 : vector<64x256xi32>
    %and3A = arith.andi %ne3A_31, %ne3A_35 : vector<64x256xi1>
    %sub3A = arith.constant 1 : i32
    %sub3A_36 = vector.broadcast %sub3A : i32 to vector<64x256xi32>
    %sub3A_37 = arith.subi %div3A_15, %sub3A_36 : vector<64x256xi32>
    %select_n3A = arith.select %and3A, %sub3A_37, %div3A_15 : vector<64x256xi1>, vector<64x256xi32>
    %convert_element_type3A_38 = arith.sitofp %select_n3A : vector<64x256xi32> to vector<64x256xf32>
    %mul3A = arith.constant -0.14391157 : f32
    %mul3A_39 = vector.broadcast %mul3A : f32 to vector<64x256xf32>
    %mul3A_40 = arith.mulf %convert_element_type3A_38, %mul3A_39 : vector<64x256xf32>
    %exp3A = math.exp %mul3A_40 : vector<64x256xf32>
    %mul3A_41 = arith.mulf %convert_element_type3A, %exp3A : vector<64x256xf32>
    %jit3A_42 = arith.constant 2 : i32
    %eq3A = arith.constant 0 : i32
    %eq3A_43 = arith.cmpi eq, %jit3A_42, %eq3A : i32
    %jit3A_44 = arith.constant 1 : i32
    %select_n3A_45 = arith.select %eq3A_43, %jit3A_44, %jit3A_42 : i32
    %rem3A_46 = vector.broadcast %select_n3A_45 : i32 to vector<64x256xi32>
    %rem3A_47 = arith.remsi %iota3A_14, %rem3A_46 : vector<64x256xi32>
    %ne3A_48 = arith.constant 0 : i32
    %ne3A_49 = vector.broadcast %ne3A_48 : i32 to vector<64x256xi32>
    %ne3A_50 = arith.cmpi ne, %rem3A_47, %ne3A_49 : vector<64x256xi32>
    %lt3A = arith.constant 0 : i32
    %lt3A_51 = vector.broadcast %lt3A : i32 to vector<64x256xi32>
    %lt3A_52 = arith.cmpi slt, %rem3A_47, %lt3A_51 : vector<64x256xi32>
    %lt3A_53 = arith.constant 0 : i32
    %lt3A_54 = arith.cmpi slt, %select_n3A_45, %lt3A_53 : i32
    %ne3A_55 = vector.broadcast %lt3A_54 : i1 to vector<64x256xi1>
    %ne3A_56 = vector.broadcast %ne3A_55 : vector<64x256xi1> to vector<64x256xi1>
    %ne3A_57 = arith.xori %lt3A_52, %ne3A_56 : vector<64x256xi1>
    %and3A_58 = arith.andi %ne3A_57, %ne3A_50 : vector<64x256xi1>
    %add3A_59 = vector.broadcast %select_n3A_45 : i32 to vector<64x256xi32>
    %add3A_60 = arith.addi %rem3A_47, %add3A_59 : vector<64x256xi32>
    %select_n3A_61 = arith.select %and3A_58, %add3A_60, %rem3A_47 : vector<64x256xi1>, vector<64x256xi32>
    %eq3A_62 = arith.constant 0 : i32
    %eq3A_63 = vector.broadcast %eq3A_62 : i32 to vector<64x256xi32>
    %eq3A_64 = arith.cmpi eq, %select_n3A_61, %eq3A_63 : vector<64x256xi32>
    %sin3A = math.sin %mul3A_41 : vector<64x256xf32>
    %cos3A = math.cos %mul3A_41 : vector<64x256xf32>
    %select_n3A_65 = arith.select %eq3A_64, %sin3A, %cos3A : vector<64x256xi1>, vector<64x256xf32>
    %swap3A_66 = arith.constant 0 : index
    %swap3A_67 = arith.constant 0 : index
    %swap3A_68 = vector.load %arg10[%swap3A_66, %swap3A_67] : memref<64x256xf32, #tpu.memory_space<vmem>>, vector<64x256xf32>
    tpu.vector_store %arg10[%swap3A_66, %swap3A_67], %select_n3A_65 {strides = array<i32>} : memref<64x256xf32, #tpu.memory_space<vmem>>, vector<64x256xf32>,
    %get3A_69 = arith.index_cast %arg0 : i32 to index
    %get3A_70 = arith.constant 0 : index
    %get3A_71 = memref.load %arg1[%get3A_69, %get3A_70] : memref<8x16xi32, #tpu.memory_space<smem>>
    %add3A_72 = arith.constant 0 : i32
    %add3A_73 = arith.addi %add3A_72, %get3A_71 : i32
    %get3A_74 = arith.index_cast %arg0 : i32 to index
    %get3A_75 = arith.constant 1 : index
    %get3A_76 = memref.load %arg1[%get3A_74, %get3A_75] : memref<8x16xi32, #tpu.memory_space<smem>>
    %add3A_77 = arith.addi %add3A_73, %get3A_76 : i32
    %get3A_78 = arith.index_cast %arg0 : i32 to index
    %get3A_79 = arith.constant 2 : index
    %get3A_80 = memref.load %arg1[%get3A_78, %get3A_79] : memref<8x16xi32, #tpu.memory_space<smem>>
    %add3A_81 = arith.addi %add3A_77, %get3A_80 : i32
    %get3A_82 = arith.index_cast %arg0 : i32 to index
    %get3A_83 = arith.constant 3 : index
    %get3A_84 = memref.load %arg1[%get3A_82, %get3A_83] : memref<8x16xi32, #tpu.memory_space<smem>>
    %add3A_85 = arith.addi %add3A_81, %get3A_84 : i32
    %get3A_86 = arith.index_cast %arg0 : i32 to index
    %get3A_87 = arith.constant 4 : index
    %get3A_88 = memref.load %arg1[%get3A_86, %get3A_87] : memref<8x16xi32, #tpu.memory_space<smem>>
    %add3A_89 = arith.addi %add3A_85, %get3A_88 : i32
    %get3A_90 = arith.index_cast %arg0 : i32 to index
    %get3A_91 = arith.constant 5 : index
    %get3A_92 = memref.load %arg1[%get3A_90, %get3A_91] : memref<8x16xi32, #tpu.memory_space<smem>>
    %add3A_93 = arith.addi %add3A_89, %get3A_92 : i32
    %get3A_94 = arith.index_cast %arg0 : i32 to index
    %get3A_95 = arith.constant 6 : index
    %get3A_96 = memref.load %arg1[%get3A_94, %get3A_95] : memref<8x16xi32, #tpu.memory_space<smem>>
    %add3A_97 = arith.addi %add3A_93, %get3A_96 : i32
    %get3A_98 = arith.index_cast %arg0 : i32 to index
    %get3A_99 = arith.constant 7 : index
    %get3A_100 = memref.load %arg1[%get3A_98, %get3A_99] : memref<8x16xi32, #tpu.memory_space<smem>>
    %add3A_101 = arith.addi %add3A_97, %get3A_100 : i32
    %get3A_102 = arith.index_cast %arg0 : i32 to index
    %get3A_103 = arith.constant 8 : index
    %get3A_104 = memref.load %arg1[%get3A_102, %get3A_103] : memref<8x16xi32, #tpu.memory_space<smem>>
    %add3A_105 = arith.addi %add3A_101, %get3A_104 : i32
    %get3A_106 = arith.index_cast %arg0 : i32 to index
    %get3A_107 = arith.constant 9 : index
    %get3A_108 = memref.load %arg1[%get3A_106, %get3A_107] : memref<8x16xi32, #tpu.memory_space<smem>>
    %add3A_109 = arith.addi %add3A_105, %get3A_108 : i32
    %get3A_110 = arith.index_cast %arg0 : i32 to index
    %get3A_111 = arith.constant 10 : index
    %get3A_112 = memref.load %arg1[%get3A_110, %get3A_111] : memref<8x16xi32, #tpu.memory_space<smem>>
    %add3A_113 = arith.addi %add3A_109, %get3A_112 : i32
    %get3A_114 = arith.index_cast %arg0 : i32 to index
    %get3A_115 = arith.constant 11 : index
    %get3A_116 = memref.load %arg1[%get3A_114, %get3A_115] : memref<8x16xi32, #tpu.memory_space<smem>>
    %add3A_117 = arith.addi %add3A_113, %get3A_116 : i32
    %get3A_118 = arith.index_cast %arg0 : i32 to index
    %get3A_119 = arith.constant 12 : index
    %get3A_120 = memref.load %arg1[%get3A_118, %get3A_119] : memref<8x16xi32, #tpu.memory_space<smem>>
    %add3A_121 = arith.addi %add3A_117, %get3A_120 : i32
    %get3A_122 = arith.index_cast %arg0 : i32 to index
    %get3A_123 = arith.constant 13 : index
    %get3A_124 = memref.load %arg1[%get3A_122, %get3A_123] : memref<8x16xi32, #tpu.memory_space<smem>>
    %add3A_125 = arith.addi %add3A_121, %get3A_124 : i32
    %get3A_126 = arith.index_cast %arg0 : i32 to index
    %get3A_127 = arith.constant 14 : index
    %get3A_128 = memref.load %arg1[%get3A_126, %get3A_127] : memref<8x16xi32, #tpu.memory_space<smem>>
    %add3A_129 = arith.addi %add3A_125, %get3A_128 : i32
    %get3A_130 = arith.index_cast %arg0 : i32 to index
    %get3A_131 = arith.constant 15 : index
    %get3A_132 = memref.load %arg1[%get3A_130, %get3A_131] : memref<8x16xi32, #tpu.memory_space<smem>>
    %add3A_133 = arith.addi %add3A_129, %get3A_132 : i32
    %iota3A_134 = tpu.iota {dimensions = array<i32: 0>} : vector<1024x1xi32>
    %iota3A_135 = tpu.iota {dimensions = array<i32: 1>} : vector<1x1024xi32>
    %broadcast_in_dim3A = arith.constant 0 : i32
    %broadcast_in_dim3A_136 = vector.broadcast %broadcast_in_dim3A : i32 to vector<1024x1xi32>
    %broadcast_in_dim3A_137 = arith.constant 0 : i32
    %broadcast_in_dim3A_138 = vector.broadcast %broadcast_in_dim3A_137 : i32 to vector<1x1024xi32>
    %broadcast_in_dim3A_139 = arith.constant 0 : i32
    %broadcast_in_dim3A_140 = vector.broadcast %broadcast_in_dim3A_139 : i32 to vector<1024x1xi32>
    %ge3A = arith.constant 0 : i32
    %ge3A_141 = vector.broadcast %ge3A : i32 to vector<1024x1xi32>
    %ge3A_142 = arith.cmpi sge, %iota3A_134, %ge3A_141 : vector<1024x1xi32>
    %convert_element_type3A_143 = arith.extui %ge3A_142 : vector<1024x1xi1> to vector<1024x1xi32>
    %add3A_144 = arith.addi %broadcast_in_dim3A_136, %convert_element_type3A_143 : vector<1024x1xi32>
    %ge3A_145 = arith.constant 0 : i32
    %ge3A_146 = vector.broadcast %ge3A_145 : i32 to vector<1x1024xi32>
    %ge3A_147 = arith.cmpi sge, %iota3A_135, %ge3A_146 : vector<1x1024xi32>
    %convert_element_type3A_148 = arith.extui %ge3A_147 : vector<1x1024xi1> to vector<1x1024xi32>
    %add3A_149 = arith.addi %broadcast_in_dim3A_138, %convert_element_type3A_148 : vector<1x1024xi32>
    %ge3A_150 = vector.broadcast %add3A_73 : i32 to vector<1024x1xi32>
    %ge3A_151 = arith.cmpi sge, %iota3A_134, %ge3A_150 : vector<1024x1xi32>
    %convert_element_type3A_152 = arith.extui %ge3A_151 : vector<1024x1xi1> to vector<1024x1xi32>
    %add3A_153 = arith.addi %add3A_144, %convert_element_type3A_152 : vector<1024x1xi32>
    %ge3A_154 = vector.broadcast %add3A_73 : i32 to vector<1x1024xi32>
    %ge3A_155 = arith.cmpi sge, %iota3A_135, %ge3A_154 : vector<1x1024xi32>
    %convert_element_type3A_156 = arith.extui %ge3A_155 : vector<1x1024xi1> to vector<1x1024xi32>
    %add3A_157 = arith.addi %add3A_149, %convert_element_type3A_156 : vector<1x1024xi32>
    %broadcast_in_dim3A_158 = vector.broadcast %add3A_73 : i32 to vector<1024x1xi32>
    %select_n3A_159 = arith.select %ge3A_151, %broadcast_in_dim3A_158, %broadcast_in_dim3A_140 : vector<1024x1xi1>, vector<1024x1xi32>
    %ge3A_160 = vector.broadcast %add3A_77 : i32 to vector<1024x1xi32>
    %ge3A_161 = arith.cmpi sge, %iota3A_134, %ge3A_160 : vector<1024x1xi32>
    %convert_element_type3A_162 = arith.extui %ge3A_161 : vector<1024x1xi1> to vector<1024x1xi32>
    %add3A_163 = arith.addi %add3A_153, %convert_element_type3A_162 : vector<1024x1xi32>
    %ge3A_164 = vector.broadcast %add3A_77 : i32 to vector<1x1024xi32>
    %ge3A_165 = arith.cmpi sge, %iota3A_135, %ge3A_164 : vector<1x1024xi32>
    %convert_element_type3A_166 = arith.extui %ge3A_165 : vector<1x1024xi1> to vector<1x1024xi32>
    %add3A_167 = arith.addi %add3A_157, %convert_element_type3A_166 : vector<1x1024xi32>
    %broadcast_in_dim3A_168 = vector.broadcast %add3A_77 : i32 to vector<1024x1xi32>
    %select_n3A_169 = arith.select %ge3A_161, %broadcast_in_dim3A_168, %select_n3A_159 : vector<1024x1xi1>, vector<1024x1xi32>
    %ge3A_170 = vector.broadcast %add3A_81 : i32 to vector<1024x1xi32>
    %ge3A_171 = arith.cmpi sge, %iota3A_134, %ge3A_170 : vector<1024x1xi32>
    %convert_element_type3A_172 = arith.extui %ge3A_171 : vector<1024x1xi1> to vector<1024x1xi32>
    %add3A_173 = arith.addi %add3A_163, %convert_element_type3A_172 : vector<1024x1xi32>
    %ge3A_174 = vector.broadcast %add3A_81 : i32 to vector<1x1024xi32>
    %ge3A_175 = arith.cmpi sge, %iota3A_135, %ge3A_174 : vector<1x1024xi32>
    %convert_element_type3A_176 = arith.extui %ge3A_175 : vector<1x1024xi1> to vector<1x1024xi32>
    %add3A_177 = arith.addi %add3A_167, %convert_element_type3A_176 : vector<1x1024xi32>
    %broadcast_in_dim3A_178 = vector.broadcast %add3A_81 : i32 to vector<1024x1xi32>
    %select_n3A_179 = arith.select %ge3A_171, %broadcast_in_dim3A_178, %select_n3A_169 : vector<1024x1xi1>, vector<1024x1xi32>
    %ge3A_180 = vector.broadcast %add3A_85 : i32 to vector<1024x1xi32>
    %ge3A_181 = arith.cmpi sge, %iota3A_134, %ge3A_180 : vector<1024x1xi32>
    %convert_element_type3A_182 = arith.extui %ge3A_181 : vector<1024x1xi1> to vector<1024x1xi32>
    %add3A_183 = arith.addi %add3A_173, %convert_element_type3A_182 : vector<1024x1xi32>
    %ge3A_184 = vector.broadcast %add3A_85 : i32 to vector<1x1024xi32>
    %ge3A_185 = arith.cmpi sge, %iota3A_135, %ge3A_184 : vector<1x1024xi32>
    %convert_element_type3A_186 = arith.extui %ge3A_185 : vector<1x1024xi1> to vector<1x1024xi32>
    %add3A_187 = arith.addi %add3A_177, %convert_element_type3A_186 : vector<1x1024xi32>
    %broadcast_in_dim3A_188 = vector.broadcast %add3A_85 : i32 to vector<1024x1xi32>
    %select_n3A_189 = arith.select %ge3A_181, %broadcast_in_dim3A_188, %select_n3A_179 : vector<1024x1xi1>, vector<1024x1xi32>
    %ge3A_190 = vector.broadcast %add3A_89 : i32 to vector<1024x1xi32>
    %ge3A_191 = arith.cmpi sge, %iota3A_134, %ge3A_190 : vector<1024x1xi32>
    %convert_element_type3A_192 = arith.extui %ge3A_191 : vector<1024x1xi1> to vector<1024x1xi32>
    %add3A_193 = arith.addi %add3A_183, %convert_element_type3A_192 : vector<1024x1xi32>
    %ge3A_194 = vector.broadcast %add3A_89 : i32 to vector<1x1024xi32>
    %ge3A_195 = arith.cmpi sge, %iota3A_135, %ge3A_194 : vector<1x1024xi32>
    %convert_element_type3A_196 = arith.extui %ge3A_195 : vector<1x1024xi1> to vector<1x1024xi32>
    %add3A_197 = arith.addi %add3A_187, %convert_element_type3A_196 : vector<1x1024xi32>
    %broadcast_in_dim3A_198 = vector.broadcast %add3A_89 : i32 to vector<1024x1xi32>
    %select_n3A_199 = arith.select %ge3A_191, %broadcast_in_dim3A_198, %select_n3A_189 : vector<1024x1xi1>, vector<1024x1xi32>
    %ge3A_200 = vector.broadcast %add3A_93 : i32 to vector<1024x1xi32>
    %ge3A_201 = arith.cmpi sge, %iota3A_134, %ge3A_200 : vector<1024x1xi32>
    %convert_element_type3A_202 = arith.extui %ge3A_201 : vector<1024x1xi1> to vector<1024x1xi32>
    %add3A_203 = arith.addi %add3A_193, %convert_element_type3A_202 : vector<1024x1xi32>
    %ge3A_204 = vector.broadcast %add3A_93 : i32 to vector<1x1024xi32>
    %ge3A_205 = arith.cmpi sge, %iota3A_135, %ge3A_204 : vector<1x1024xi32>
    %convert_element_type3A_206 = arith.extui %ge3A_205 : vector<1x1024xi1> to vector<1x1024xi32>
    %add3A_207 = arith.addi %add3A_197, %convert_element_type3A_206 : vector<1x1024xi32>
    %broadcast_in_dim3A_208 = vector.broadcast %add3A_93 : i32 to vector<1024x1xi32>
    %select_n3A_209 = arith.select %ge3A_201, %broadcast_in_dim3A_208, %select_n3A_199 : vector<1024x1xi1>, vector<1024x1xi32>
    %ge3A_210 = vector.broadcast %add3A_97 : i32 to vector<1024x1xi32>
    %ge3A_211 = arith.cmpi sge, %iota3A_134, %ge3A_210 : vector<1024x1xi32>
    %convert_element_type3A_212 = arith.extui %ge3A_211 : vector<1024x1xi1> to vector<1024x1xi32>
    %add3A_213 = arith.addi %add3A_203, %convert_element_type3A_212 : vector<1024x1xi32>
    %ge3A_214 = vector.broadcast %add3A_97 : i32 to vector<1x1024xi32>
    %ge3A_215 = arith.cmpi sge, %iota3A_135, %ge3A_214 : vector<1x1024xi32>
    %convert_element_type3A_216 = arith.extui %ge3A_215 : vector<1x1024xi1> to vector<1x1024xi32>
    %add3A_217 = arith.addi %add3A_207, %convert_element_type3A_216 : vector<1x1024xi32>
    %broadcast_in_dim3A_218 = vector.broadcast %add3A_97 : i32 to vector<1024x1xi32>
    %select_n3A_219 = arith.select %ge3A_211, %broadcast_in_dim3A_218, %select_n3A_209 : vector<1024x1xi1>, vector<1024x1xi32>
    %ge3A_220 = vector.broadcast %add3A_101 : i32 to vector<1024x1xi32>
    %ge3A_221 = arith.cmpi sge, %iota3A_134, %ge3A_220 : vector<1024x1xi32>
    %convert_element_type3A_222 = arith.extui %ge3A_221 : vector<1024x1xi1> to vector<1024x1xi32>
    %add3A_223 = arith.addi %add3A_213, %convert_element_type3A_222 : vector<1024x1xi32>
    %ge3A_224 = vector.broadcast %add3A_101 : i32 to vector<1x1024xi32>
    %ge3A_225 = arith.cmpi sge, %iota3A_135, %ge3A_224 : vector<1x1024xi32>
    %convert_element_type3A_226 = arith.extui %ge3A_225 : vector<1x1024xi1> to vector<1x1024xi32>
    %add3A_227 = arith.addi %add3A_217, %convert_element_type3A_226 : vector<1x1024xi32>
    %broadcast_in_dim3A_228 = vector.broadcast %add3A_101 : i32 to vector<1024x1xi32>
    %select_n3A_229 = arith.select %ge3A_221, %broadcast_in_dim3A_228, %select_n3A_219 : vector<1024x1xi1>, vector<1024x1xi32>
    %ge3A_230 = vector.broadcast %add3A_105 : i32 to vector<1024x1xi32>
    %ge3A_231 = arith.cmpi sge, %iota3A_134, %ge3A_230 : vector<1024x1xi32>
    %convert_element_type3A_232 = arith.extui %ge3A_231 : vector<1024x1xi1> to vector<1024x1xi32>
    %add3A_233 = arith.addi %add3A_223, %convert_element_type3A_232 : vector<1024x1xi32>
    %ge3A_234 = vector.broadcast %add3A_105 : i32 to vector<1x1024xi32>
    %ge3A_235 = arith.cmpi sge, %iota3A_135, %ge3A_234 : vector<1x1024xi32>
    %convert_element_type3A_236 = arith.extui %ge3A_235 : vector<1x1024xi1> to vector<1x1024xi32>
    %add3A_237 = arith.addi %add3A_227, %convert_element_type3A_236 : vector<1x1024xi32>
    %broadcast_in_dim3A_238 = vector.broadcast %add3A_105 : i32 to vector<1024x1xi32>
    %select_n3A_239 = arith.select %ge3A_231, %broadcast_in_dim3A_238, %select_n3A_229 : vector<1024x1xi1>, vector<1024x1xi32>
    %ge3A_240 = vector.broadcast %add3A_109 : i32 to vector<1024x1xi32>
    %ge3A_241 = arith.cmpi sge, %iota3A_134, %ge3A_240 : vector<1024x1xi32>
    %convert_element_type3A_242 = arith.extui %ge3A_241 : vector<1024x1xi1> to vector<1024x1xi32>
    %add3A_243 = arith.addi %add3A_233, %convert_element_type3A_242 : vector<1024x1xi32>
    %ge3A_244 = vector.broadcast %add3A_109 : i32 to vector<1x1024xi32>
    %ge3A_245 = arith.cmpi sge, %iota3A_135, %ge3A_244 : vector<1x1024xi32>
    %convert_element_type3A_246 = arith.extui %ge3A_245 : vector<1x1024xi1> to vector<1x1024xi32>
    %add3A_247 = arith.addi %add3A_237, %convert_element_type3A_246 : vector<1x1024xi32>
    %broadcast_in_dim3A_248 = vector.broadcast %add3A_109 : i32 to vector<1024x1xi32>
    %select_n3A_249 = arith.select %ge3A_241, %broadcast_in_dim3A_248, %select_n3A_239 : vector<1024x1xi1>, vector<1024x1xi32>
    %ge3A_250 = vector.broadcast %add3A_113 : i32 to vector<1024x1xi32>
    %ge3A_251 = arith.cmpi sge, %iota3A_134, %ge3A_250 : vector<1024x1xi32>
    %convert_element_type3A_252 = arith.extui %ge3A_251 : vector<1024x1xi1> to vector<1024x1xi32>
    %add3A_253 = arith.addi %add3A_243, %convert_element_type3A_252 : vector<1024x1xi32>
    %ge3A_254 = vector.broadcast %add3A_113 : i32 to vector<1x1024xi32>
    %ge3A_255 = arith.cmpi sge, %iota3A_135, %ge3A_254 : vector<1x1024xi32>
    %convert_element_type3A_256 = arith.extui %ge3A_255 : vector<1x1024xi1> to vector<1x1024xi32>
    %add3A_257 = arith.addi %add3A_247, %convert_element_type3A_256 : vector<1x1024xi32>
    %broadcast_in_dim3A_258 = vector.broadcast %add3A_113 : i32 to vector<1024x1xi32>
    %select_n3A_259 = arith.select %ge3A_251, %broadcast_in_dim3A_258, %select_n3A_249 : vector<1024x1xi1>, vector<1024x1xi32>
    %ge3A_260 = vector.broadcast %add3A_117 : i32 to vector<1024x1xi32>
    %ge3A_261 = arith.cmpi sge, %iota3A_134, %ge3A_260 : vector<1024x1xi32>
    %convert_element_type3A_262 = arith.extui %ge3A_261 : vector<1024x1xi1> to vector<1024x1xi32>
    %add3A_263 = arith.addi %add3A_253, %convert_element_type3A_262 : vector<1024x1xi32>
    %ge3A_264 = vector.broadcast %add3A_117 : i32 to vector<1x1024xi32>
    %ge3A_265 = arith.cmpi sge, %iota3A_135, %ge3A_264 : vector<1x1024xi32>
    %convert_element_type3A_266 = arith.extui %ge3A_265 : vector<1x1024xi1> to vector<1x1024xi32>
    %add3A_267 = arith.addi %add3A_257, %convert_element_type3A_266 : vector<1x1024xi32>
    %broadcast_in_dim3A_268 = vector.broadcast %add3A_117 : i32 to vector<1024x1xi32>
    %select_n3A_269 = arith.select %ge3A_261, %broadcast_in_dim3A_268, %select_n3A_259 : vector<1024x1xi1>, vector<1024x1xi32>
    %ge3A_270 = vector.broadcast %add3A_121 : i32 to vector<1024x1xi32>
    %ge3A_271 = arith.cmpi sge, %iota3A_134, %ge3A_270 : vector<1024x1xi32>
    %convert_element_type3A_272 = arith.extui %ge3A_271 : vector<1024x1xi1> to vector<1024x1xi32>
    %add3A_273 = arith.addi %add3A_263, %convert_element_type3A_272 : vector<1024x1xi32>
    %ge3A_274 = vector.broadcast %add3A_121 : i32 to vector<1x1024xi32>
    %ge3A_275 = arith.cmpi sge, %iota3A_135, %ge3A_274 : vector<1x1024xi32>
    %convert_element_type3A_276 = arith.extui %ge3A_275 : vector<1x1024xi1> to vector<1x1024xi32>
    %add3A_277 = arith.addi %add3A_267, %convert_element_type3A_276 : vector<1x1024xi32>
    %broadcast_in_dim3A_278 = vector.broadcast %add3A_121 : i32 to vector<1024x1xi32>
    %select_n3A_279 = arith.select %ge3A_271, %broadcast_in_dim3A_278, %select_n3A_269 : vector<1024x1xi1>, vector<1024x1xi32>
    %ge3A_280 = vector.broadcast %add3A_125 : i32 to vector<1024x1xi32>
    %ge3A_281 = arith.cmpi sge, %iota3A_134, %ge3A_280 : vector<1024x1xi32>
    %convert_element_type3A_282 = arith.extui %ge3A_281 : vector<1024x1xi1> to vector<1024x1xi32>
    %add3A_283 = arith.addi %add3A_273, %convert_element_type3A_282 : vector<1024x1xi32>
    %ge3A_284 = vector.broadcast %add3A_125 : i32 to vector<1x1024xi32>
    %ge3A_285 = arith.cmpi sge, %iota3A_135, %ge3A_284 : vector<1x1024xi32>
    %convert_element_type3A_286 = arith.extui %ge3A_285 : vector<1x1024xi1> to vector<1x1024xi32>
    %add3A_287 = arith.addi %add3A_277, %convert_element_type3A_286 : vector<1x1024xi32>
    %broadcast_in_dim3A_288 = vector.broadcast %add3A_125 : i32 to vector<1024x1xi32>
    %select_n3A_289 = arith.select %ge3A_281, %broadcast_in_dim3A_288, %select_n3A_279 : vector<1024x1xi1>, vector<1024x1xi32>
    %ge3A_290 = vector.broadcast %add3A_129 : i32 to vector<1024x1xi32>
    %ge3A_291 = arith.cmpi sge, %iota3A_134, %ge3A_290 : vector<1024x1xi32>
    %convert_element_type3A_292 = arith.extui %ge3A_291 : vector<1024x1xi1> to vector<1024x1xi32>
    %add3A_293 = arith.addi %add3A_283, %convert_element_type3A_292 : vector<1024x1xi32>
    %ge3A_294 = vector.broadcast %add3A_129 : i32 to vector<1x1024xi32>
    %ge3A_295 = arith.cmpi sge, %iota3A_135, %ge3A_294 : vector<1x1024xi32>
    %convert_element_type3A_296 = arith.extui %ge3A_295 : vector<1x1024xi1> to vector<1x1024xi32>
    %add3A_297 = arith.addi %add3A_287, %convert_element_type3A_296 : vector<1x1024xi32>
    %broadcast_in_dim3A_298 = vector.broadcast %add3A_129 : i32 to vector<1024x1xi32>
    %select_n3A_299 = arith.select %ge3A_291, %broadcast_in_dim3A_298, %select_n3A_289 : vector<1024x1xi1>, vector<1024x1xi32>
    %lt3A_300 = vector.broadcast %add3A_133 : i32 to vector<1024x1xi32>
    %lt3A_301 = arith.cmpi slt, %iota3A_134, %lt3A_300 : vector<1024x1xi32>
    %lt3A_302 = vector.broadcast %add3A_133 : i32 to vector<1x1024xi32>
    %lt3A_303 = arith.cmpi slt, %iota3A_135, %lt3A_302 : vector<1x1024xi32>
    %sub3A_304 = arith.constant 1 : i32
    %sub3A_305 = vector.broadcast %sub3A_304 : i32 to vector<1024x1xi32>
    %sub3A_306 = arith.subi %add3A_293, %sub3A_305 : vector<1024x1xi32>
    %sub3A_307 = arith.constant 1 : i32
    %sub3A_308 = vector.broadcast %sub3A_307 : i32 to vector<1x1024xi32>
    %sub3A_309 = arith.subi %add3A_297, %sub3A_308 : vector<1x1024xi32>
    %mul3A_310 = arith.constant 64 : i32
    %mul3A_311 = vector.broadcast %mul3A_310 : i32 to vector<1024x1xi32>
    %mul3A_312 = arith.muli %sub3A_306, %mul3A_311 : vector<1024x1xi32>
    %sub3A_313 = arith.subi %iota3A_134, %select_n3A_299 : vector<1024x1xi32>
    %add3A_314 = arith.addi %mul3A_312, %sub3A_313 : vector<1024x1xi32>
    %jit3A_315 = arith.constant -1 : i32
    %broadcast_in_dim3A_316 = vector.broadcast %jit3A_315 : i32 to vector<1024x1xi32>
    %select_n3A_317 = arith.select %lt3A_301, %add3A_314, %broadcast_in_dim3A_316 : vector<1024x1xi1>, vector<1024x1xi32>
    %eq3A_318 = vector.broadcast %iota3A_135 : vector<1x1024xi32> to vector<1024x1024xi32>
    %eq3A_319 = vector.broadcast %select_n3A_317 : vector<1024x1xi32> to vector<1024x1024xi32>
    %eq3A_320 = arith.cmpi eq, %eq3A_318, %eq3A_319 : vector<1024x1024xi32>
    %convert_element_type3A_321 = arith.extui %eq3A_320 : vector<1024x1024xi1> to vector<1024x1024xi32>
    %convert_element_type3A_322 = arith.sitofp %convert_element_type3A_321 : vector<1024x1024xi32> to vector<1024x1024xf32>
    %get3A_323 = arith.constant 0 : index
    %get3A_324 = arith.constant 0 : index
    %get3A_325 = vector.load %arg9[%get3A_323, %get3A_324] : memref<1024x256xf32, #tpu.memory_space<vmem>>, vector<1024x256xf32>
    %dot_general3A_326 = arith.constant dense<0.000000e+00> : vector<1024x256xf32>
    %dot_general3A_327 = tpu.matmul %convert_element_type3A_322, %get3A_325, %dot_general3A_326 {dimension_numbers = #tpu.dot_dimension_numbers<[1], [0], [0], [1], [0, 0, 1, 1], [], []>, transpose_lhs_hint = false} : vector<1024x1024xf32>, vector<1024x256xf32>, vector<1024x256xf32> -> vector<1024x256xf32>
    %swap3A_328 = arith.constant 0 : index
    %swap3A_329 = arith.constant 0 : index
    %swap3A_330 = arith.constant 0 : index
    %swap3A_331 = vector.load %arg5[%swap3A_328, %swap3A_329, %swap3A_330] : memref<1x1024x256xf32, #tpu.memory_space<vmem>>, vector<1x1024x256xf32>
    %swap3A_332 = vector.shape_cast %swap3A_331 : vector<1x1024x256xf32> to vector<1024x256xf32>
    %swap3A_333 = vector.shape_cast %dot_general3A_327 : vector<1024x256xf32> to vector<1x1024x256xf32>
    tpu.vector_store %arg5[%swap3A_328, %swap3A_329, %swap3A_330], %swap3A_333 {strides = array<i32>} : memref<1x1024x256xf32, #tpu.memory_space<vmem>>, vector<1x1024x256xf32>,
    %sub3A_334 = arith.subi %iota3A_134, %select_n3A_299 : vector<1024x1xi32>
    %jit3A_335 = arith.constant 0 : i32
    %broadcast_in_dim3A_336 = vector.broadcast %jit3A_335 : i32 to vector<1024x1xi32>
    %select_n3A_337 = arith.select %lt3A_301, %sub3A_334, %broadcast_in_dim3A_336 : vector<1024x1xi1>, vector<1024x1xi32>
    %iota3A_338 = tpu.iota {dimensions = array<i32: 1>} : vector<1x64xi32>
    %eq3A_339 = vector.broadcast %iota3A_338 : vector<1x64xi32> to vector<1024x64xi32>
    %eq3A_340 = vector.broadcast %select_n3A_337 : vector<1024x1xi32> to vector<1024x64xi32>
    %eq3A_341 = arith.cmpi eq, %eq3A_339, %eq3A_340 : vector<1024x64xi32>
    %convert_element_type3A_342 = arith.extui %eq3A_341 : vector<1024x64xi1> to vector<1024x64xi32>
    %convert_element_type3A_343 = arith.sitofp %convert_element_type3A_342 : vector<1024x64xi32> to vector<1024x64xf32>
    %get3A_344 = arith.constant 0 : index
    %get3A_345 = arith.constant 0 : index
    %get3A_346 = vector.load %arg10[%get3A_344, %get3A_345] : memref<64x256xf32, #tpu.memory_space<vmem>>, vector<64x256xf32>
    %dot_general3A_347 = arith.constant dense<0.000000e+00> : vector<1024x256xf32>
    %dot_general3A_348 = tpu.matmul %convert_element_type3A_343, %get3A_346, %dot_general3A_347 {dimension_numbers = #tpu.dot_dimension_numbers<[1], [0], [0], [1], [0, 0, 1, 1], [], []>, transpose_lhs_hint = false} : vector<1024x64xf32>, vector<64x256xf32>, vector<1024x256xf32> -> vector<1024x256xf32>
    %swap3A_349 = arith.constant 0 : index
    %swap3A_350 = arith.constant 0 : index
    %swap3A_351 = arith.constant 0 : index
    %swap3A_352 = vector.load %arg6[%swap3A_349, %swap3A_350, %swap3A_351] : memref<1x1024x256xf32, #tpu.memory_space<vmem>>, vector<1x1024x256xf32>
    %swap3A_353 = vector.shape_cast %swap3A_352 : vector<1x1024x256xf32> to vector<1024x256xf32>
    %swap3A_354 = vector.shape_cast %dot_general3A_348 : vector<1024x256xf32> to vector<1x1024x256xf32>
    tpu.vector_store %arg6[%swap3A_349, %swap3A_350, %swap3A_351], %swap3A_354 {strides = array<i32>} : memref<1x1024x256xf32, #tpu.memory_space<vmem>>, vector<1x1024x256xf32>,
    %not3A = arith.constant dense<true> : vector<1x1024xi1>
    %not3A_355 = arith.xori %lt3A_303, %not3A : vector<1x1024xi1>
    %swap3A_356 = arith.constant 0 : index
    %swap3A_357 = arith.constant 0 : index
    %swap3A_358 = arith.constant 0 : index
    %swap3A_359 = vector.load %arg7[%swap3A_356, %swap3A_357, %swap3A_358] : memref<1x1x1024xi32, #tpu.memory_space<vmem>>, vector<1x1x1024xi32>
    %swap3A_360 = arith.extui %not3A_355 : vector<1x1024xi1> to vector<1x1024xi32>
    %swap3A_361 = vector.shape_cast %swap3A_359 : vector<1x1x1024xi32> to vector<1x1024xi32>
    %swap3A_362 = vector.shape_cast %swap3A_360 : vector<1x1024xi32> to vector<1x1x1024xi32>
    %swap3A_363 = arith.constant dense<0> : vector<1x1024xi32>
    %swap3A_364 = arith.cmpi ne, %swap3A_361, %swap3A_363 : vector<1x1024xi32>
    tpu.vector_store %arg7[%swap3A_356, %swap3A_357, %swap3A_358], %swap3A_362 {strides = array<i32>} : memref<1x1x1024xi32, #tpu.memory_space<vmem>>, vector<1x1x1024xi32>,
    %add3A_365 = arith.constant 16 : i32
    %add3A_366 = vector.broadcast %add3A_365 : i32 to vector<1x1024xi32>
    %add3A_367 = arith.addi %add3A_366, %iota3A_135 : vector<1x1024xi32>
    %select_n3A_368 = arith.select %lt3A_303, %sub3A_309, %add3A_367 : vector<1x1024xi1>, vector<1x1024xi32>
    %add3A_369 = arith.constant 16 : i32
    %add3A_370 = vector.broadcast %add3A_369 : i32 to vector<1024x1xi32>
    %add3A_371 = arith.addi %add3A_370, %iota3A_134 : vector<1024x1xi32>
    %select_n3A_372 = arith.select %lt3A_301, %sub3A_306, %add3A_371 : vector<1024x1xi1>, vector<1024x1xi32>
    %ne3A_373 = vector.broadcast %select_n3A_372 : vector<1024x1xi32> to vector<1024x1024xi32>
    %ne3A_374 = vector.broadcast %select_n3A_368 : vector<1x1024xi32> to vector<1024x1024xi32>
    %ne3A_375 = arith.cmpi ne, %ne3A_373, %ne3A_374 : vector<1024x1024xi32>
    %swap3A_376 = arith.constant 0 : index
    %swap3A_377 = arith.constant 0 : index
    %swap3A_378 = arith.constant 0 : index
    %swap3A_379 = vector.load %arg8[%swap3A_376, %swap3A_377, %swap3A_378] : memref<1x1024x1024xi32, #tpu.memory_space<vmem>>, vector<1x1024x1024xi32>
    %swap3A_380 = arith.extui %ne3A_375 : vector<1024x1024xi1> to vector<1024x1024xi32>
    %swap3A_381 = vector.shape_cast %swap3A_379 : vector<1x1024x1024xi32> to vector<1024x1024xi32>
    %swap3A_382 = vector.shape_cast %swap3A_380 : vector<1024x1024xi32> to vector<1x1024x1024xi32>
    %swap3A_383 = arith.constant dense<0> : vector<1024x1024xi32>
    %swap3A_384 = arith.cmpi ne, %swap3A_381, %swap3A_383 : vector<1024x1024xi32>
    tpu.vector_store %arg8[%swap3A_376, %swap3A_377, %swap3A_378], %swap3A_382 {strides = array<i32>} : memref<1x1024x1024xi32, #tpu.memory_space<vmem>>, vector<1x1024x1024xi32>,
    return
  }
  func.func @transform_0(%arg0: i32) -> (i32, i32) {
    %c0_i32 = arith.constant 0 : i32
    %c0_i32_0 = arith.constant 0 : i32
    %c0_i32_1 = arith.constant 0 : i32
    return %c0_i32, %c0_i32_0 : i32, i32
  }
  func.func @transform_1(%arg0: i32) -> (i32, i32, i32) {
    %c0_i32 = arith.constant 0 : i32
    %c0_i32_0 = arith.constant 0 : i32
    %c0_i32_1 = arith.constant 0 : i32
    return %arg0, %c0_i32, %c0_i32_0 : i32, i32, i32
  }
  func.func @transform_2(%arg0: i32) -> (i32, i32) {
    %c0_i32 = arith.constant 0 : i32
    %c0_i32_0 = arith.constant 0 : i32
    %c0_i32_1 = arith.constant 0 : i32
    return %c0_i32, %c0_i32_0 : i32, i32
  }
  func.func @transform_3(%arg0: i32) -> (i32, i32) {
    %c0_i32 = arith.constant 0 : i32
    %c0_i32_0 = arith.constant 0 : i32
    %c0_i32_1 = arith.constant 0 : i32
    return %c0_i32, %c0_i32_0 : i32, i32
  }
  func.func @transform_4(%arg0: i32) -> (i32, i32, i32) {
    %c0_i32 = arith.constant 0 : i32
    %c0_i32_0 = arith.constant 0 : i32
    %c0_i32_1 = arith.constant 0 : i32
    return %arg0, %c0_i32, %c0_i32_0 : i32, i32, i32
  }
  func.func @transform_5(%arg0: i32) -> (i32, i32, i32) {
    %c0_i32 = arith.constant 0 : i32
    %c0_i32_0 = arith.constant 0 : i32
    %c0_i32_1 = arith.constant 0 : i32
    return %arg0, %c0_i32, %c0_i32_0 : i32, i32, i32
  }
  func.func @transform_6(%arg0: i32) -> (i32, i32, i32) {
    %c0_i32 = arith.constant 0 : i32
    %c0_i32_0 = arith.constant 0 : i32
    %c0_i32_1 = arith.constant 0 : i32
    return %arg0, %c0_i32, %c0_i32_0 : i32, i32, i32
  }
  func.func @transform_7(%arg0: i32) -> (i32, i32, i32) {
    %c0_i32 = arith.constant 0 : i32
    %c0_i32_0 = arith.constant 0 : i32
    %c0_i32_1 = arith.constant 0 : i32
    return %arg0, %c0_i32, %c0_i32_0 : i32, i32, i32
  }
}

</mosaic_0001>

<sc_bundles>
// kernel: kernel.4.cloned.1.call-start
scs
__scs_entry_jumppad:
0x0: {  	(pc) =	sbr.rel $0x88, $3  }
0x1: {  	(tag) =	ssettag $0x0;
	lr =	simm.s32 $0x1  }
0x2: {  	[smem:$0x3F9D] =	sst lr;
	_ =	strace $0xD0000000  }
0x3: {  	_ = 	snop  }
0x4: {  	_ = 	snop  }
0x5: {  	_ = 	snop  }
0x6: {  	_ = 	snop  }
0x7: {  	_ = 	snop  }
__scs_overlays_trampoline_lowered:
0x8: {  	[smem:$0x3FAC] =	sst s0  }
0x9: {  	[smem:$0x3FAD] =	sst s1  }
0xa: {  	[smem:$0x3FAE] =	sst s2  }
0xb: {  	[smem:$0x3FAF] =	sst s3  }
0xc: {  	[smem:$0x3FB0] =	sst s4  }
0xd: {  	[smem:$0x3FB1] =	sst s5  }
0xe: {  	[smem:$0x3FB2] =	sst s6  }
0xf: {  	[smem:$0x3FB3] =	sst s7  }
0x10: {  	[smem:$0x3FB4] =	sst s8  }
0x11: {  	[smem:$0x3FB5] =	sst s9;
	s0 =	simm.s32 @!p0 $0x0  }
0x12: {  	s1 =	sld [smem:$0x3F9B];
	s0 =	simm.s32 @p0 $0x1  }
0x13: {  	[smem:$0x3FB6] =	sst s0;
	s0 =	simm.s32 @!p1 $0x0  }
0x14: {  	s2 =	sld [smem:$0x3F9A];
	s0 =	simm.s32 @p1 $0x1  }
0x15: {  	[smem:$0x3FB7] =	sst s0;
	s0 =	simm.s32 @!p2 $0x0  }
0x16: {  	s3 =	sld [smem:$0x3FDB];
	s0 =	simm.s32 @p2 $0x1  }
0x17: {  	s4 =	simm.s32 $0x1BF5;
	[smem:$0x3FB9] =	sst s0  }
0x18: {  	s0 =	sld [smem:$0x3F9C];
	_ =	swait.ge [sflag:s4], $0x0  }
0x19: {  	s7 =	sld [smem:$0x3F9D]  }
0x1a: {  	s8 =	sadd.s32 $0xFFFFE003, lr  }
0x1b: {  	s9 =	sadd.s32 $0xFFFFFEF7, lr;
	s5 =	simm.s32 $0xFFFFFFFF;
	p2 =	slt.u32 s8, $0xFFFFF086  }
0x1c: {  	p1 =	slt.u32 s9, $0xF7A;
	s5 =	simm.s32 @!p2 $0x0  }
0x1d: {  	s5 =	simm.s32 @p1 $0x1;
	p0 =	seq.s32 s7, s2  }
0x1e: {  	s7 =	smul.u32 @!p0 $0xF7A, s2;
	p2 =	seq.s32 @!p0 s5, $0x0  }
0x1f: {  	s9 =	smul.u32 $0xF7A, s1;
	s8 =	simm.s32 @!p0 $0x1BF5;
	p2 =	por !p2, p0  }
0x20: {  	[sflag:s8] =	ssyncset.s32 @!p0 $0xFFFFF086;
	s6 =	sadd.s32 @!p0 s3, s7;
	s7 =	simm.s32 @!p0 $0x108  }
0x21: {  	s3 =	sadd.s32 s3, s9;
	s6 =	sadd.s32 @!p0 $0x88, s6;
	s7 =	simm.s32 @p2 $0x1082  }
0x22: {  	[simem:s7], [sflag:s8] =	dma.local @!p0 [hbm:s6], $0xF7A  }
0x23: {  	s9 =	sor.u32 $0xD0000000, s2;
	s6 =	simm.s32 $0x108;
	_ =	swait.ge @!p0 [sflag:s8], $0x0  }
0x24: {  	s3 =	sadd.s32 $0x88, s3;
	s6 =	simm.s32 @!p1 $0x1082;
	[sflag:s4] =	ssyncset.s32 $0xFFFFF086  }
0x25: {  	[simem:s6], [sflag:s4] =	dma.local [hbm:s3], $0xF7A  }
0x26: {  	[smem:$0x3F9D] =	sst s1;
	(tag) =	ssettag s2;
	_ =	strace s9  }
0x27: {  	s1 =	sld [smem:$0x3FAD]  }
0x28: {  	s2 =	sld [smem:$0x3FAE]  }
0x29: {  	s4 =	sld [smem:$0x3FB0]  }
0x2a: {  	p0 =	seq.s32 s5, $0x0;
	s5 =	sld [smem:$0x3FB1]  }
0x2b: {  	s6 =	sld [smem:$0x3FB2]  }
0x2c: {  	s7 =	sld [smem:$0x3FB3]  }
0x2d: {  	s3 =	simm.s32 $0x108;
	s8 =	sld [smem:$0x3FB4]  }
0x2e: {  	s3 =	simm.s32 @!p0 $0x1082;
	s9 =	sld [smem:$0x3FB5]  }
0x2f: {  	lr =	sadd.s32 s0, s3;
	s0 =	sld [smem:$0x3FAC]  }
0x30: {  	s3 =	sld [smem:$0x3FAF]  }
0x31: {  	[smem:$0x3FB8] =	sst s10  }
0x32: {  	s10 =	sld [smem:$0x3FB6];
	_ =	sdelay $0x3  }
0x33: {  	p0 =	seq.s32 s10, $0x1;
	s10 =	sld [smem:$0x3FB8];
	_ =	sdelay $0x3  }
0x34: {  	[smem:$0x3FB8] =	sst s10  }
0x35: {  	s10 =	sld [smem:$0x3FB7];
	_ =	sdelay $0x3  }
0x36: {  	p1 =	seq.s32 s10, $0x1;
	s10 =	sld [smem:$0x3FB8];
	_ =	sdelay $0x3  }
0x37: {  	[smem:$0x3FB8] =	sst s10  }
0x38: {  	s10 =	sld [smem:$0x3FB9]  }
0x39: {  	_ = 	snop;
	(pc) =	sbr.ind lr, $3  }
0x3a: {  	_ = 	snop  }
0x3b: {  	_ = 	snop  }
0x3c: {  	p2 =	seq.s32 s10, $0x1;
	s10 =	sld [smem:$0x3FB8]  }
0x3d: {  	_ =	shalt  }
0x3e: {  	_ =	shalt  }
0x3f: {  	_ =	shalt  }
0x40: {  	_ =	shalt  }
0x41: {  	_ =	shalt  }
0x42: {  	_ =	shalt  }
0x43: {  	_ =	shalt  }
0x44: {  	_ =	shalt  }
0x45: {  	_ =	shalt  }
0x46: {  	_ =	shalt  }
0x47: {  	_ =	shalt  }
0x48: {  	_ =	shalt  }
0x49: {  	_ =	shalt  }
0x4a: {  	_ =	shalt  }
0x4b: {  	_ =	shalt  }
0x4c: {  	_ =	shalt  }
0x4d: {  	_ =	shalt  }
0x4e: {  	_ =	shalt  }
0x4f: {  	_ =	shalt  }
0x50: {  	_ =	shalt  }
0x51: {  	_ =	shalt  }
0x52: {  	_ =	shalt  }
0x53: {  	_ =	shalt  }
0x54: {  	_ =	shalt  }
0x55: {  	_ =	shalt  }
0x56: {  	_ =	shalt  }
0x57: {  	_ =	shalt  }
0x58: {  	_ =	shalt  }
0x59: {  	_ =	shalt  }
0x5a: {  	_ =	shalt  }
0x5b: {  	_ =	shalt  }
0x5c: {  	_ =	shalt  }
0x5d: {  	_ =	shalt  }
0x5e: {  	_ =	shalt  }
0x5f: {  	_ =	shalt  }
0x60: {  	_ =	shalt  }
0x61: {  	_ =	shalt  }
0x62: {  	_ =	shalt  }
0x63: {  	_ =	shalt  }
0x64: {  	_ =	shalt  }
0x65: {  	_ =	shalt  }
0x66: {  	_ =	shalt  }
0x67: {  	_ =	shalt  }
0x68: {  	_ =	shalt  }
0x69: {  	_ =	shalt  }
0x6a: {  	_ =	shalt  }
0x6b: {  	_ =	shalt  }
0x6c: {  	_ =	shalt  }
0x6d: {  	_ =	shalt  }
0x6e: {  	_ =	shalt  }
0x6f: {  	_ =	shalt  }
0x70: {  	_ =	shalt  }
0x71: {  	_ =	shalt  }
0x72: {  	_ =	shalt  }
0x73: {  	_ =	shalt  }
0x74: {  	_ =	shalt  }
0x75: {  	_ =	shalt  }
0x76: {  	_ =	shalt  }
0x77: {  	_ =	shalt  }
0x78: {  	_ =	shalt  }
0x79: {  	_ =	shalt  }
0x7a: {  	_ =	shalt  }
0x7b: {  	_ =	shalt  }
0x7c: {  	_ =	shalt  }
0x7d: {  	_ =	shalt  }
0x7e: {  	_ =	shalt  }
0x7f: {  	_ =	shalt  }
0x80: {  	_ =	shalt  }
0x81: {  	_ =	shalt  }
0x82: {  	_ =	shalt  }
0x83: {  	_ =	shalt  }
0x84: {  	_ =	shalt  }
0x85: {  	_ =	shalt  }
0x86: {  	_ =	shalt  }
0x87: {  	_ =	shalt  }
.Lfunc_end0:
.L_simem_size_0:
called_computation_lowered:
.L_overlay_start_0:
0x88: {  	s2 =	sld [smem:$0x3FD9]  }
0x89: {  	s3 =	sld [smem:$0x3FFE];
	_ =	sdelay $0x1  }
0x8a: {  	s1 =	srdreg.scid  }
0x8b: {  	s0 =	sand.u32 $0x1, s1  }
0x8c: {  	s15 =	sshll.u32 s0, $0xA;
	s2 =	sadd.s32 s3, s2  }
0x8d: {  	s2 =	sadd.s32 s2, s15  }
0x8e: {  	[smem:$0x3FC4] =	sst s2  }
0x8f: {  	_ = 	snop  }
0x90: {  	s2 =	sld [smem:$0x3FD0];
	_ =	sdelay $0x2  }
0x91: {  	s4 =	simm.s32 $0xA;
	s5 =	simm.s32 $0x10;
	s16 =	sld [smem:$0x3FC8]  }
0x92: {  	[smem:s5], [sflag:s4] =	dma.local [hbm:s2], $0x1  }
0x93: {  	_ =	swait.eq [sflag:s4], $0x1  }
0x94: {  	[sflag:s4] =	ssyncset.done $0x0  }
0x95: {  	[sflag:s4] =	ssyncadd.s32 $0xFFFFFFFF  }
0x96: {  	s17 =	sld [smem:$0x14];
	(tm) =	ssettm $0x1  }
0x97: {  	s18 =	sld [smem:$0x3FFB];
	_ =	sdelay $0x3  }
0x98: {  	_ =	strace s18  }
0x99: {  	s4 =	sld [smem:$0x3FFC];
	_ =	sdelay $0x3  }
0x9a: {  	_ =	strace s4  }
0x9b: {  	s4 =	sld [smem:$0x3FFD];
	_ =	sdelay $0x3  }
0x9c: {  	_ =	strace s4  }
0x9d: {  	_ =	strace $0x8FFFFFFF  }
0x9e: {  	s19 =	sld [smem:$0x3FDB];
	_ =	sdelay $0x1  }
0x9f: {  	s20 =	simm.s32 $_scs_section_size  }
0xa0: {  	s6 =	simm.s32 $_size__tile_overlayer_lowered;
	s7 =	simm.s32 $_tile_overlayer_lowered  }
0xa1: {  	s23 =	simm.s32 $0x1BFF;
	s22 =	sshll.u32 s7, $0x1;
	s4 =	sadd.s32 s20, s19  }
0xa2: {  	s8 =	simm.s32 $0x0;
	s21 =	sshll.u32 s6, $0x1;
	s6 =	sadd.s32 s22, s4  }
0xa3: {  	[timem:s8], [sflag:s23] =	dma.local [hbm:s6], s21  }
0xa4: {  	_ =	swait.ge [sflag:s23], s21  }
0xa5: {  	s5 =	ssub.s32 $0x0, s21;
	[sflag:s23] =	ssyncset.done $0x0  }
0xa6: {  	[sflag:s23] =	ssyncadd.s32 s5;
	_ =	sdelay $0x1  }
0xa7: {  	s24 =	simm.s32 $0x1B8B  }
0xa8: {  	_ =	swait.ge [sflag:s24], $0x1  }
0xa9: {  	[sflag:s24] =	ssyncset.done $0x0  }
0xaa: {  	s25 =	simm.s32 $0x1B8E;
	[sflag:s24] =	ssyncadd.s32 $0xFFFFFFFF  }
0xab: {  	s26 =	simm.s32 $execute0_lowered;
	[smem:$0x3FD2] =	sst s25  }
0xac: {  	s5 =	sshll.u32 s26, $0x1;
	_ =	strace $0x80000046;
	[dreg:$0x1] =	wrdreg $0xFFFFFFFF  }
0xad: {  	s28 =	simm.s32 $_size_execute0_lowered;
	s4 =	sadd.s32 s4, s5;
	[dreg:$0x0] =	wrdreg $0x0  }
0xae: {  	s5 =	sshll.u32 s28, $0x1;
	[dreg:$0x2] =	wrdreg s4  }
0xaf: {  	[dreg:$0x3] =	wrdreg s5  }
0xb0: {  	[dreg:$0x4] =	wrdreg $0xC0  }
0xb1: {  	_ =	task [dreg:s8], $0x5FFFF  }
0xb2: {  	[dreg:$0x1] =	wrdreg $0xFFFFFFFF  }
0xb3: {  	[dreg:$0x0] =	wrdreg $0x60  }
0xb4: {  	[dreg:$0x2] =	wrdreg s16  }
0xb5: {  	[dreg:$0x3] =	wrdreg s17  }
0xb6: {  	[dreg:$0x4] =	wrdreg $0x9  }
0xb7: {  	_ =	task.clear_ibuf [dreg:s8], $0x5FFFF;
	_ =	strace $0x90000046  }
0xb8: {  	s29 =	simm.s32 $0x9;
	_ =	strace $0x80000048  }
0xb9: {  	_ =	swait.ge [sflag:s29], $0x1  }
0xba: {  	[sflag:s29] =	ssyncadd.s32 $0xFFFFFFFF  }
0xbb: {  	_ =	strace $0x90000048  }
0xbc: {  	_ =	sfence  }
0xbd: {  	s30 =	sld [smem:$0x0];
	_ =	sdelay $0x2  }
0xbe: {  	s31 =	sshll.u32 s1, $0xD;
	s1 =	sshrl.u32 s1, $0x2  }
0xbf: {  	s3 =	sand.u32 $0x4000, s31;
	s1 =	sadd.s32 s1, s30  }
0xc0: {  	s0 =	sor.u32 s3, s0;
	s1 =	sshll.u32 s1, $0x11  }
0xc1: {  	s0 =	sor.u32 s1, s0  }
0xc2: {  	s0 =	sadd.s32 $0x8F2B, s0  }
0xc3: {  	[sflag:s0] =	ssyncadd.remote.s32 $0x1  }
0xc4: {  	_ =	sfence.sel $0xFFFF  }
0xc5: {  	[dreg:$0x0] =	wrdreg $0xFFFFFFFF;
	(pc) =	sbr.abs _section_cstart, $3  }
0xc6: {  	[dreg:$0x1] =	wrdreg $0xFFFFFFFF  }
0xc7: {  	_ =	task.clear_ibuf [dreg:s8], $0x2FFFF;
	_ =	strace $0x9FFFFFFF  }
0xc8: {  	(tm) =	ssettm $0x7FFFFFFF  }
0xc9: {  	_ =	shalt  }
tec
execute0_lowered:
.L_overlay_start_1:
0x0: {  	(tag) =	ssettag $0x1  }
0x1: {  	s3 =	rddreg [dreg:$0x0]  }
0x2: {  	s4 =	rddreg [dreg:$0x1]  }
0x3: {  	s0 =	rddreg [dreg:$0x2]  }
0x4: {  	s2 =	simm.s32 $0x0;
	s1 =	stileid.u32;
	s5 =	srdreg.scid  }
0x5: {  	[smem:$0x7FF] =	sst s2;
	s6 =	sshll.u32 s1, $0x6;
	s5 =	sand.u32 $0x1, s5  }
0x6: {  	s7 =	sshll.u32 s1, $0x1;
	_ =	strace $0x80000047;
	s6 =	sand.u32 $0x380, s6  }
0x7: {  	s8 =	ssub.s32 $0x2, s5;
	s7 =	sand.u32 $0x2, s7;
	s9 =	sshrl.u32 s6, $0x3  }
0x8: {  	s10 =	sshrl.u32 s8, $0x1;
	s5 =	sor.u32 s5, s7;
	s3 =	sadd.s32 s3, s9  }
0x9: {  	s17 =	ssub.s32 s8, s10;
	s18 =	sshll.u32 s5, $0x8;
	s5 =	sshll.u32 s5, $0xB  }
0xa: {  	[dreg:$0x3] =	wrdreg s3;
	s19 =	sor.u32 $0x10, s18;
	s20 =	sor.u32 $0x20, s18  }
0xb: {  	v15 =	vlaneseq.u32;
	s21 =	sor.u32 $0x30, s18;
	s11 =	sor.u32 $0x40, s18;
	s12 =	sor.u32 $0x50, s18  }
0xc: {  	v16 =	vimm.s32 $0x0;
	v17 =	vimm.s32 $0x1;
	s13 =	sor.u32 $0x60, s18;
	s22 =	sor.u32 $0x70, s18;
	s23 =	sor.u32 $0x80, s18;
	v9 =	vor.u32 s18, v15  }
0xd: {  	s24 =	sor.u32 $0x90, s18;
	s5 =	sor.u32 s6, s5;
	s25 =	sor.u32 $0xA0, s18;
	v0 =	vor.u32 s19, v15;
	v1 =	vor.u32 s20, v15;
	v2 =	vor.u32 s21, v15  }
0xe: {  	s26 =	sor.u32 $0xB0, s18;
	s28 =	sor.u32 $0xC0, s18;
	s29 =	sor.u32 $0xD0, s18;
	v3 =	vor.u32 s11, v15;
	v4 =	vor.u32 s12, v15;
	v5 =	vor.u32 s13, v15  }
0xf: {  	s30 =	sor.u32 $0xE0, s18;
	s31 =	sor.u32 $0xF0, s18;
	v6 =	vor.u32 s22, v15;
	v7 =	vor.u32 s23, v15;
	v8 =	vor.u32 s24, v15;
	s5 =	sshrl.u32 s5, $0x3  }
0x10: {  	s3 =	smax.u32 s17, $0x1;
	s6 =	simm.s32 $0x80;
	v10 =	vor.u32 s25, v15;
	v11 =	vor.u32 s26, v15;
	v12 =	vor.u32 s28, v15;
	s4 =	sadd.s32 s4, s5  }
0x11: {  	v13 =	vor.u32 s29, v15;
	v14 =	vor.u32 s30, v15;
	v15 =	vor.u32 s31, v15;
	s5 =	simm.s32 $0x400;
	[dreg:$0x4] =	wrdreg s4;
	s4 =	simm.s32 $0x1  }
.LBB2_1:
0x12: {  	s7 =	rddreg [dreg:$0x3]  }
0x13: {  	[tilespmem:s2], [sflag:$0x1] =	stream.linear.gather [hbm4b:s7+s2], $0x80, $0x38;
	[tilespmem:$0x180] =	vst v63  }
0x14: {  	_ =	swait.ge [sflag:s4], $0x80  }
0x15: {  	[sflag:s4] =	ssyncset.done $0x0  }
0x16: {  	[sflag:s4] =	ssyncadd.s32 $0xFFFFFF80  }
0x17: {  	v19 =	vld [tilespmem:$0x0];
	_ =	sdelay $0x4  }
0x18: {  	(v2sf) =	vpush v19, $0x0  }
0x19: {  	(v2sf) =	vpush v19, $0x1  }
0x1a: {  	(v2sf) =	vpush v19, $0x2  }
0x1b: {  	(v2sf) =	vpush v19, $0x3  }
0x1c: {  	(v2sf) =	vpush v19, $0x4  }
0x1d: {  	(v2sf) =	vpush v19, $0x5;
	_ =	sdelay $0x1  }
0x1e: {  	(v2sf) =	vpush v19, $0x6;
	_ =	sdelay $0x1  }
0x1f: {  	(v2sf) =	vpush v19, $0x7  }
0x20: {  	(v2sf) =	vpush v19, $0x8;
	_ =	sdelay $0x1  }
0x21: {  	(v2sf) =	vpush v19, $0x9  }
0x22: {  	(v2sf) =	vpush v19, $0xA  }
0x23: {  	(v2sf) =	vpush v19, $0xB  }
0x24: {  	v18 =	vbroadcast v19, $0x0;
	(v2sf) =	vpush v19, $0xC;
	s28 =	spop (v2sf)  }
0x25: {  	(v2sf) =	vpush v19, $0xD;
	s8 =	spop (v2sf)  }
0x26: {  	vm0 =	vge.s32 v9, v18;
	(v2sf) =	vpush v19, $0xE;
	s9 =	spop (v2sf);
	s21 =	sadd.s32 s8, s28  }
0x27: {  	v20 =	vsel vm0, $0x2, v17;
	(v2sf) =	vpush v19, $0xF;
	v19 =	vsel vm0, $0x1, v16;
	s29 =	spop (v2sf);
	s8 =	sadd.s32 s9, s21  }
0x28: {  	vm1 =	vlt.s32 v9, s21;
	vm2 =	vlt.s32 v1, s21;
	s30 =	spop (v2sf);
	s7 =	sadd.s32 s29, s8;
	vm7 =	vge.s32 v9, s8  }
0x29: {  	v19 =	vsel vm1, v19, v20;
	s10 =	spop (v2sf);
	s9 =	sadd.s32 s30, s7;
	v37 =	vsel vm7, $0x1, v16;
	vm8 =	vge.s32 v9, s7  }
0x2a: {  	s10 =	sadd.s32 s10, s9;
	v19 =	vadd.s32 v37, v19;
	v38 =	vsel vm8, $0x1, v16;
	vm9 =	vge.s32 v9, s9  }
0x2b: {  	s11 =	spop (v2sf);
	v19 =	vadd.s32 v38, v19;
	v39 =	vsel vm9, $0x1, v16;
	vm10 =	vge.s32 v9, s10  }
0x2c: {  	s11 =	sadd.s32 s11, s10;
	vm9 =	vge.s32 v0, v18;
	v19 =	vadd.s32 v39, v19;
	v40 =	vsel vm10, $0x1, v16  }
0x2d: {  	s12 =	spop (v2sf);
	vm11 =	vge.s32 v9, s11;
	v50 =	vsel vm9, $0x1, v16;
	vm10 =	vlt.s32 v0, s21  }
0x2e: {  	s13 =	spop (v2sf);
	s12 =	sadd.s32 s12, s11;
	v21 =	vsel vm9, $0x2, v17;
	v19 =	vadd.s32 v40, v19;
	v41 =	vsel vm11, $0x1, v16  }
0x2f: {  	s13 =	sadd.s32 s13, s12;
	vm12 =	vge.s32 v9, s12;
	vm11 =	vge.s32 v0, s8;
	v20 =	vsel vm10, v50, v21  }
0x30: {  	s14 =	spop (v2sf);
	v19 =	vadd.s32 v41, v19;
	v42 =	vsel vm12, $0x1, v16;
	vm13 =	vge.s32 v9, s13  }
0x31: {  	s14 =	sadd.s32 s14, s13;
	v51 =	vsel vm11, $0x1, v16;
	vm12 =	vge.s32 v0, s7;
	v19 =	vadd.s32 v42, v19  }
0x32: {  	s15 =	spop (v2sf);
	v43 =	vsel vm13, $0x1, v16;
	vm14 =	vge.s32 v9, s14;
	v20 =	vadd.s32 v51, v20  }
0x33: {  	s15 =	sadd.s32 s15, s14;
	v52 =	vsel vm12, $0x1, v16;
	vm13 =	vge.s32 v0, s9;
	vm12 =	vge.s32 v1, v18  }
0x34: {  	v19 =	vadd.s32 v43, v19;
	v44 =	vsel vm14, $0x1, v16;
	vm15 =	vge.s32 v9, s15  }
0x35: {  	s16 =	spop (v2sf);
	v20 =	vadd.s32 v52, v20;
	v53 =	vsel vm13, $0x1, v16;
	vm14 =	vge.s32 v0, s10  }
0x36: {  	s16 =	sadd.s32 s16, s15;
	v24 =	vsel vm12, $0x1, v16;
	v22 =	vsel vm12, $0x2, v17;
	vm13 =	vge.s32 v1, s8  }
0x37: {  	v19 =	vadd.s32 v44, v19;
	v45 =	vsel vm15, $0x1, v16;
	vm4 =	vge.s32 v9, s16  }
0x38: {  	s17 =	spop (v2sf);
	v20 =	vadd.s32 v53, v20;
	v54 =	vsel vm14, $0x1, v16;
	vm15 =	vge.s32 v0, s11  }
0x39: {  	s17 =	sadd.s32 s17, s16;
	v21 =	vsel vm2, v24, v22;
	v25 =	vsel vm13, $0x1, v16;
	vm14 =	vge.s32 v1, s7  }
0x3a: {  	v19 =	vadd.s32 v45, v19;
	v46 =	vsel vm4, $0x1, v16;
	vm5 =	vge.s32 v9, s17  }
0x3b: {  	v20 =	vadd.s32 v54, v20;
	v55 =	vsel vm15, $0x1, v16;
	vm4 =	vge.s32 v0, s12  }
0x3c: {  	s18 =	spop (v2sf);
	vm9 =	vge.s32 v0, s17;
	v21 =	vadd.s32 v25, v21;
	v26 =	vsel vm14, $0x1, v16  }
0x3d: {  	s18 =	sadd.s32 s18, s17;
	vm15 =	vge.s32 v1, s9;
	vm14 =	vge.s32 v2, v18;
	v19 =	vadd.s32 v46, v19  }
0x3e: {  	v47 =	vsel vm5, $0x1, v16;
	vm6 =	vge.s32 v9, s18;
	v20 =	vadd.s32 v55, v20  }
0x3f: {  	v56 =	vsel vm4, $0x1, v16;
	vm5 =	vge.s32 v0, s13;
	v61 =	vsel vm9, $0x1, v16  }
0x40: {  	vm10 =	vge.s32 v0, s18;
	v21 =	vadd.s32 v26, v21;
	v27 =	vsel vm15, $0x1, v16  }
0x41: {  	vm4 =	vge.s32 v1, s10;
	vm9 =	vge.s32 v1, s15;
	vm12 =	vge.s32 v1, s18  }
0x42: {  	s19 =	spop (v2sf);
	v38 =	vsel vm14, $0x1, v16;
	vm15 =	vlt.s32 v2, s21;
	v23 =	vsel vm14, $0x2, v17  }
0x43: {  	s19 =	sadd.s32 s19, s18;
	vm14 =	vge.s32 v2, s17;
	v19 =	vadd.s32 v47, v19;
	v48 =	vsel vm6, $0x1, v16  }
0x44: {  	vm7 =	vge.s32 v9, s19;
	v20 =	vadd.s32 v56, v20;
	v57 =	vsel vm5, $0x1, v16  }
0x45: {  	vm6 =	vge.s32 v0, s14;
	v62 =	vsel vm10, $0x1, v16;
	vm11 =	vge.s32 v0, s19  }
0x46: {  	v21 =	vadd.s32 v27, v21;
	v28 =	vsel vm4, $0x1, v16;
	vm5 =	vge.s32 v1, s11  }
0x47: {  	v33 =	vsel vm9, $0x1, v16;
	vm10 =	vge.s32 v1, s16;
	v36 =	vsel vm12, $0x1, v16  }
0x48: {  	s20 =	spop (v2sf);
	vm13 =	vge.s32 v1, s19;
	vm4 =	vge.s32 v2, s8;
	v22 =	vsel vm15, v38, v23  }
0x49: {  	s20 =	sadd.s32 s20, s19;
	vm9 =	vge.s32 v2, s12;
	vm12 =	vge.s32 v2, s15;
	vm15 =	vge.s32 v2, s18  }
0x4a: {  	v19 =	vadd.s32 v48, v19;
	v49 =	vsel vm7, $0x1, v16;
	vm8 =	vlt.s32 v9, s20  }
0x4b: {  	v20 =	vadd.s32 v57, v20;
	v58 =	vsel vm6, $0x1, v16;
	vm7 =	vge.s32 v0, s15  }
0x4c: {  	v63 =	vsel vm11, $0x1, v16;
	vm0 =	vlt.s32 v0, s20;
	v21 =	vadd.s32 v28, v21  }
0x4d: {  	v29 =	vsel vm5, $0x1, v16;
	vm6 =	vge.s32 v1, s12;
	v34 =	vsel vm10, $0x1, v16  }
0x4e: {  	vm11 =	vge.s32 v1, s17;
	v37 =	vsel vm13, $0x1, v16;
	v39 =	vsel vm4, $0x1, v16  }
0x4f: {  	vm5 =	vge.s32 v2, s7;
	v44 =	vsel vm9, $0x1, v16;
	vm10 =	vge.s32 v2, s13  }
0x50: {  	v47 =	vsel vm12, $0x1, v16;
	vm13 =	vge.s32 v2, s16;
	v50 =	vsel vm15, $0x1, v16  }
0x51: {  	vm4 =	vge.s32 v2, s19;
	vm9 =	vge.s32 v3, s8;
	vm12 =	vge.s32 v3, s10  }
0x52: {  	vm15 =	vge.s32 v3, s13;
	v19 =	vadd.s32 v49, v19;
	v20 =	vadd.s32 v58, v20  }
0x53: {  	v59 =	vsel vm7, $0x1, v16;
	v21 =	vadd.s32 v29, v21;
	v30 =	vsel vm6, $0x1, v16  }
0x54: {  	vm7 =	vge.s32 v1, s13;
	v35 =	vsel vm11, $0x1, v16;
	v22 =	vadd.s32 v39, v22  }
0x55: {  	v40 =	vsel vm5, $0x1, v16;
	vm6 =	vge.s32 v2, s9;
	v45 =	vsel vm10, $0x1, v16  }
0x56: {  	vm11 =	vge.s32 v2, s14;
	v48 =	vsel vm13, $0x1, v16;
	v49 =	vsel vm14, $0x1, v16  }
0x57: {  	vm5 =	vlt.s32 v1, s20;
	v51 =	vsel vm4, $0x1, v16;
	v53 =	vsel vm9, $0x1, v16  }
0x58: {  	vm10 =	vge.s32 v3, s7;
	v56 =	vsel vm12, $0x1, v16;
	vm13 =	vge.s32 v3, s11  }
0x59: {  	vm14 =	vge.s32 v3, s12;
	vm4 =	vge.s32 v3, s14;
	vm9 =	vge.s32 v3, s19  }
0x5a: {  	vm12 =	vge.s32 v4, s8;
	v19 =	vnsel vm8, $0xFFFFFFFF, v19;
	vm8 =	vge.s32 v0, s16  }
0x5b: {  	v20 =	vadd.s32 v59, v20;
	v21 =	vadd.s32 v30, v21;
	v31 =	vsel vm7, $0x1, v16  }
0x5c: {  	v22 =	vadd.s32 v40, v22;
	v41 =	vsel vm6, $0x1, v16;
	vm7 =	vge.s32 v2, s10  }
0x5d: {  	v46 =	vsel vm11, $0x1, v16;
	vm6 =	vlt.s32 v2, s20;
	v54 =	vsel vm10, $0x1, v16  }
0x5e: {  	vm11 =	vge.s32 v3, s9;
	v57 =	vsel vm13, $0x1, v16;
	v58 =	vsel vm14, $0x1, v16  }
0x5f: {  	v59 =	vsel vm15, $0x1, v16;
	v29 =	vsel vm9, $0x1, v16;
	vm10 =	vge.s32 v4, v18  }
0x60: {  	vm13 =	vge.s32 v4, s7;
	vm14 =	vge.s32 v4, s9;
	vm15 =	vge.s32 v4, s10  }
0x61: {  	vm9 =	vge.s32 v4, s16;
	v60 =	vsel vm8, $0x1, v16;
	vm8 =	vge.s32 v1, s14  }
0x62: {  	v21 =	vadd.s32 v31, v21;
	v22 =	vadd.s32 v41, v22;
	v42 =	vsel vm7, $0x1, v16  }
0x63: {  	vm7 =	vge.s32 v3, v18;
	v55 =	vsel vm11, $0x1, v16;
	v30 =	vsel vm10, $0x1, v16  }
0x64: {  	vm11 =	vlt.s32 v4, s21;
	v25 =	vsel vm10, $0x2, v17;
	v31 =	vsel vm12, $0x1, v16  }
0x65: {  	v40 =	vsel vm9, $0x1, v16;
	vm10 =	vge.s32 v4, s17;
	vm12 =	vge.s32 v4, s19  }
0x66: {  	vm9 =	vge.s32 v5, s13;
	v20 =	vadd.s32 v60, v20;
	v32 =	vsel vm8, $0x1, v16  }
0x67: {  	vm8 =	vge.s32 v2, s11;
	v22 =	vadd.s32 v42, v22;
	v52 =	vsel vm7, $0x1, v16  }
0x68: {  	v24 =	vsel vm7, $0x2, v17;
	v60 =	vsel vm4, $0x1, v16;
	vm7 =	vge.s32 v3, s17  }
0x69: {  	vm4 =	vge.s32 v4, s11;
	v41 =	vsel vm10, $0x1, v16;
	vm10 =	vge.s32 v5, s14  }
0x6a: {  	v20 =	vadd.s32 v61, v20;
	v21 =	vadd.s32 v32, v21;
	v43 =	vsel vm8, $0x1, v16  }
0x6b: {  	vm8 =	vlt.s32 v3, s21;
	v32 =	vsel vm13, $0x1, v16;
	vm13 =	vge.s32 v5, v18  }
0x6c: {  	v20 =	vadd.s32 v62, v20;
	v21 =	vadd.s32 v33, v21;
	v22 =	vadd.s32 v43, v22  }
0x6d: {  	v33 =	vsel vm14, $0x1, v16;
	v43 =	vsel vm12, $0x1, v16;
	vm14 =	vlt.s32 v5, s21  }
0x6e: {  	v26 =	vsel vm13, $0x2, v17;
	vm12 =	vge.s32 v5, s16;
	v20 =	vadd.s32 v63, v20  }
0x6f: {  	v21 =	vadd.s32 v34, v21;
	v22 =	vadd.s32 v44, v22;
	v63 =	vsel vm7, $0x1, v16  }
0x70: {  	v34 =	vsel vm15, $0x1, v16;
	vm7 =	vge.s32 v4, s14;
	v44 =	vsel vm13, $0x1, v16  }
0x71: {  	vm15 =	vge.s32 v5, s8;
	vm13 =	vge.s32 v5, s17;
	v21 =	vadd.s32 v35, v21  }
0x72: {  	v20 =	vnsel vm0, $0xFFFFFFFF, v20;
	v22 =	vadd.s32 v45, v22;
	vm0 =	vlt.s32 v3, s20  }
0x73: {  	v35 =	vsel vm4, $0x1, v16;
	v38 =	vsel vm7, $0x1, v16;
	v22 =	vadd.s32 v46, v22  }
0x74: {  	v45 =	vsel vm15, $0x1, v16;
	vm4 =	vge.s32 v5, s7;
	v22 =	vadd.s32 v47, v22  }
0x75: {  	vm7 =	vge.s32 v5, s11;
	vm15 =	vge.s32 v5, s19;
	v22 =	vadd.s32 v48, v22  }
0x76: {  	v21 =	vadd.s32 v36, v21;
	v46 =	vsel vm4, $0x1, v16;
	v22 =	vadd.s32 v49, v22  }
0x77: {  	vm4 =	vlt.s32 v4, s20;
	v21 =	vadd.s32 v37, v21;
	v22 =	vadd.s32 v50, v22  }
0x78: {  	v49 =	vsel vm7, $0x1, v16;
	vm7 =	vlt.s32 v6, s21;
	v23 =	vadd.s32 v51, v22  }
0x79: {  	v22 =	vnsel vm5, $0xFFFFFFFF, v21;
	vm5 =	vge.s32 v3, s15;
	v51 =	vsel vm9, $0x1, v16  }
0x7a: {  	vm9 =	vge.s32 v6, s7;
	v21 =	vnsel vm6, $0xFFFFFFFF, v23;
	v23 =	vsel vm8, v52, v24  }
0x7b: {  	v61 =	vsel vm5, $0x1, v16;
	vm6 =	vge.s32 v3, s16;
	vm8 =	vge.s32 v3, s18  }
0x7c: {  	v24 =	vsel vm11, v30, v25;
	vm5 =	vge.s32 v4, s12;
	vm11 =	vge.s32 v4, s18  }
0x7d: {  	v25 =	vsel vm14, v44, v26;
	v52 =	vsel vm10, $0x1, v16;
	vm14 =	vge.s32 v5, s18  }
0x7e: {  	vm10 =	vge.s32 v6, s9;
	v23 =	vadd.s32 v53, v23;
	v62 =	vsel vm6, $0x1, v16  }
0x7f: {  	v28 =	vsel vm8, $0x1, v16;
	v24 =	vadd.s32 v31, v24;
	v36 =	vsel vm5, $0x1, v16  }
0x80: {  	vm6 =	vge.s32 v4, s13;
	vm8 =	vge.s32 v4, s15;
	v42 =	vsel vm11, $0x1, v16  }
0x81: {  	v25 =	vadd.s32 v45, v25;
	vm5 =	vge.s32 v5, s9;
	vm11 =	vge.s32 v5, s15  }
0x82: {  	v23 =	vadd.s32 v54, v23;
	v24 =	vadd.s32 v32, v24;
	v37 =	vsel vm6, $0x1, v16  }
0x83: {  	v39 =	vsel vm8, $0x1, v16;
	v25 =	vadd.s32 v46, v25;
	v47 =	vsel vm5, $0x1, v16  }
0x84: {  	vm6 =	vge.s32 v5, s10;
	vm8 =	vge.s32 v5, s12;
	v53 =	vsel vm11, $0x1, v16  }
0x85: {  	v54 =	vsel vm12, $0x1, v16;
	vm5 =	vlt.s32 v5, s20;
	vm11 =	vge.s32 v6, s10  }
0x86: {  	vm12 =	vge.s32 v6, s11;
	v23 =	vadd.s32 v55, v23;
	v24 =	vadd.s32 v33, v24  }
0x87: {  	v25 =	vadd.s32 v47, v25;
	v48 =	vsel vm6, $0x1, v16;
	v50 =	vsel vm8, $0x1, v16  }
0x88: {  	v55 =	vsel vm13, $0x1, v16;
	vm6 =	vge.s32 v6, v18;
	vm8 =	vge.s32 v6, s8  }
0x89: {  	vm13 =	vge.s32 v6, s12;
	v23 =	vadd.s32 v56, v23;
	v24 =	vadd.s32 v34, v24  }
0x8a: {  	v25 =	vadd.s32 v48, v25;
	v56 =	vsel vm14, $0x1, v16;
	v27 =	vsel vm6, $0x2, v17  }
0x8b: {  	v30 =	vsel vm13, $0x1, v16;
	vm14 =	vge.s32 v6, s13;
	vm13 =	vge.s32 v7, s9  }
0x8c: {  	v23 =	vadd.s32 v57, v23;
	v24 =	vadd.s32 v35, v24;
	v25 =	vadd.s32 v49, v25  }
0x8d: {  	v57 =	vsel vm15, $0x1, v16;
	v31 =	vsel vm14, $0x1, v16;
	vm15 =	vge.s32 v6, s14  }
0x8e: {  	vm14 =	vge.s32 v7, s10;
	v23 =	vadd.s32 v58, v23;
	v24 =	vadd.s32 v36, v24  }
0x8f: {  	v25 =	vadd.s32 v50, v25;
	v58 =	vsel vm6, $0x1, v16;
	v32 =	vsel vm15, $0x1, v16  }
0x90: {  	vm6 =	vge.s32 v6, s17;
	vm15 =	vge.s32 v7, s11;
	v23 =	vadd.s32 v59, v23  }
0x91: {  	v24 =	vadd.s32 v37, v24;
	v25 =	vadd.s32 v51, v25;
	v59 =	vsel vm8, $0x1, v16  }
0x92: {  	v35 =	vsel vm6, $0x1, v16;
	vm8 =	vge.s32 v6, s19;
	vm6 =	vge.s32 v7, s14  }
0x93: {  	v23 =	vadd.s32 v60, v23;
	v24 =	vadd.s32 v38, v24;
	v25 =	vadd.s32 v52, v25  }
0x94: {  	v60 =	vsel vm9, $0x1, v16;
	v37 =	vsel vm8, $0x1, v16;
	vm9 =	vge.s32 v7, v18  }
0x95: {  	v46 =	vsel vm6, $0x1, v16;
	vm8 =	vge.s32 v7, s16;
	vm6 =	vge.s32 v8, s11  }
0x96: {  	v23 =	vadd.s32 v61, v23;
	v24 =	vadd.s32 v39, v24;
	v25 =	vadd.s32 v53, v25  }
0x97: {  	v61 =	vsel vm10, $0x1, v16;
	v38 =	vsel vm9, $0x1, v16;
	vm10 =	vlt.s32 v7, s21  }
0x98: {  	v48 =	vsel vm8, $0x1, v16;
	vm8 =	vge.s32 v8, s13;
	v23 =	vadd.s32 v62, v23  }
0x99: {  	v24 =	vadd.s32 v40, v24;
	v25 =	vadd.s32 v54, v25;
	v62 =	vsel vm11, $0x1, v16  }
0x9a: {  	vm11 =	vge.s32 v7, s8;
	v23 =	vadd.s32 v63, v23;
	v24 =	vadd.s32 v41, v24  }
0x9b: {  	v25 =	vadd.s32 v55, v25;
	v63 =	vsel vm12, $0x1, v16;
	v39 =	vsel vm11, $0x1, v16  }
0x9c: {  	vm12 =	vge.s32 v7, s7;
	v41 =	vsel vm13, $0x1, v16;
	vm11 =	vge.s32 v7, s19  }
0x9d: {  	vm13 =	vlt.s32 v8, s21;
	v23 =	vadd.s32 v28, v23;
	v24 =	vadd.s32 v42, v24  }
0x9e: {  	v25 =	vadd.s32 v56, v25;
	v28 =	vsel vm9, $0x2, v17;
	v40 =	vsel vm12, $0x1, v16  }
0x9f: {  	v42 =	vsel vm14, $0x1, v16;
	vm9 =	vge.s32 v7, s17;
	v51 =	vsel vm11, $0x1, v16  }
0xa0: {  	vm12 =	vge.s32 v8, v18;
	vm14 =	vge.s32 v8, s8;
	vm11 =	vge.s32 v8, s16  }
0xa1: {  	v23 =	vadd.s32 v29, v23;
	v24 =	vadd.s32 v43, v24;
	v26 =	vadd.s32 v57, v25  }
0xa2: {  	v43 =	vsel vm15, $0x1, v16;
	v49 =	vsel vm9, $0x1, v16;
	v52 =	vsel vm12, $0x1, v16  }
0xa3: {  	v29 =	vsel vm12, $0x2, v17;
	v53 =	vsel vm14, $0x1, v16;
	vm15 =	vge.s32 v8, s7  }
0xa4: {  	v57 =	vsel vm6, $0x1, v16;
	vm9 =	vge.s32 v8, s14;
	vm12 =	vge.s32 v8, s17  }
0xa5: {  	vm14 =	vge.s32 v8, s19;
	vm6 =	vlt.s32 v10, s21;
	v23 =	vnsel vm0, $0xFFFFFFFF, v23  }
0xa6: {  	v25 =	vnsel vm4, $0xFFFFFFFF, v24;
	v24 =	vnsel vm5, $0xFFFFFFFF, v26;
	v26 =	vsel vm7, v58, v27  }
0xa7: {  	vm4 =	vge.s32 v6, s15;
	vm5 =	vge.s32 v6, s16;
	vm7 =	vge.s32 v6, s18  }
0xa8: {  	vm0 =	vlt.s32 v6, s20;
	v27 =	vsel vm10, v38, v28;
	vm10 =	vge.s32 v7, s18  }
0xa9: {  	v28 =	vsel vm13, v52, v29;
	v54 =	vsel vm15, $0x1, v16;
	vm13 =	vge.s32 v8, s18  }
0xaa: {  	vm15 =	vlt.s32 v7, s20;
	v26 =	vadd.s32 v59, v26;
	v33 =	vsel vm4, $0x1, v16  }
0xab: {  	v34 =	vsel vm5, $0x1, v16;
	v36 =	vsel vm7, $0x1, v16;
	v27 =	vadd.s32 v39, v27  }
0xac: {  	vm4 =	vge.s32 v7, s12;
	vm5 =	vge.s32 v7, s13;
	vm7 =	vge.s32 v7, s15  }
0xad: {  	v50 =	vsel vm10, $0x1, v16;
	v28 =	vadd.s32 v53, v28;
	v59 =	vsel vm8, $0x1, v16  }
0xae: {  	vm10 =	vge.s32 v8, s15;
	vm8 =	vge.s32 v10, s7;
	v26 =	vadd.s32 v60, v26  }
0xaf: {  	v27 =	vadd.s32 v40, v27;
	v44 =	vsel vm4, $0x1, v16;
	v45 =	vsel vm5, $0x1, v16  }
0xb0: {  	v47 =	vsel vm7, $0x1, v16;
	vm4 =	vge.s32 v8, s9;
	v28 =	vadd.s32 v54, v28  }
0xb1: {  	vm5 =	vge.s32 v8, s10;
	vm7 =	vge.s32 v8, s12;
	v60 =	vsel vm9, $0x1, v16  }
0xb2: {  	vm9 =	vge.s32 v10, s9;
	v26 =	vadd.s32 v61, v26;
	v27 =	vadd.s32 v41, v27  }
0xb3: {  	v55 =	vsel vm4, $0x1, v16;
	v56 =	vsel vm5, $0x1, v16;
	v58 =	vsel vm7, $0x1, v16  }
0xb4: {  	v61 =	vsel vm10, $0x1, v16;
	vm4 =	vlt.s32 v8, s20;
	vm5 =	vge.s32 v10, v18  }
0xb5: {  	vm7 =	vge.s32 v10, s8;
	vm10 =	vge.s32 v10, s10;
	v26 =	vadd.s32 v62, v26  }
0xb6: {  	v27 =	vadd.s32 v42, v27;
	v28 =	vadd.s32 v55, v28;
	v62 =	vsel vm11, $0x1, v16  }
0xb7: {  	v38 =	vsel vm10, $0x1, v16;
	vm11 =	vge.s32 v10, s11;
	vm10 =	vge.s32 v11, s8  }
0xb8: {  	v26 =	vadd.s32 v63, v26;
	v27 =	vadd.s32 v43, v27;
	v28 =	vadd.s32 v56, v28  }
0xb9: {  	v63 =	vsel vm12, $0x1, v16;
	v39 =	vsel vm11, $0x1, v16;
	vm12 =	vge.s32 v10, s12  }
0xba: {  	vm11 =	vge.s32 v11, s7;
	v26 =	vadd.s32 v30, v26;
	v27 =	vadd.s32 v44, v27  }
0xbb: {  	v28 =	vadd.s32 v57, v28;
	v30 =	vsel vm5, $0x2, v17;
	v40 =	vsel vm12, $0x1, v16  }
0xbc: {  	vm12 =	vge.s32 v11, s9;
	v26 =	vadd.s32 v31, v26;
	v27 =	vadd.s32 v45, v27  }
0xbd: {  	v28 =	vadd.s32 v58, v28;
	v26 =	vadd.s32 v32, v26;
	v27 =	vadd.s32 v46, v27  }
0xbe: {  	v28 =	vadd.s32 v59, v28;
	v32 =	vsel vm13, $0x1, v16;
	vm13 =	vge.s32 v10, s13  }
0xbf: {  	v26 =	vadd.s32 v33, v26;
	v27 =	vadd.s32 v47, v27;
	v28 =	vadd.s32 v60, v28  }
0xc0: {  	v33 =	vsel vm14, $0x1, v16;
	v41 =	vsel vm13, $0x1, v16;
	vm14 =	vge.s32 v10, s14  }
0xc1: {  	vm13 =	vge.s32 v11, s10;
	v26 =	vadd.s32 v34, v26;
	v27 =	vadd.s32 v48, v27  }
0xc2: {  	v28 =	vadd.s32 v61, v28;
	v34 =	vsel vm5, $0x1, v16;
	v42 =	vsel vm14, $0x1, v16  }
0xc3: {  	vm5 =	vge.s32 v10, s17;
	v52 =	vsel vm13, $0x1, v16;
	vm14 =	vge.s32 v11, s11  }
0xc4: {  	vm13 =	vge.s32 v12, s8;
	v26 =	vadd.s32 v35, v26;
	v27 =	vadd.s32 v49, v27  }
0xc5: {  	v28 =	vadd.s32 v62, v28;
	v35 =	vsel vm7, $0x1, v16;
	v45 =	vsel vm5, $0x1, v16  }
0xc6: {  	vm7 =	vge.s32 v10, s19;
	v49 =	vsel vm10, $0x1, v16;
	v53 =	vsel vm14, $0x1, v16  }
0xc7: {  	vm5 =	vge.s32 v11, s14;
	vm10 =	vge.s32 v11, s19;
	vm14 =	vge.s32 v12, s7  }
0xc8: {  	v26 =	vadd.s32 v36, v26;
	v27 =	vadd.s32 v50, v27;
	v28 =	vadd.s32 v63, v28  }
0xc9: {  	v36 =	vsel vm8, $0x1, v16;
	v47 =	vsel vm7, $0x1, v16;
	vm8 =	vge.s32 v11, v18  }
0xca: {  	v50 =	vsel vm11, $0x1, v16;
	v56 =	vsel vm5, $0x1, v16;
	vm7 =	vge.s32 v11, s16  }
0xcb: {  	v61 =	vsel vm10, $0x1, v16;
	vm11 =	vge.s32 v12, v18;
	vm5 =	vge.s32 v12, s11  }
0xcc: {  	vm10 =	vge.s32 v12, s16;
	v26 =	vadd.s32 v37, v26;
	v27 =	vadd.s32 v51, v27  }
0xcd: {  	v28 =	vadd.s32 v32, v28;
	v37 =	vsel vm9, $0x1, v16;
	v31 =	vsel vm8, $0x1, v16  }
0xce: {  	vm9 =	vlt.s32 v11, s21;
	v32 =	vsel vm8, $0x2, v17;
	v51 =	vsel vm12, $0x1, v16  }
0xcf: {  	v58 =	vsel vm7, $0x1, v16;
	vm8 =	vge.s32 v11, s17;
	v62 =	vsel vm11, $0x1, v16  }
0xd0: {  	vm12 =	vlt.s32 v12, s21;
	v63 =	vsel vm11, $0x2, v17;
	vm7 =	vge.s32 v12, s13  }
0xd1: {  	vm11 =	vge.s32 v12, s17;
	v26 =	vnsel vm0, $0xFFFFFFFF, v26;
	v29 =	vadd.s32 v33, v28  }
0xd2: {  	v28 =	vnsel vm15, $0xFFFFFFFF, v27;
	vm15 =	vge.s32 v10, s15;
	v48 =	vsel vm9, v31, v32  }
0xd3: {  	vm0 =	vlt.s32 v10, s20;
	v59 =	vsel vm8, $0x1, v16;
	vm9 =	vge.s32 v11, s18  }
0xd4: {  	v31 =	vsel vm12, v62, v63;
	vm8 =	vge.s32 v12, s14;
	vm12 =	vlt.s32 v11, s20  }
0xd5: {  	v27 =	vnsel vm4, $0xFFFFFFFF, v29;
	v29 =	vsel vm6, v34, v30;
	v43 =	vsel vm15, $0x1, v16  }
0xd6: {  	vm4 =	vge.s32 v10, s16;
	vm6 =	vge.s32 v10, s18;
	v30 =	vadd.s32 v49, v48  }
0xd7: {  	vm15 =	vge.s32 v11, s12;
	v60 =	vsel vm9, $0x1, v16;
	vm9 =	vge.s32 v12, s15  }
0xd8: {  	v29 =	vadd.s32 v35, v29;
	v44 =	vsel vm4, $0x1, v16;
	v46 =	vsel vm6, $0x1, v16  }
0xd9: {  	v30 =	vadd.s32 v50, v30;
	v54 =	vsel vm15, $0x1, v16;
	vm4 =	vge.s32 v11, s13  }
0xda: {  	vm6 =	vge.s32 v11, s15;
	vm15 =	vge.s32 v12, s9;
	v29 =	vadd.s32 v36, v29  }
0xdb: {  	v30 =	vadd.s32 v51, v30;
	v55 =	vsel vm4, $0x1, v16;
	v57 =	vsel vm6, $0x1, v16  }
0xdc: {  	v36 =	vsel vm13, $0x1, v16;
	vm4 =	vge.s32 v12, s10;
	vm6 =	vge.s32 v12, s12  }
0xdd: {  	vm13 =	vge.s32 v12, s18;
	v29 =	vadd.s32 v37, v29;
	v30 =	vadd.s32 v52, v30  }
0xde: {  	v31 =	vadd.s32 v36, v31;
	v37 =	vsel vm14, $0x1, v16;
	vm14 =	vge.s32 v12, s19  }
0xdf: {  	v29 =	vadd.s32 v38, v29;
	v30 =	vadd.s32 v53, v30;
	v31 =	vadd.s32 v37, v31  }
0xe0: {  	v38 =	vsel vm15, $0x1, v16;
	vm15 =	vge.s32 v13, v18;
	v48 =	vsel vm14, $0x1, v16  }
0xe1: {  	vm14 =	vge.s32 v13, s16;
	v29 =	vadd.s32 v39, v29;
	v30 =	vadd.s32 v54, v30  }
0xe2: {  	v31 =	vadd.s32 v38, v31;
	v39 =	vsel vm4, $0x1, v16;
	v33 =	vsel vm15, $0x1, v16  }
0xe3: {  	vm4 =	vlt.s32 v13, s21;
	v34 =	vsel vm15, $0x2, v17;
	vm15 =	vge.s32 v13, s17  }
0xe4: {  	v29 =	vadd.s32 v40, v29;
	v30 =	vadd.s32 v55, v30;
	v31 =	vadd.s32 v39, v31  }
0xe5: {  	v40 =	vsel vm5, $0x1, v16;
	vm5 =	vge.s32 v13, s8;
	v33 =	vsel vm4, v33, v34  }
0xe6: {  	vm4 =	vge.s32 v13, s18;
	v29 =	vadd.s32 v41, v29;
	v30 =	vadd.s32 v56, v30  }
0xe7: {  	v31 =	vadd.s32 v40, v31;
	v41 =	vsel vm6, $0x1, v16;
	v49 =	vsel vm5, $0x1, v16  }
0xe8: {  	vm6 =	vge.s32 v13, s7;
	vm5 =	vge.s32 v13, s19;
	v29 =	vadd.s32 v42, v29  }
0xe9: {  	v30 =	vadd.s32 v57, v30;
	v31 =	vadd.s32 v41, v31;
	v42 =	vsel vm7, $0x1, v16  }
0xea: {  	v33 =	vadd.s32 v49, v33;
	v50 =	vsel vm6, $0x1, v16;
	vm7 =	vge.s32 v13, s9  }
0xeb: {  	v62 =	vsel vm5, $0x1, v16;
	vm6 =	vlt.s32 v12, s20;
	vm5 =	vge.s32 v14, s12  }
0xec: {  	v29 =	vadd.s32 v43, v29;
	v30 =	vadd.s32 v58, v30;
	v31 =	vadd.s32 v42, v31  }
0xed: {  	v43 =	vsel vm8, $0x1, v16;
	v33 =	vadd.s32 v50, v33;
	v51 =	vsel vm7, $0x1, v16  }
0xee: {  	vm8 =	vge.s32 v13, s10;
	v58 =	vsel vm14, $0x1, v16;
	vm7 =	vge.s32 v14, v18  }
0xef: {  	vm14 =	vge.s32 v14, s9;
	v29 =	vadd.s32 v44, v29;
	v30 =	vadd.s32 v59, v30  }
0xf0: {  	v31 =	vadd.s32 v43, v31;
	v44 =	vsel vm9, $0x1, v16;
	v33 =	vadd.s32 v51, v33  }
0xf1: {  	v52 =	vsel vm8, $0x1, v16;
	vm9 =	vge.s32 v13, s11;
	v59 =	vsel vm15, $0x1, v16  }
0xf2: {  	v63 =	vsel vm7, $0x1, v16;
	v36 =	vsel vm7, $0x2, v17;
	vm8 =	vlt.s32 v14, s21  }
0xf3: {  	v40 =	vsel vm14, $0x1, v16;
	vm15 =	vge.s32 v14, s10;
	v43 =	vsel vm5, $0x1, v16  }
0xf4: {  	vm7 =	vge.s32 v14, s14;
	vm14 =	vge.s32 v15, s7;
	vm5 =	vge.s32 v15, s11  }
0xf5: {  	v29 =	vadd.s32 v45, v29;
	v30 =	vadd.s32 v60, v30;
	v31 =	vadd.s32 v44, v31  }
0xf6: {  	v45 =	vsel vm10, $0x1, v16;
	v33 =	vadd.s32 v52, v33;
	v53 =	vsel vm9, $0x1, v16  }
0xf7: {  	vm10 =	vge.s32 v13, s12;
	v60 =	vsel vm4, $0x1, v16;
	vm9 =	vge.s32 v15, v18  }
0xf8: {  	v41 =	vsel vm15, $0x1, v16;
	vm4 =	vge.s32 v14, s11;
	v52 =	vsel vm14, $0x1, v16  }
0xf9: {  	vm15 =	vge.s32 v15, s9;
	v29 =	vadd.s32 v46, v29;
	v30 =	vadd.s32 v61, v30  }
0xfa: {  	v31 =	vadd.s32 v45, v31;
	v46 =	vsel vm11, $0x1, v16;
	v33 =	vadd.s32 v53, v33  }
0xfb: {  	v54 =	vsel vm10, $0x1, v16;
	vm11 =	vge.s32 v13, s13;
	v18 =	vsel vm9, $0x1, v16  }
0xfc: {  	vm10 =	vlt.s32 v15, s21;
	v37 =	vsel vm9, $0x2, v17;
	v42 =	vsel vm4, $0x1, v16  }
0xfd: {  	v45 =	vsel vm7, $0x1, v16;
	vm9 =	vge.s32 v14, s16;
	v53 =	vsel vm15, $0x1, v16  }
0xfe: {  	vm4 =	vge.s32 v15, s10;
	vm7 =	vge.s32 v15, s13;
	v29 =	vadd.s32 v47, v29  }
0xff: {  	v30 =	vnsel vm12, $0xFFFFFFFF, v30;
	v31 =	vadd.s32 v46, v31;
	v47 =	vsel vm13, $0x1, v16  }
0x100: {  	v33 =	vadd.s32 v54, v33;
	v55 =	vsel vm11, $0x1, v16;
	vm12 =	vge.s32 v13, s14  }
0x101: {  	vm13 =	vge.s32 v13, s15;
	v18 =	vsel vm10, v18, v37;
	vm11 =	vlt.s32 v13, s20  }
0x102: {  	vm10 =	vge.s32 v14, s17;
	v54 =	vsel vm4, $0x1, v16;
	v29 =	vnsel vm0, $0xFFFFFFFF, v29  }
0x103: {  	v31 =	vadd.s32 v47, v31;
	v33 =	vadd.s32 v55, v33;
	v56 =	vsel vm12, $0x1, v16  }
0x104: {  	v57 =	vsel vm13, $0x1, v16;
	vm12 =	vge.s32 v14, s8;
	vm13 =	vge.s32 v14, s7  }
0x105: {  	v47 =	vsel vm9, $0x1, v16;
	v55 =	vsel vm5, $0x1, v16;
	vm9 =	vge.s32 v15, s15  }
0x106: {  	v33 =	vadd.s32 v56, v33;
	v31 =	vadd.s32 v48, v31;
	v38 =	vsel vm12, $0x1, v16  }
0x107: {  	v39 =	vsel vm13, $0x1, v16;
	v48 =	vsel vm10, $0x1, v16;
	vm12 =	vge.s32 v14, s19  }
0x108: {  	vm13 =	vge.s32 v15, s8;
	vm10 =	vge.s32 v15, s16;
	v33 =	vadd.s32 v57, v33  }
0x109: {  	v31 =	vnsel vm6, $0xFFFFFFFF, v31;
	vm6 =	vge.s32 v14, s13;
	v50 =	vsel vm12, $0x1, v16  }
0x10a: {  	v51 =	vsel vm13, $0x1, v16;
	v57 =	vsel vm7, $0x1, v16;
	vm12 =	vge.s32 v15, s18  }
0x10b: {  	vm13 =	vge.s32 v15, s19;
	v33 =	vadd.s32 v58, v33;
	v44 =	vsel vm6, $0x1, v16  }
0x10c: {  	v18 =	vadd.s32 v51, v18;
	vm6 =	vge.s32 v15, s12;
	v33 =	vadd.s32 v59, v33  }
0x10d: {  	v18 =	vadd.s32 v52, v18;
	v56 =	vsel vm6, $0x1, v16;
	v59 =	vsel vm9, $0x1, v16  }
0x10e: {  	[tilespmem:$0x80] =	vst v19;
	v61 =	vadd.s32 v60, v33;
	v33 =	vsel vm8, v63, v36;
	vm8 =	vge.s32 v14, s15  }
0x10f: {  	[tilespmem:$0x90] =	vst v20;
	v18 =	vadd.s32 v53, v18;
	v60 =	vsel vm10, $0x1, v16;
	v33 =	vadd.s32 v38, v33  }
0x110: {  	[tilespmem:$0xA0] =	vst v22;
	v32 =	vadd.s32 v62, v61;
	v46 =	vsel vm8, $0x1, v16;
	v33 =	vadd.s32 v39, v33  }
0x111: {  	[tilespmem:$0xB0] =	vst v21;
	v18 =	vadd.s32 v54, v18;
	vm8 =	vge.s32 v15, s14;
	v33 =	vadd.s32 v40, v33  }
0x112: {  	[tilespmem:$0xC0] =	vst v23;
	v32 =	vnsel vm11, $0xFFFFFFFF, v32;
	v18 =	vadd.s32 v55, v18;
	v33 =	vadd.s32 v41, v33  }
0x113: {  	[tilespmem:$0xD0] =	vst v25;
	vm11 =	vge.s32 v14, s18;
	v18 =	vadd.s32 v56, v18;
	v33 =	vadd.s32 v42, v33  }
0x114: {  	[tilespmem:$0xE0] =	vst v24;
	v58 =	vsel vm8, $0x1, v16;
	v18 =	vadd.s32 v57, v18;
	v33 =	vadd.s32 v43, v33  }
0x115: {  	[tilespmem:$0xF0] =	vst v26;
	v49 =	vsel vm11, $0x1, v16;
	v18 =	vadd.s32 v58, v18;
	v33 =	vadd.s32 v44, v33  }
0x116: {  	[tilespmem:$0x100] =	vst v28;
	vm11 =	vge.s32 v15, s17;
	v18 =	vadd.s32 v59, v18;
	v33 =	vadd.s32 v45, v33  }
0x117: {  	[tilespmem:$0x110] =	vst v27;
	v61 =	vsel vm11, $0x1, v16;
	v18 =	vadd.s32 v60, v18;
	v33 =	vadd.s32 v46, v33  }
0x118: {  	[tilespmem:$0x130] =	vst v30;
	v62 =	vsel vm12, $0x1, v16;
	v18 =	vadd.s32 v61, v18;
	v33 =	vadd.s32 v47, v33  }
0x119: {  	[tilespmem:$0x120] =	vst v29;
	v63 =	vsel vm13, $0x1, v16;
	v18 =	vadd.s32 v62, v18;
	v33 =	vadd.s32 v48, v33  }
0x11a: {  	vm15 =	vlt.s32 v15, s20;
	[tilespmem:$0x140] =	vst v31;
	v18 =	vadd.s32 v63, v18;
	v33 =	vadd.s32 v49, v33  }
0x11b: {  	vm14 =	vlt.s32 v14, s20;
	[tilespmem:$0x150] =	vst v32;
	v18 =	vnsel vm15, $0xFFFFFFFF, v18;
	v19 =	vadd.s32 v50, v33  }
0x11c: {  	p0 =	sne.s32 s3, $0x1;
	[tilespmem:$0x170] =	vst v18;
	v19 =	vnsel vm14, $0xFFFFFFFF, v19  }
.Ltmp0:
0x11d: {  	s31 =	rddreg [dreg:$0x4];
	[tilespmem:$0x160] =	vst v19;
	(pc) =	sbr.rel @p0 .LBB2_1-.Ltmp0, $4  }
0x11e: {  	[hbm4b:s31+s6] =	stream.strided.scatter [tilespmem:s6], [sflag:$0x1], $0x100, s5, s6, $0x38;
	[tilespmem:$0x180] =	vst v63  }
0x11f: {  	_ =	swait.ge [sflag:s4], $0x100  }
0x120: {  	[sflag:s4] =	ssyncset.done $0x0  }
0x121: {  	s3 =	sadd.s32 $0xFFFFFFFF, s3;
	[sflag:s4] =	ssyncadd.s32 $0xFFFFFF00  }
0x122: {  	_ =	sfence.sel $0x180000  }
0x123: {  	[bflag:$0x0] =	sbarrier.arrive $0xFFFF  }
0x124: {  	p0 =	sne.s32 s1, $0x0;
	_ =	strace $0x90000047  }
0x125: {  	s0 =	sadd.s32 @!p0 $0x100000, s0;
	[bflag:$0x2] =	sbarrier.arrive $0xFFFF  }
0x126: {  	[sflag:s0] =	ssyncadd.tile.s32 @!p0 $0x1;
	_ =	shalt  }
.Lfunc_end2:
_tile_overlayer_lowered:
.L_overlay_start_2:
0x127: {  	(tag) =	ssettag $0x2  }
0x128: {  	s0 =	rddreg [dreg:$0x0];
	s2 =	stileid.u32  }
0x129: {  	s1 =	rddreg [dreg:$0x1];
	p0 =	sne.s32 s2, $0x0  }
0x12a: {  	s3 =	rddreg [dreg:$0x2];
	[bflag:$0x3] =	sbarrier.arrive $0xFFFF;
	s2 =	simm.s32 @!p0 $0x1C01  }
0x12b: {  	[timem:s3], [sflag:s2] =	dma.local @!p0 [hbm:s0], s1  }
0x12c: {  	s0 =	simm.s32 @!p0 $0x1  }
0x12d: {  	_ =	swait.ge @!p0 [sflag:s0], s1  }
0x12e: {  	s1 =	ssub.s32 @!p0 $0x0, s1;
	[sflag:s0] =	ssyncset.done @!p0 $0x0  }
0x12f: {  	[sflag:s0] =	ssyncadd.s32 @!p0 s1  }
0x130: {  	[bflag:$0x3] =	sbarrier.arrive $0xFFFF  }
0x131: {  	_ =	shalt  }

</sc_bundles>
